<compile_context>
chip_gen: v7x
topology: tpu7x:2x2x1
jax: 0.10.2.dev20260603
libtpu: 0.0.44.dev20260713+nightly
codegen_flags: <defaults>
</compile_context>

<pallas_src>
import functools

import jax
import jax.numpy as jnp
from jax import lax
from jax.experimental import pallas as pl
from jax.experimental.pallas import tpu as pltpu
from jax.experimental.pallas import tpu_sc as plsc

B = 1024
P = 128
O = 128
G = 128
K = 4
NW = G + K
H = 2.0 / G

NC = 2
NS = 16
BSC = 128
BTC = B - BSC
NPC = 32
NBC = 1
PB = P // NPC
BB = BSC // NBC
RB = max(PB, 8)
LANES = 16
NBUF = 4
WSTRIDE = 136
PCHUNK = 32


def _basis_math(x):
    i = jnp.clip(3 + jnp.floor((x + 1.0) * (1.0 / H)).astype(jnp.int32), 3, 130)

    def tval(m):
        return jnp.clip(-1.0 + (m.astype(jnp.float32) - 3.0) * H, -1.0, 1.0)

    basis = [jnp.ones_like(x)]
    left, right = [], []
    for j in range(1, K):
        left.append(x - tval(i + (1 - j)))
        right.append(tval(i + j) - x)
        saved = jnp.zeros_like(x)
        new_basis = []
        for r in range(j):
            temp = basis[r] / (right[r] + left[j - 1 - r])
            new_basis.append(saved + right[r] * temp)
            saved = left[j - 1 - r] * temp
        new_basis.append(saved)
        basis = new_basis
    return i, basis


def _basis_body(xt_ref, r0_ref, n_ref):
    i, basis = _basis_math(xt_ref[...][:, 0:BSC])
    r0_ref[...] = i - 3
    for j in range(K):
        n_ref[j] = basis[j]


def _basis(xt):
    return pl.pallas_call(
        _basis_body,
        out_shape=(
            jax.ShapeDtypeStruct((P, BSC), jnp.int32),
            jax.ShapeDtypeStruct((K, P, BSC), jnp.float32),
        ),
    )(xt)


def _tc_spline_body(xt_ref, wf_ref, yt_ref, at_scr):
    pstep = pl.program_id(0)

    @pl.when(pstep == 0)
    def _():
        yt_ref[...] = jnp.zeros_like(yt_ref)

    xblk = xt_ref[...][:, BSC:B]
    i, basis = _basis_math(xblk)
    g = jax.lax.broadcasted_iota(jnp.int32, (WSTRIDE, BTC), 0)
    for pp in range(PCHUNK):
        d = g - (i[pp:pp + 1, :] - 3)
        a = jnp.where(d == 0, basis[0][pp:pp + 1, :], 0.0)
        a = jnp.where(d == 1, basis[1][pp:pp + 1, :], a)
        a = jnp.where(d == 2, basis[2][pp:pp + 1, :], a)
        a = jnp.where(d == 3, basis[3][pp:pp + 1, :], a)
        at_scr[pp * WSTRIDE:(pp + 1) * WSTRIDE, :] = a
    yt_ref[...] += jax.lax.dot_general(
        wf_ref[...], at_scr[...],
        (((0,), (0,)), ((), ())),
        preferred_element_type=jnp.float32,
    )


def _tc_spline(xtc_t, w_flat):
    return pl.pallas_call(
        _tc_spline_body,
        grid=(P // PCHUNK,),
        in_specs=[
            pl.BlockSpec((PCHUNK, B), lambda j: (j, 0)),
            pl.BlockSpec((PCHUNK * WSTRIDE, O), lambda j: (j, 0)),
        ],
        out_specs=pl.BlockSpec((O, BTC), lambda j: (0, 0)),
        out_shape=jax.ShapeDtypeStruct((O, BTC), jnp.float32),
        scratch_shapes=[pltpu.VMEM((PCHUNK * WSTRIDE, BTC), jnp.float32)],
    )(xtc_t, w_flat)


def _sc_body(wp_hbm, r0_hbm, n_hbm, out_hbm, wbuf, r0v, nv, acc, wsem):
    wid = lax.axis_index("c") * NS + lax.axis_index("s")
    pc = lax.div(wid, NBC)
    bc = lax.rem(wid, NBC)
    p0 = pc * PB
    b0 = bc * BB

    pal = lax.div(p0, RB) * RB
    off = p0 - pal
    pltpu.sync_copy(r0_hbm.at[pl.ds(pal, RB), pl.ds(b0, BB)],
                    r0v.at[:, pl.ds(0, BB)])
    for j in range(K):
        pltpu.sync_copy(n_hbm.at[j, pl.ds(pal, RB), pl.ds(b0, BB)],
                        nv.at[j, :, pl.ds(0, BB)])

    def zero_body(bb, carry):
        for c8 in range(O // LANES):
            acc[bb, pl.ds(c8 * LANES, LANES)] = jnp.zeros((LANES,), jnp.float32)
        return carry

    lax.fori_loop(0, BB, zero_body, 0)

    def wcopy(pp, k):
        return pltpu.make_async_copy(
            wp_hbm.at[p0 + pp],
            wbuf.at[pl.ds(k * WSTRIDE, WSTRIDE)],
            wsem.at[k],
        )

    for pp in range(NBUF - 1):
        wcopy(pp, pp).start()

    def p_body(pp, carry):
        k = lax.rem(pp, NBUF)

        @pl.when(pp + (NBUF - 1) < PB)
        def _():
            nxt = pp + (NBUF - 1)
            wcopy(nxt, lax.rem(nxt, NBUF)).start()

        wcopy(pp, k).wait()
        base_k = k * WSTRIDE

        ppo = off + pp

        @plsc.parallel_loop(0, BB, 1)
        def b_body(bb):
            slb = pl.ds(bb, LANES)
            r = base_k + r0v[ppo, slb][0]
            n0 = jnp.full((LANES,), nv[0, ppo, slb][0], jnp.float32)
            n1 = jnp.full((LANES,), nv[1, ppo, slb][0], jnp.float32)
            n2 = jnp.full((LANES,), nv[2, ppo, slb][0], jnp.float32)
            n3 = jnp.full((LANES,), nv[3, ppo, slb][0], jnp.float32)
            for c8 in range(O // LANES):
                sl = pl.ds(c8 * LANES, LANES)
                v = (wbuf[r, sl] * n0 + wbuf[r + 1, sl] * n1
                     + wbuf[r + 2, sl] * n2 + wbuf[r + 3, sl] * n3)
                plsc.addupdate(acc.at[bb, sl], v)
        return carry

    lax.fori_loop(0, PB, p_body, 0)
    pltpu.sync_copy(acc, out_hbm.at[pc, pl.ds(b0, BB), :])


@functools.lru_cache(maxsize=None)
def _get_sc_spline():
    mesh = plsc.VectorSubcoreMesh(core_axis_name="c", subcore_axis_name="s")
    return pl.kernel(
        _sc_body,
        out_type=jax.ShapeDtypeStruct((NPC, BSC, O), jnp.float32),
        mesh=mesh,
        compiler_params=pltpu.CompilerParams(needs_layout_passes=False),
        scratch_types=[
            pltpu.VMEM((NBUF * WSTRIDE, O), jnp.float32),
            pltpu.VMEM((RB, BB + LANES), jnp.int32),
            pltpu.VMEM((K, RB, BB + LANES), jnp.float32),
            pltpu.VMEM((BB, O), jnp.float32),
            pltpu.SemaphoreType.DMA((NBUF,)),
        ],
    )


def _final_body(x_ref, w131_ref, part_ref, ytc_ref, y_ref):
    x = x_ref[...]
    sx = x * (1.0 / (1.0 + jnp.exp(-x)))
    ysilu = jnp.dot(
        sx, w131_ref[...],
        precision=jax.lax.Precision.HIGHEST,
        preferred_element_type=jnp.float32,
    )
    y = part_ref[0] + part_ref[1]
    for j in range(2, NPC):
        y = y + part_ref[j]
    y_ref[0:BSC, :] = y + ysilu[0:BSC, :]
    y_ref[BSC:B, :] = ytc_ref[...] + ysilu[BSC:B, :]


def _final(x, w131, part, y_tc):
    return pl.pallas_call(
        _final_body,
        out_shape=jax.ShapeDtypeStruct((B, O), jnp.float32),
    )(x, w131, part, y_tc)


def kernel(x, w, t):
    del t
    xt = x.T
    w_perm = jnp.pad(jnp.transpose(w, (1, 0, 2)),
                     ((0, 0), (0, WSTRIDE - NW), (0, 0)))
    w_flat = w_perm.reshape(P * WSTRIDE, O)
    w131 = w[NW - 1]
    r0, n = _basis(xt)
    part = _get_sc_spline()(w_perm, r0, n)
    y_tc = _tc_spline(xt, w_flat).T
    return _final(x, w131, part, y_tc)

# --- scband reference (transcript-rebuilt; emitter-appended) ---
"""Pipeline reference for scband-flash-kan-56676388438745 (READ-ONLY COPY).

The authoritative reference and input builder live on the scoring server;
editing this copy changes nothing except your own understanding.
"""

import jax, jax.numpy as jnp
import numpy as np

IN_DIM = 128
OUT_DIM = 128
G = 128
K = 4
T0 = -1.0
T1 = 1.0
BATCH = 1024


def make_knots():
    t = np.linspace(T0, T1, G + 1)
    t = np.concatenate([np.full(K - 1, T0), t, np.full(K - 1, T1)])
    return jnp.asarray(t, dtype=jnp.float32)


def bspline_basis(x, t):
    # Cox-de Boor: returns indices and values of the K nonzero order-K
    # B-spline basis functions at each element of x. (evaluate_all equivalent)
    n_knots = t.shape[0]
    i = jnp.searchsorted(t, x, side='right') - 1
    i = jnp.clip(i, K - 1, n_knots - K - 1)
    N = [jnp.ones_like(x)]
    left = []
    right = []
    for j in range(1, K):
        left.append(x - t[i + 1 - j])
        right.append(t[i + j] - x)
        saved = jnp.zeros_like(x)
        newN = []
        for r in range(j):
            temp = N[r] / (right[r] + left[j - 1 - r])
            newN.append(saved + right[r] * temp)
            saved = left[j - 1 - r] * temp
        newN.append(saved)
        N = newN
    idx = [i - (K - 1) + m for m in range(K)]
    return idx, N


def setup_inputs(seed: int = 0):
    key = jax.random.key(seed)
    k1, k2 = jax.random.split(key)
    x = jax.random.normal(k1, (BATCH, IN_DIM), dtype=jnp.float32)
    # xavier_normal_ on [G+K, in, out] (torch fan convention for 3D tensors)
    fan_in = IN_DIM * OUT_DIM
    fan_out = (G + K) * OUT_DIM
    std = float(np.sqrt(2.0 / (fan_in + fan_out)))
    w = jax.random.normal(k2, (G + K, IN_DIM, OUT_DIM), dtype=jnp.float32) * std
    t = make_knots()
    return {"x": x, "w": w, "t": t}


def reference(x, w, t):
    idx, vals = bspline_basis(x, t)
    last = jnp.full_like(idx[0], w.shape[0] - 1)  # extra row of w used for act(x)
    slice1 = jnp.stack(idx + [last], axis=2)                 # [B, in, K+1]
    y2 = jnp.stack(vals + [jax.nn.silu(x)], axis=2)          # [B, in, K+1]
    p_idx = jnp.arange(IN_DIM)[None, :, None]
    w2 = w[slice1, p_idx, :]                                 # [B, in, K+1, out] gather
    return jnp.einsum('bps,bpso->bo', y2, w2)                # sum over in and basis dims

if __name__ == "__main__":
    import jax
    _d = setup_inputs()
    print(jax.jit(kernel)(*tuple(_d.values())))

</pallas_src>

<mosaic_0001>
#map = affine_map<(d0, d1) -> (0, 0, 0)>
#map1 = affine_map<(d0, d1) -> (0, 0)>
module attributes {stable_mosaic.version = 14 : i64} {
  func.func @_sc_body(%arg0: i32, %arg1: i32, %arg2: memref<128x136x128xf32, #tpu.memory_space<hbm>>, %arg3: memref<128x128xi32, #tpu.memory_space<hbm>>, %arg4: memref<4x128x128xf32, #tpu.memory_space<hbm>>, %arg5: memref<32x128x128xf32, #tpu.memory_space<hbm>>, %arg6: memref<544x128xf32, #tpu.memory_space<vmem>>, %arg7: memref<8x144xi32, #tpu.memory_space<vmem>>, %arg8: memref<4x8x144xf32, #tpu.memory_space<vmem>>, %arg9: memref<128x128xf32, #tpu.memory_space<vmem>>, %arg10: memref<4x!tpu.dma_semaphore, #tpu.memory_space<semaphore_mem>>) attributes {dimension_semantics = [#tpu.dimension_semantics<core_parallel>, #tpu.dimension_semantics<subcore_parallel>], iteration_bounds = array<i64: 2, 16>, scalar_prefetch = 0 : i64, scratch_operands = 5 : i64, tpu.core_type = #tpu.core_type<sc_vector_subcore>, window_params = [{transform_indices = #map}, {transform_indices = #map1}, {transform_indices = #map}, {transform_indices = #map}]} {
    %mul3A = arith.constant 16 : i32
    %mul3A_0 = arith.muli %arg0, %mul3A : i32
    %add3A = arith.addi %mul3A_0, %arg1 : i32
    %div3A = arith.constant 1 : i32
    %div3A_1 = arith.divsi %add3A, %div3A : i32
    %rem3A = arith.constant 1 : i32
    %rem3A_2 = arith.remsi %add3A, %rem3A : i32
    %mul3A_3 = arith.constant 4 : i32
    %mul3A_4 = arith.muli %div3A_1, %mul3A_3 : i32
    %mul3A_5 = arith.constant 128 : i32
    %mul3A_6 = arith.muli %rem3A_2, %mul3A_5 : i32
    %div3A_7 = arith.constant 8 : i32
    %div3A_8 = arith.divsi %mul3A_4, %div3A_7 : i32
    %mul3A_9 = arith.constant 8 : i32
    %mul3A_10 = arith.muli %div3A_8, %mul3A_9 : i32
    %sub3A = arith.subi %mul3A_4, %mul3A_10 : i32
    "tpu.region"() ({
      %run_scoped3A_85 = tpu.sem_alloc : memref<!tpu.dma_semaphore, #tpu.memory_space<semaphore_mem>>
      %dma_start3A_86 = arith.constant 0 : i32
      %dma_start3A_87 = arith.constant 0 : i32
      %dma_start3A_88 = tpu.memref_slice %arg7[%dma_start3A_86, %dma_start3A_87] : memref<8x144xi32, #tpu.memory_space<vmem>> -> memref<8x128xi32, #tpu.memory_space<vmem>>
      %dma_start3A_89 = tpu.memref_slice %arg3[%mul3A_10, %mul3A_6] : memref<128x128xi32, #tpu.memory_space<hbm>> -> memref<8x128xi32, #tpu.memory_space<hbm>>
      %dma_start3A_90 = arith.constant 0 : i32
      %dma_start3A_91 = arith.constant 0 : i32
      %dma_start3A_92 = tpu.memref_slice %arg7[%dma_start3A_90, %dma_start3A_91] : memref<8x144xi32, #tpu.memory_space<vmem>> -> memref<8x128xi32, #tpu.memory_space<vmem>>
      %dma_start3A_93 = tpu.memref_slice %arg3[%mul3A_10, %mul3A_6] : memref<128x128xi32, #tpu.memory_space<hbm>> -> memref<8x128xi32, #tpu.memory_space<hbm>>
      tpu.enqueue_dma source(%dma_start3A_93 : memref<8x128xi32, #tpu.memory_space<hbm>>) target(%dma_start3A_92 : memref<8x128xi32, #tpu.memory_space<vmem>>) target_semaphore(%run_scoped3A_85 : memref<!tpu.dma_semaphore, #tpu.memory_space<semaphore_mem>>)
      %dma_wait3A = arith.constant 0 : i32
      %dma_wait3A_94 = arith.constant 0 : i32
      %dma_wait3A_95 = tpu.memref_slice %arg7[%dma_wait3A, %dma_wait3A_94] : memref<8x144xi32, #tpu.memory_space<vmem>> -> memref<8x128xi32, #tpu.memory_space<vmem>>
      %dma_wait3A_96 = tpu.memref_slice %arg3[%mul3A_10, %mul3A_6] : memref<128x128xi32, #tpu.memory_space<hbm>> -> memref<8x128xi32, #tpu.memory_space<hbm>>
      %dma_wait3A_97 = arith.constant 0 : i32
      %dma_wait3A_98 = arith.constant 0 : i32
      %dma_wait3A_99 = tpu.memref_slice %arg7[%dma_wait3A_97, %dma_wait3A_98] : memref<8x144xi32, #tpu.memory_space<vmem>> -> memref<8x128xi32, #tpu.memory_space<vmem>>
      %dma_wait3A_100 = tpu.memref_slice %arg3[%mul3A_10, %mul3A_6] : memref<128x128xi32, #tpu.memory_space<hbm>> -> memref<8x128xi32, #tpu.memory_space<hbm>>
      tpu.wait_dma2 semaphore(%run_scoped3A_85 : memref<!tpu.dma_semaphore, #tpu.memory_space<semaphore_mem>>) src(%dma_wait3A_100 : memref<8x128xi32, #tpu.memory_space<hbm>>) dst(%dma_wait3A_99 : memref<8x128xi32, #tpu.memory_space<vmem>>)
      tpu.yield
    }) : () -> ()
    %run_scoped3A = arith.constant 0 : i32
    %run_scoped3A_11 = arith.constant 0 : i32
    "tpu.region"() ({
      %run_scoped3A_85 = tpu.sem_alloc : memref<!tpu.dma_semaphore, #tpu.memory_space<semaphore_mem>>
      %dma_start3A_86 = arith.constant 0 : i32
      %dma_start3A_87 = arith.constant 0 : i32
      %dma_start3A_88 = tpu.memref_slice %arg8[%run_scoped3A_11, %dma_start3A_86, %dma_start3A_87] : memref<4x8x144xf32, #tpu.memory_space<vmem>> -> memref<1x8x128xf32, #tpu.memory_space<vmem>>
      %dma_start3A_89 = tpu.memref_squeeze %dma_start3A_88 : memref<1x8x128xf32, #tpu.memory_space<vmem>> -> memref<8x128xf32, #tpu.memory_space<vmem>>
      %dma_start3A_90 = tpu.memref_slice %arg4[%run_scoped3A, %mul3A_10, %mul3A_6] : memref<4x128x128xf32, #tpu.memory_space<hbm>> -> memref<1x8x128xf32, #tpu.memory_space<hbm>>
      %dma_start3A_91 = tpu.memref_squeeze %dma_start3A_90 : memref<1x8x128xf32, #tpu.memory_space<hbm>> -> memref<8x128xf32, #tpu.memory_space<hbm>>
      %dma_start3A_92 = arith.constant 0 : i32
      %dma_start3A_93 = arith.constant 0 : i32
      %dma_start3A_94 = tpu.memref_slice %arg8[%run_scoped3A_11, %dma_start3A_92, %dma_start3A_93] : memref<4x8x144xf32, #tpu.memory_space<vmem>> -> memref<1x8x128xf32, #tpu.memory_space<vmem>>
      %dma_start3A_95 = tpu.memref_squeeze %dma_start3A_94 : memref<1x8x128xf32, #tpu.memory_space<vmem>> -> memref<8x128xf32, #tpu.memory_space<vmem>>
      %dma_start3A_96 = tpu.memref_slice %arg4[%run_scoped3A, %mul3A_10, %mul3A_6] : memref<4x128x128xf32, #tpu.memory_space<hbm>> -> memref<1x8x128xf32, #tpu.memory_space<hbm>>
      %dma_start3A_97 = tpu.memref_squeeze %dma_start3A_96 : memref<1x8x128xf32, #tpu.memory_space<hbm>> -> memref<8x128xf32, #tpu.memory_space<hbm>>
      tpu.enqueue_dma source(%dma_start3A_97 : memref<8x128xf32, #tpu.memory_space<hbm>>) target(%dma_start3A_95 : memref<8x128xf32, #tpu.memory_space<vmem>>) target_semaphore(%run_scoped3A_85 : memref<!tpu.dma_semaphore, #tpu.memory_space<semaphore_mem>>)
      %dma_wait3A = arith.constant 0 : i32
      %dma_wait3A_98 = arith.constant 0 : i32
      %dma_wait3A_99 = tpu.memref_slice %arg8[%run_scoped3A_11, %dma_wait3A, %dma_wait3A_98] : memref<4x8x144xf32, #tpu.memory_space<vmem>> -> memref<1x8x128xf32, #tpu.memory_space<vmem>>
      %dma_wait3A_100 = tpu.memref_squeeze %dma_wait3A_99 : memref<1x8x128xf32, #tpu.memory_space<vmem>> -> memref<8x128xf32, #tpu.memory_space<vmem>>
      %dma_wait3A_101 = tpu.memref_slice %arg4[%run_scoped3A, %mul3A_10, %mul3A_6] : memref<4x128x128xf32, #tpu.memory_space<hbm>> -> memref<1x8x128xf32, #tpu.memory_space<hbm>>
      %dma_wait3A_102 = tpu.memref_squeeze %dma_wait3A_101 : memref<1x8x128xf32, #tpu.memory_space<hbm>> -> memref<8x128xf32, #tpu.memory_space<hbm>>
      %dma_wait3A_103 = arith.constant 0 : i32
      %dma_wait3A_104 = arith.constant 0 : i32
      %dma_wait3A_105 = tpu.memref_slice %arg8[%run_scoped3A_11, %dma_wait3A_103, %dma_wait3A_104] : memref<4x8x144xf32, #tpu.memory_space<vmem>> -> memref<1x8x128xf32, #tpu.memory_space<vmem>>
      %dma_wait3A_106 = tpu.memref_squeeze %dma_wait3A_105 : memref<1x8x128xf32, #tpu.memory_space<vmem>> -> memref<8x128xf32, #tpu.memory_space<vmem>>
      %dma_wait3A_107 = tpu.memref_slice %arg4[%run_scoped3A, %mul3A_10, %mul3A_6] : memref<4x128x128xf32, #tpu.memory_space<hbm>> -> memref<1x8x128xf32, #tpu.memory_space<hbm>>
      %dma_wait3A_108 = tpu.memref_squeeze %dma_wait3A_107 : memref<1x8x128xf32, #tpu.memory_space<hbm>> -> memref<8x128xf32, #tpu.memory_space<hbm>>
      tpu.wait_dma2 semaphore(%run_scoped3A_85 : memref<!tpu.dma_semaphore, #tpu.memory_space<semaphore_mem>>) src(%dma_wait3A_108 : memref<8x128xf32, #tpu.memory_space<hbm>>) dst(%dma_wait3A_106 : memref<8x128xf32, #tpu.memory_space<vmem>>)
      tpu.yield
    }) : () -> ()
    %run_scoped3A_12 = arith.constant 1 : i32
    %run_scoped3A_13 = arith.constant 1 : i32
    "tpu.region"() ({
      %run_scoped3A_85 = tpu.sem_alloc : memref<!tpu.dma_semaphore, #tpu.memory_space<semaphore_mem>>
      %dma_start3A_86 = arith.constant 0 : i32
      %dma_start3A_87 = arith.constant 0 : i32
      %dma_start3A_88 = tpu.memref_slice %arg8[%run_scoped3A_13, %dma_start3A_86, %dma_start3A_87] : memref<4x8x144xf32, #tpu.memory_space<vmem>> -> memref<1x8x128xf32, #tpu.memory_space<vmem>>
      %dma_start3A_89 = tpu.memref_squeeze %dma_start3A_88 : memref<1x8x128xf32, #tpu.memory_space<vmem>> -> memref<8x128xf32, #tpu.memory_space<vmem>>
      %dma_start3A_90 = tpu.memref_slice %arg4[%run_scoped3A_12, %mul3A_10, %mul3A_6] : memref<4x128x128xf32, #tpu.memory_space<hbm>> -> memref<1x8x128xf32, #tpu.memory_space<hbm>>
      %dma_start3A_91 = tpu.memref_squeeze %dma_start3A_90 : memref<1x8x128xf32, #tpu.memory_space<hbm>> -> memref<8x128xf32, #tpu.memory_space<hbm>>
      %dma_start3A_92 = arith.constant 0 : i32
      %dma_start3A_93 = arith.constant 0 : i32
      %dma_start3A_94 = tpu.memref_slice %arg8[%run_scoped3A_13, %dma_start3A_92, %dma_start3A_93] : memref<4x8x144xf32, #tpu.memory_space<vmem>> -> memref<1x8x128xf32, #tpu.memory_space<vmem>>
      %dma_start3A_95 = tpu.memref_squeeze %dma_start3A_94 : memref<1x8x128xf32, #tpu.memory_space<vmem>> -> memref<8x128xf32, #tpu.memory_space<vmem>>
      %dma_start3A_96 = tpu.memref_slice %arg4[%run_scoped3A_12, %mul3A_10, %mul3A_6] : memref<4x128x128xf32, #tpu.memory_space<hbm>> -> memref<1x8x128xf32, #tpu.memory_space<hbm>>
      %dma_start3A_97 = tpu.memref_squeeze %dma_start3A_96 : memref<1x8x128xf32, #tpu.memory_space<hbm>> -> memref<8x128xf32, #tpu.memory_space<hbm>>
      tpu.enqueue_dma source(%dma_start3A_97 : memref<8x128xf32, #tpu.memory_space<hbm>>) target(%dma_start3A_95 : memref<8x128xf32, #tpu.memory_space<vmem>>) target_semaphore(%run_scoped3A_85 : memref<!tpu.dma_semaphore, #tpu.memory_space<semaphore_mem>>)
      %dma_wait3A = arith.constant 0 : i32
      %dma_wait3A_98 = arith.constant 0 : i32
      %dma_wait3A_99 = tpu.memref_slice %arg8[%run_scoped3A_13, %dma_wait3A, %dma_wait3A_98] : memref<4x8x144xf32, #tpu.memory_space<vmem>> -> memref<1x8x128xf32, #tpu.memory_space<vmem>>
      %dma_wait3A_100 = tpu.memref_squeeze %dma_wait3A_99 : memref<1x8x128xf32, #tpu.memory_space<vmem>> -> memref<8x128xf32, #tpu.memory_space<vmem>>
      %dma_wait3A_101 = tpu.memref_slice %arg4[%run_scoped3A_12, %mul3A_10, %mul3A_6] : memref<4x128x128xf32, #tpu.memory_space<hbm>> -> memref<1x8x128xf32, #tpu.memory_space<hbm>>
      %dma_wait3A_102 = tpu.memref_squeeze %dma_wait3A_101 : memref<1x8x128xf32, #tpu.memory_space<hbm>> -> memref<8x128xf32, #tpu.memory_space<hbm>>
      %dma_wait3A_103 = arith.constant 0 : i32
      %dma_wait3A_104 = arith.constant 0 : i32
      %dma_wait3A_105 = tpu.memref_slice %arg8[%run_scoped3A_13, %dma_wait3A_103, %dma_wait3A_104] : memref<4x8x144xf32, #tpu.memory_space<vmem>> -> memref<1x8x128xf32, #tpu.memory_space<vmem>>
      %dma_wait3A_106 = tpu.memref_squeeze %dma_wait3A_105 : memref<1x8x128xf32, #tpu.memory_space<vmem>> -> memref<8x128xf32, #tpu.memory_space<vmem>>
      %dma_wait3A_107 = tpu.memref_slice %arg4[%run_scoped3A_12, %mul3A_10, %mul3A_6] : memref<4x128x128xf32, #tpu.memory_space<hbm>> -> memref<1x8x128xf32, #tpu.memory_space<hbm>>
      %dma_wait3A_108 = tpu.memref_squeeze %dma_wait3A_107 : memref<1x8x128xf32, #tpu.memory_space<hbm>> -> memref<8x128xf32, #tpu.memory_space<hbm>>
      tpu.wait_dma2 semaphore(%run_scoped3A_85 : memref<!tpu.dma_semaphore, #tpu.memory_space<semaphore_mem>>) src(%dma_wait3A_108 : memref<8x128xf32, #tpu.memory_space<hbm>>) dst(%dma_wait3A_106 : memref<8x128xf32, #tpu.memory_space<vmem>>)
      tpu.yield
    }) : () -> ()
    %run_scoped3A_14 = arith.constant 2 : i32
    %run_scoped3A_15 = arith.constant 2 : i32
    "tpu.region"() ({
      %run_scoped3A_85 = tpu.sem_alloc : memref<!tpu.dma_semaphore, #tpu.memory_space<semaphore_mem>>
      %dma_start3A_86 = arith.constant 0 : i32
      %dma_start3A_87 = arith.constant 0 : i32
      %dma_start3A_88 = tpu.memref_slice %arg8[%run_scoped3A_15, %dma_start3A_86, %dma_start3A_87] : memref<4x8x144xf32, #tpu.memory_space<vmem>> -> memref<1x8x128xf32, #tpu.memory_space<vmem>>
      %dma_start3A_89 = tpu.memref_squeeze %dma_start3A_88 : memref<1x8x128xf32, #tpu.memory_space<vmem>> -> memref<8x128xf32, #tpu.memory_space<vmem>>
      %dma_start3A_90 = tpu.memref_slice %arg4[%run_scoped3A_14, %mul3A_10, %mul3A_6] : memref<4x128x128xf32, #tpu.memory_space<hbm>> -> memref<1x8x128xf32, #tpu.memory_space<hbm>>
      %dma_start3A_91 = tpu.memref_squeeze %dma_start3A_90 : memref<1x8x128xf32, #tpu.memory_space<hbm>> -> memref<8x128xf32, #tpu.memory_space<hbm>>
      %dma_start3A_92 = arith.constant 0 : i32
      %dma_start3A_93 = arith.constant 0 : i32
      %dma_start3A_94 = tpu.memref_slice %arg8[%run_scoped3A_15, %dma_start3A_92, %dma_start3A_93] : memref<4x8x144xf32, #tpu.memory_space<vmem>> -> memref<1x8x128xf32, #tpu.memory_space<vmem>>
      %dma_start3A_95 = tpu.memref_squeeze %dma_start3A_94 : memref<1x8x128xf32, #tpu.memory_space<vmem>> -> memref<8x128xf32, #tpu.memory_space<vmem>>
      %dma_start3A_96 = tpu.memref_slice %arg4[%run_scoped3A_14, %mul3A_10, %mul3A_6] : memref<4x128x128xf32, #tpu.memory_space<hbm>> -> memref<1x8x128xf32, #tpu.memory_space<hbm>>
      %dma_start3A_97 = tpu.memref_squeeze %dma_start3A_96 : memref<1x8x128xf32, #tpu.memory_space<hbm>> -> memref<8x128xf32, #tpu.memory_space<hbm>>
      tpu.enqueue_dma source(%dma_start3A_97 : memref<8x128xf32, #tpu.memory_space<hbm>>) target(%dma_start3A_95 : memref<8x128xf32, #tpu.memory_space<vmem>>) target_semaphore(%run_scoped3A_85 : memref<!tpu.dma_semaphore, #tpu.memory_space<semaphore_mem>>)
      %dma_wait3A = arith.constant 0 : i32
      %dma_wait3A_98 = arith.constant 0 : i32
      %dma_wait3A_99 = tpu.memref_slice %arg8[%run_scoped3A_15, %dma_wait3A, %dma_wait3A_98] : memref<4x8x144xf32, #tpu.memory_space<vmem>> -> memref<1x8x128xf32, #tpu.memory_space<vmem>>
      %dma_wait3A_100 = tpu.memref_squeeze %dma_wait3A_99 : memref<1x8x128xf32, #tpu.memory_space<vmem>> -> memref<8x128xf32, #tpu.memory_space<vmem>>
      %dma_wait3A_101 = tpu.memref_slice %arg4[%run_scoped3A_14, %mul3A_10, %mul3A_6] : memref<4x128x128xf32, #tpu.memory_space<hbm>> -> memref<1x8x128xf32, #tpu.memory_space<hbm>>
      %dma_wait3A_102 = tpu.memref_squeeze %dma_wait3A_101 : memref<1x8x128xf32, #tpu.memory_space<hbm>> -> memref<8x128xf32, #tpu.memory_space<hbm>>
      %dma_wait3A_103 = arith.constant 0 : i32
      %dma_wait3A_104 = arith.constant 0 : i32
      %dma_wait3A_105 = tpu.memref_slice %arg8[%run_scoped3A_15, %dma_wait3A_103, %dma_wait3A_104] : memref<4x8x144xf32, #tpu.memory_space<vmem>> -> memref<1x8x128xf32, #tpu.memory_space<vmem>>
      %dma_wait3A_106 = tpu.memref_squeeze %dma_wait3A_105 : memref<1x8x128xf32, #tpu.memory_space<vmem>> -> memref<8x128xf32, #tpu.memory_space<vmem>>
      %dma_wait3A_107 = tpu.memref_slice %arg4[%run_scoped3A_14, %mul3A_10, %mul3A_6] : memref<4x128x128xf32, #tpu.memory_space<hbm>> -> memref<1x8x128xf32, #tpu.memory_space<hbm>>
      %dma_wait3A_108 = tpu.memref_squeeze %dma_wait3A_107 : memref<1x8x128xf32, #tpu.memory_space<hbm>> -> memref<8x128xf32, #tpu.memory_space<hbm>>
      tpu.wait_dma2 semaphore(%run_scoped3A_85 : memref<!tpu.dma_semaphore, #tpu.memory_space<semaphore_mem>>) src(%dma_wait3A_108 : memref<8x128xf32, #tpu.memory_space<hbm>>) dst(%dma_wait3A_106 : memref<8x128xf32, #tpu.memory_space<vmem>>)
      tpu.yield
    }) : () -> ()
    %run_scoped3A_16 = arith.constant 3 : i32
    %run_scoped3A_17 = arith.constant 3 : i32
    "tpu.region"() ({
      %run_scoped3A_85 = tpu.sem_alloc : memref<!tpu.dma_semaphore, #tpu.memory_space<semaphore_mem>>
      %dma_start3A_86 = arith.constant 0 : i32
      %dma_start3A_87 = arith.constant 0 : i32
      %dma_start3A_88 = tpu.memref_slice %arg8[%run_scoped3A_17, %dma_start3A_86, %dma_start3A_87] : memref<4x8x144xf32, #tpu.memory_space<vmem>> -> memref<1x8x128xf32, #tpu.memory_space<vmem>>
      %dma_start3A_89 = tpu.memref_squeeze %dma_start3A_88 : memref<1x8x128xf32, #tpu.memory_space<vmem>> -> memref<8x128xf32, #tpu.memory_space<vmem>>
      %dma_start3A_90 = tpu.memref_slice %arg4[%run_scoped3A_16, %mul3A_10, %mul3A_6] : memref<4x128x128xf32, #tpu.memory_space<hbm>> -> memref<1x8x128xf32, #tpu.memory_space<hbm>>
      %dma_start3A_91 = tpu.memref_squeeze %dma_start3A_90 : memref<1x8x128xf32, #tpu.memory_space<hbm>> -> memref<8x128xf32, #tpu.memory_space<hbm>>
      %dma_start3A_92 = arith.constant 0 : i32
      %dma_start3A_93 = arith.constant 0 : i32
      %dma_start3A_94 = tpu.memref_slice %arg8[%run_scoped3A_17, %dma_start3A_92, %dma_start3A_93] : memref<4x8x144xf32, #tpu.memory_space<vmem>> -> memref<1x8x128xf32, #tpu.memory_space<vmem>>
      %dma_start3A_95 = tpu.memref_squeeze %dma_start3A_94 : memref<1x8x128xf32, #tpu.memory_space<vmem>> -> memref<8x128xf32, #tpu.memory_space<vmem>>
      %dma_start3A_96 = tpu.memref_slice %arg4[%run_scoped3A_16, %mul3A_10, %mul3A_6] : memref<4x128x128xf32, #tpu.memory_space<hbm>> -> memref<1x8x128xf32, #tpu.memory_space<hbm>>
      %dma_start3A_97 = tpu.memref_squeeze %dma_start3A_96 : memref<1x8x128xf32, #tpu.memory_space<hbm>> -> memref<8x128xf32, #tpu.memory_space<hbm>>
      tpu.enqueue_dma source(%dma_start3A_97 : memref<8x128xf32, #tpu.memory_space<hbm>>) target(%dma_start3A_95 : memref<8x128xf32, #tpu.memory_space<vmem>>) target_semaphore(%run_scoped3A_85 : memref<!tpu.dma_semaphore, #tpu.memory_space<semaphore_mem>>)
      %dma_wait3A = arith.constant 0 : i32
      %dma_wait3A_98 = arith.constant 0 : i32
      %dma_wait3A_99 = tpu.memref_slice %arg8[%run_scoped3A_17, %dma_wait3A, %dma_wait3A_98] : memref<4x8x144xf32, #tpu.memory_space<vmem>> -> memref<1x8x128xf32, #tpu.memory_space<vmem>>
      %dma_wait3A_100 = tpu.memref_squeeze %dma_wait3A_99 : memref<1x8x128xf32, #tpu.memory_space<vmem>> -> memref<8x128xf32, #tpu.memory_space<vmem>>
      %dma_wait3A_101 = tpu.memref_slice %arg4[%run_scoped3A_16, %mul3A_10, %mul3A_6] : memref<4x128x128xf32, #tpu.memory_space<hbm>> -> memref<1x8x128xf32, #tpu.memory_space<hbm>>
      %dma_wait3A_102 = tpu.memref_squeeze %dma_wait3A_101 : memref<1x8x128xf32, #tpu.memory_space<hbm>> -> memref<8x128xf32, #tpu.memory_space<hbm>>
      %dma_wait3A_103 = arith.constant 0 : i32
      %dma_wait3A_104 = arith.constant 0 : i32
      %dma_wait3A_105 = tpu.memref_slice %arg8[%run_scoped3A_17, %dma_wait3A_103, %dma_wait3A_104] : memref<4x8x144xf32, #tpu.memory_space<vmem>> -> memref<1x8x128xf32, #tpu.memory_space<vmem>>
      %dma_wait3A_106 = tpu.memref_squeeze %dma_wait3A_105 : memref<1x8x128xf32, #tpu.memory_space<vmem>> -> memref<8x128xf32, #tpu.memory_space<vmem>>
      %dma_wait3A_107 = tpu.memref_slice %arg4[%run_scoped3A_16, %mul3A_10, %mul3A_6] : memref<4x128x128xf32, #tpu.memory_space<hbm>> -> memref<1x8x128xf32, #tpu.memory_space<hbm>>
      %dma_wait3A_108 = tpu.memref_squeeze %dma_wait3A_107 : memref<1x8x128xf32, #tpu.memory_space<hbm>> -> memref<8x128xf32, #tpu.memory_space<hbm>>
      tpu.wait_dma2 semaphore(%run_scoped3A_85 : memref<!tpu.dma_semaphore, #tpu.memory_space<semaphore_mem>>) src(%dma_wait3A_108 : memref<8x128xf32, #tpu.memory_space<hbm>>) dst(%dma_wait3A_106 : memref<8x128xf32, #tpu.memory_space<vmem>>)
      tpu.yield
    }) : () -> ()
    %scan3A = arith.constant 0 : i32
    %scan3A_18 = arith.constant 0 : i32
    %scan3A_19 = arith.constant 128 : i32
    %scan3A_20 = arith.addi %scan3A_18, %scan3A_19 : i32
    %scan3A_21 = arith.constant 1 : i32
    scf.for %scan3A_85 = %scan3A_18 to %scan3A_20 step %scan3A_21  : i32 {
      %broadcast_in_dim3A = arith.constant 0.000000e+00 : f32
      %broadcast_in_dim3A_86 = vector.broadcast %broadcast_in_dim3A : f32 to vector<16xf32>
      %swap3A = arith.index_cast %scan3A_85 : i32 to index
      %swap3A_87 = arith.constant 0 : index
      %swap3A_88 = tpu.vector_load %arg9[%swap3A, %swap3A_87] {strides = array<i32>} : memref<128x128xf32, #tpu.memory_space<vmem>>, vector<16xf32>,
      tpu.vector_store %arg9[%swap3A, %swap3A_87], %broadcast_in_dim3A_86 {strides = array<i32>} : memref<128x128xf32, #tpu.memory_space<vmem>>, vector<16xf32>,
      %broadcast_in_dim3A_89 = arith.constant 0.000000e+00 : f32
      %broadcast_in_dim3A_90 = vector.broadcast %broadcast_in_dim3A_89 : f32 to vector<16xf32>
      %swap3A_91 = arith.index_cast %scan3A_85 : i32 to index
      %swap3A_92 = arith.constant 16 : index
      %swap3A_93 = tpu.vector_load %arg9[%swap3A_91, %swap3A_92] {strides = array<i32>} : memref<128x128xf32, #tpu.memory_space<vmem>>, vector<16xf32>,
      tpu.vector_store %arg9[%swap3A_91, %swap3A_92], %broadcast_in_dim3A_90 {strides = array<i32>} : memref<128x128xf32, #tpu.memory_space<vmem>>, vector<16xf32>,
      %broadcast_in_dim3A_94 = arith.constant 0.000000e+00 : f32
      %broadcast_in_dim3A_95 = vector.broadcast %broadcast_in_dim3A_94 : f32 to vector<16xf32>
      %swap3A_96 = arith.index_cast %scan3A_85 : i32 to index
      %swap3A_97 = arith.constant 32 : index
      %swap3A_98 = tpu.vector_load %arg9[%swap3A_96, %swap3A_97] {strides = array<i32>} : memref<128x128xf32, #tpu.memory_space<vmem>>, vector<16xf32>,
      tpu.vector_store %arg9[%swap3A_96, %swap3A_97], %broadcast_in_dim3A_95 {strides = array<i32>} : memref<128x128xf32, #tpu.memory_space<vmem>>, vector<16xf32>,
      %broadcast_in_dim3A_99 = arith.constant 0.000000e+00 : f32
      %broadcast_in_dim3A_100 = vector.broadcast %broadcast_in_dim3A_99 : f32 to vector<16xf32>
      %swap3A_101 = arith.index_cast %scan3A_85 : i32 to index
      %swap3A_102 = arith.constant 48 : index
      %swap3A_103 = tpu.vector_load %arg9[%swap3A_101, %swap3A_102] {strides = array<i32>} : memref<128x128xf32, #tpu.memory_space<vmem>>, vector<16xf32>,
      tpu.vector_store %arg9[%swap3A_101, %swap3A_102], %broadcast_in_dim3A_100 {strides = array<i32>} : memref<128x128xf32, #tpu.memory_space<vmem>>, vector<16xf32>,
      %broadcast_in_dim3A_104 = arith.constant 0.000000e+00 : f32
      %broadcast_in_dim3A_105 = vector.broadcast %broadcast_in_dim3A_104 : f32 to vector<16xf32>
      %swap3A_106 = arith.index_cast %scan3A_85 : i32 to index
      %swap3A_107 = arith.constant 64 : index
      %swap3A_108 = tpu.vector_load %arg9[%swap3A_106, %swap3A_107] {strides = array<i32>} : memref<128x128xf32, #tpu.memory_space<vmem>>, vector<16xf32>,
      tpu.vector_store %arg9[%swap3A_106, %swap3A_107], %broadcast_in_dim3A_105 {strides = array<i32>} : memref<128x128xf32, #tpu.memory_space<vmem>>, vector<16xf32>,
      %broadcast_in_dim3A_109 = arith.constant 0.000000e+00 : f32
      %broadcast_in_dim3A_110 = vector.broadcast %broadcast_in_dim3A_109 : f32 to vector<16xf32>
      %swap3A_111 = arith.index_cast %scan3A_85 : i32 to index
      %swap3A_112 = arith.constant 80 : index
      %swap3A_113 = tpu.vector_load %arg9[%swap3A_111, %swap3A_112] {strides = array<i32>} : memref<128x128xf32, #tpu.memory_space<vmem>>, vector<16xf32>,
      tpu.vector_store %arg9[%swap3A_111, %swap3A_112], %broadcast_in_dim3A_110 {strides = array<i32>} : memref<128x128xf32, #tpu.memory_space<vmem>>, vector<16xf32>,
      %broadcast_in_dim3A_114 = arith.constant 0.000000e+00 : f32
      %broadcast_in_dim3A_115 = vector.broadcast %broadcast_in_dim3A_114 : f32 to vector<16xf32>
      %swap3A_116 = arith.index_cast %scan3A_85 : i32 to index
      %swap3A_117 = arith.constant 96 : index
      %swap3A_118 = tpu.vector_load %arg9[%swap3A_116, %swap3A_117] {strides = array<i32>} : memref<128x128xf32, #tpu.memory_space<vmem>>, vector<16xf32>,
      tpu.vector_store %arg9[%swap3A_116, %swap3A_117], %broadcast_in_dim3A_115 {strides = array<i32>} : memref<128x128xf32, #tpu.memory_space<vmem>>, vector<16xf32>,
      %broadcast_in_dim3A_119 = arith.constant 0.000000e+00 : f32
      %broadcast_in_dim3A_120 = vector.broadcast %broadcast_in_dim3A_119 : f32 to vector<16xf32>
      %swap3A_121 = arith.index_cast %scan3A_85 : i32 to index
      %swap3A_122 = arith.constant 112 : index
      %swap3A_123 = tpu.vector_load %arg9[%swap3A_121, %swap3A_122] {strides = array<i32>} : memref<128x128xf32, #tpu.memory_space<vmem>>, vector<16xf32>,
      tpu.vector_store %arg9[%swap3A_121, %swap3A_122], %broadcast_in_dim3A_120 {strides = array<i32>} : memref<128x128xf32, #tpu.memory_space<vmem>>, vector<16xf32>,
    }
    %scan3A_22 = arith.constant 128 : i32
    %add3A_23 = arith.constant 0 : i32
    %add3A_24 = arith.addi %mul3A_4, %add3A_23 : i32
    %dma_start3A = arith.constant 0 : i32
    %dma_start3A_25 = arith.constant 0 : i32
    %dma_start3A_26 = arith.constant 0 : i32
    %dma_start3A_27 = tpu.memref_slice %arg6[%dma_start3A_25, %dma_start3A_26] : memref<544x128xf32, #tpu.memory_space<vmem>> -> memref<136x128xf32, #tpu.memory_space<vmem>>
    %dma_start3A_28 = arith.constant 0 : i32
    %dma_start3A_29 = arith.constant 0 : i32
    %dma_start3A_30 = tpu.memref_slice %arg2[%add3A_24, %dma_start3A_28, %dma_start3A_29] : memref<128x136x128xf32, #tpu.memory_space<hbm>> -> memref<1x136x128xf32, #tpu.memory_space<hbm>>
    %dma_start3A_31 = tpu.memref_squeeze %dma_start3A_30 : memref<1x136x128xf32, #tpu.memory_space<hbm>> -> memref<136x128xf32, #tpu.memory_space<hbm>>
    %dma_start3A_32 = tpu.memref_slice %arg10[%dma_start3A] : memref<4x!tpu.dma_semaphore, #tpu.memory_space<semaphore_mem>> -> memref<1x!tpu.dma_semaphore, #tpu.memory_space<semaphore_mem>>
    %dma_start3A_33 = tpu.memref_squeeze %dma_start3A_32 : memref<1x!tpu.dma_semaphore, #tpu.memory_space<semaphore_mem>> -> memref<!tpu.dma_semaphore, #tpu.memory_space<semaphore_mem>>
    %dma_start3A_34 = arith.constant 0 : i32
    %dma_start3A_35 = arith.constant 0 : i32
    %dma_start3A_36 = tpu.memref_slice %arg6[%dma_start3A_34, %dma_start3A_35] : memref<544x128xf32, #tpu.memory_space<vmem>> -> memref<136x128xf32, #tpu.memory_space<vmem>>
    %dma_start3A_37 = arith.constant 0 : i32
    %dma_start3A_38 = arith.constant 0 : i32
    %dma_start3A_39 = tpu.memref_slice %arg2[%add3A_24, %dma_start3A_37, %dma_start3A_38] : memref<128x136x128xf32, #tpu.memory_space<hbm>> -> memref<1x136x128xf32, #tpu.memory_space<hbm>>
    %dma_start3A_40 = tpu.memref_squeeze %dma_start3A_39 : memref<1x136x128xf32, #tpu.memory_space<hbm>> -> memref<136x128xf32, #tpu.memory_space<hbm>>
    tpu.enqueue_dma source(%dma_start3A_40 : memref<136x128xf32, #tpu.memory_space<hbm>>) target(%dma_start3A_36 : memref<136x128xf32, #tpu.memory_space<vmem>>) target_semaphore(%dma_start3A_33 : memref<!tpu.dma_semaphore, #tpu.memory_space<semaphore_mem>>)
    %add3A_41 = arith.constant 1 : i32
    %add3A_42 = arith.addi %mul3A_4, %add3A_41 : i32
    %dma_start3A_43 = arith.constant 1 : i32
    %dma_start3A_44 = arith.constant 136 : i32
    %dma_start3A_45 = arith.constant 0 : i32
    %dma_start3A_46 = tpu.memref_slice %arg6[%dma_start3A_44, %dma_start3A_45] : memref<544x128xf32, #tpu.memory_space<vmem>> -> memref<136x128xf32, #tpu.memory_space<vmem>>
    %dma_start3A_47 = arith.constant 0 : i32
    %dma_start3A_48 = arith.constant 0 : i32
    %dma_start3A_49 = tpu.memref_slice %arg2[%add3A_42, %dma_start3A_47, %dma_start3A_48] : memref<128x136x128xf32, #tpu.memory_space<hbm>> -> memref<1x136x128xf32, #tpu.memory_space<hbm>>
    %dma_start3A_50 = tpu.memref_squeeze %dma_start3A_49 : memref<1x136x128xf32, #tpu.memory_space<hbm>> -> memref<136x128xf32, #tpu.memory_space<hbm>>
    %dma_start3A_51 = tpu.memref_slice %arg10[%dma_start3A_43] : memref<4x!tpu.dma_semaphore, #tpu.memory_space<semaphore_mem>> -> memref<1x!tpu.dma_semaphore, #tpu.memory_space<semaphore_mem>>
    %dma_start3A_52 = tpu.memref_squeeze %dma_start3A_51 : memref<1x!tpu.dma_semaphore, #tpu.memory_space<semaphore_mem>> -> memref<!tpu.dma_semaphore, #tpu.memory_space<semaphore_mem>>
    %dma_start3A_53 = arith.constant 136 : i32
    %dma_start3A_54 = arith.constant 0 : i32
    %dma_start3A_55 = tpu.memref_slice %arg6[%dma_start3A_53, %dma_start3A_54] : memref<544x128xf32, #tpu.memory_space<vmem>> -> memref<136x128xf32, #tpu.memory_space<vmem>>
    %dma_start3A_56 = arith.constant 0 : i32
    %dma_start3A_57 = arith.constant 0 : i32
    %dma_start3A_58 = tpu.memref_slice %arg2[%add3A_42, %dma_start3A_56, %dma_start3A_57] : memref<128x136x128xf32, #tpu.memory_space<hbm>> -> memref<1x136x128xf32, #tpu.memory_space<hbm>>
    %dma_start3A_59 = tpu.memref_squeeze %dma_start3A_58 : memref<1x136x128xf32, #tpu.memory_space<hbm>> -> memref<136x128xf32, #tpu.memory_space<hbm>>
    tpu.enqueue_dma source(%dma_start3A_59 : memref<136x128xf32, #tpu.memory_space<hbm>>) target(%dma_start3A_55 : memref<136x128xf32, #tpu.memory_space<vmem>>) target_semaphore(%dma_start3A_52 : memref<!tpu.dma_semaphore, #tpu.memory_space<semaphore_mem>>)
    %add3A_60 = arith.constant 2 : i32
    %add3A_61 = arith.addi %mul3A_4, %add3A_60 : i32
    %dma_start3A_62 = arith.constant 2 : i32
    %dma_start3A_63 = arith.constant 272 : i32
    %dma_start3A_64 = arith.constant 0 : i32
    %dma_start3A_65 = tpu.memref_slice %arg6[%dma_start3A_63, %dma_start3A_64] : memref<544x128xf32, #tpu.memory_space<vmem>> -> memref<136x128xf32, #tpu.memory_space<vmem>>
    %dma_start3A_66 = arith.constant 0 : i32
    %dma_start3A_67 = arith.constant 0 : i32
    %dma_start3A_68 = tpu.memref_slice %arg2[%add3A_61, %dma_start3A_66, %dma_start3A_67] : memref<128x136x128xf32, #tpu.memory_space<hbm>> -> memref<1x136x128xf32, #tpu.memory_space<hbm>>
    %dma_start3A_69 = tpu.memref_squeeze %dma_start3A_68 : memref<1x136x128xf32, #tpu.memory_space<hbm>> -> memref<136x128xf32, #tpu.memory_space<hbm>>
    %dma_start3A_70 = tpu.memref_slice %arg10[%dma_start3A_62] : memref<4x!tpu.dma_semaphore, #tpu.memory_space<semaphore_mem>> -> memref<1x!tpu.dma_semaphore, #tpu.memory_space<semaphore_mem>>
    %dma_start3A_71 = tpu.memref_squeeze %dma_start3A_70 : memref<1x!tpu.dma_semaphore, #tpu.memory_space<semaphore_mem>> -> memref<!tpu.dma_semaphore, #tpu.memory_space<semaphore_mem>>
    %dma_start3A_72 = arith.constant 272 : i32
    %dma_start3A_73 = arith.constant 0 : i32
    %dma_start3A_74 = tpu.memref_slice %arg6[%dma_start3A_72, %dma_start3A_73] : memref<544x128xf32, #tpu.memory_space<vmem>> -> memref<136x128xf32, #tpu.memory_space<vmem>>
    %dma_start3A_75 = arith.constant 0 : i32
    %dma_start3A_76 = arith.constant 0 : i32
    %dma_start3A_77 = tpu.memref_slice %arg2[%add3A_61, %dma_start3A_75, %dma_start3A_76] : memref<128x136x128xf32, #tpu.memory_space<hbm>> -> memref<1x136x128xf32, #tpu.memory_space<hbm>>
    %dma_start3A_78 = tpu.memref_squeeze %dma_start3A_77 : memref<1x136x128xf32, #tpu.memory_space<hbm>> -> memref<136x128xf32, #tpu.memory_space<hbm>>
    tpu.enqueue_dma source(%dma_start3A_78 : memref<136x128xf32, #tpu.memory_space<hbm>>) target(%dma_start3A_74 : memref<136x128xf32, #tpu.memory_space<vmem>>) target_semaphore(%dma_start3A_71 : memref<!tpu.dma_semaphore, #tpu.memory_space<semaphore_mem>>)
    %scan3A_79 = arith.constant 0 : i32
    %scan3A_80 = arith.constant 0 : i32
    %scan3A_81 = arith.constant 4 : i32
    %scan3A_82 = arith.addi %scan3A_80, %scan3A_81 : i32
    %scan3A_83 = arith.constant 1 : i32
    scf.for %scan3A_85 = %scan3A_80 to %scan3A_82 step %scan3A_83  : i32 {
      %rem3A_86 = arith.constant 4 : i32
      %rem3A_87 = arith.remsi %scan3A_85, %rem3A_86 : i32
      %add3A_88 = arith.constant 3 : i32
      %add3A_89 = arith.addi %scan3A_85, %add3A_88 : i32
      %lt3A = arith.constant 4 : i32
      %lt3A_90 = arith.cmpi slt, %add3A_89, %lt3A : i32
      %convert_element_type3A = arith.extui %lt3A_90 : i1 to i32
      %cond3A = arith.constant 0 : i32
      %cond3A_91 = arith.cmpi ne, %convert_element_type3A, %cond3A : i32
      scf.if %cond3A_91 {
        %add3A_113 = arith.constant 3 : i32
        %add3A_114 = arith.addi %scan3A_85, %add3A_113 : i32
        %rem3A_115 = arith.constant 4 : i32
        %rem3A_116 = arith.remsi %add3A_114, %rem3A_115 : i32
        %add3A_117 = arith.addi %mul3A_4, %add3A_114 : i32
        %mul3A_118 = arith.constant 136 : i32
        %mul3A_119 = arith.muli %rem3A_116, %mul3A_118 : i32
        %dma_start3A_120 = arith.constant 0 : i32
        %dma_start3A_121 = tpu.memref_slice %arg6[%mul3A_119, %dma_start3A_120] : memref<544x128xf32, #tpu.memory_space<vmem>> -> memref<136x128xf32, #tpu.memory_space<vmem>>
        %dma_start3A_122 = arith.constant 0 : i32
        %dma_start3A_123 = arith.constant 0 : i32
        %dma_start3A_124 = tpu.memref_slice %arg2[%add3A_117, %dma_start3A_122, %dma_start3A_123] : memref<128x136x128xf32, #tpu.memory_space<hbm>> -> memref<1x136x128xf32, #tpu.memory_space<hbm>>
        %dma_start3A_125 = tpu.memref_squeeze %dma_start3A_124 : memref<1x136x128xf32, #tpu.memory_space<hbm>> -> memref<136x128xf32, #tpu.memory_space<hbm>>
        %dma_start3A_126 = tpu.memref_slice %arg10[%rem3A_116] : memref<4x!tpu.dma_semaphore, #tpu.memory_space<semaphore_mem>> -> memref<1x!tpu.dma_semaphore, #tpu.memory_space<semaphore_mem>>
        %dma_start3A_127 = tpu.memref_squeeze %dma_start3A_126 : memref<1x!tpu.dma_semaphore, #tpu.memory_space<semaphore_mem>> -> memref<!tpu.dma_semaphore, #tpu.memory_space<semaphore_mem>>
        %dma_start3A_128 = arith.constant 0 : i32
        %dma_start3A_129 = tpu.memref_slice %arg6[%mul3A_119, %dma_start3A_128] : memref<544x128xf32, #tpu.memory_space<vmem>> -> memref<136x128xf32, #tpu.memory_space<vmem>>
        %dma_start3A_130 = arith.constant 0 : i32
        %dma_start3A_131 = arith.constant 0 : i32
        %dma_start3A_132 = tpu.memref_slice %arg2[%add3A_117, %dma_start3A_130, %dma_start3A_131] : memref<128x136x128xf32, #tpu.memory_space<hbm>> -> memref<1x136x128xf32, #tpu.memory_space<hbm>>
        %dma_start3A_133 = tpu.memref_squeeze %dma_start3A_132 : memref<1x136x128xf32, #tpu.memory_space<hbm>> -> memref<136x128xf32, #tpu.memory_space<hbm>>
        tpu.enqueue_dma source(%dma_start3A_133 : memref<136x128xf32, #tpu.memory_space<hbm>>) target(%dma_start3A_129 : memref<136x128xf32, #tpu.memory_space<vmem>>) target_semaphore(%dma_start3A_127 : memref<!tpu.dma_semaphore, #tpu.memory_space<semaphore_mem>>)
      } else {
      }
      %add3A_92 = arith.addi %mul3A_4, %scan3A_85 : i32
      %mul3A_93 = arith.constant 136 : i32
      %mul3A_94 = arith.muli %rem3A_87, %mul3A_93 : i32
      %dma_wait3A = arith.constant 0 : i32
      %dma_wait3A_95 = tpu.memref_slice %arg6[%mul3A_94, %dma_wait3A] : memref<544x128xf32, #tpu.memory_space<vmem>> -> memref<136x128xf32, #tpu.memory_space<vmem>>
      %dma_wait3A_96 = arith.constant 0 : i32
      %dma_wait3A_97 = arith.constant 0 : i32
      %dma_wait3A_98 = tpu.memref_slice %arg2[%add3A_92, %dma_wait3A_96, %dma_wait3A_97] : memref<128x136x128xf32, #tpu.memory_space<hbm>> -> memref<1x136x128xf32, #tpu.memory_space<hbm>>
      %dma_wait3A_99 = tpu.memref_squeeze %dma_wait3A_98 : memref<1x136x128xf32, #tpu.memory_space<hbm>> -> memref<136x128xf32, #tpu.memory_space<hbm>>
      %dma_wait3A_100 = tpu.memref_slice %arg10[%rem3A_87] : memref<4x!tpu.dma_semaphore, #tpu.memory_space<semaphore_mem>> -> memref<1x!tpu.dma_semaphore, #tpu.memory_space<semaphore_mem>>
      %dma_wait3A_101 = tpu.memref_squeeze %dma_wait3A_100 : memref<1x!tpu.dma_semaphore, #tpu.memory_space<semaphore_mem>> -> memref<!tpu.dma_semaphore, #tpu.memory_space<semaphore_mem>>
      %dma_wait3A_102 = arith.constant 0 : i32
      %dma_wait3A_103 = tpu.memref_slice %arg6[%mul3A_94, %dma_wait3A_102] : memref<544x128xf32, #tpu.memory_space<vmem>> -> memref<136x128xf32, #tpu.memory_space<vmem>>
      %dma_wait3A_104 = arith.constant 0 : i32
      %dma_wait3A_105 = arith.constant 0 : i32
      %dma_wait3A_106 = tpu.memref_slice %arg2[%add3A_92, %dma_wait3A_104, %dma_wait3A_105] : memref<128x136x128xf32, #tpu.memory_space<hbm>> -> memref<1x136x128xf32, #tpu.memory_space<hbm>>
      %dma_wait3A_107 = tpu.memref_squeeze %dma_wait3A_106 : memref<1x136x128xf32, #tpu.memory_space<hbm>> -> memref<136x128xf32, #tpu.memory_space<hbm>>
      tpu.wait_dma2 semaphore(%dma_wait3A_101 : memref<!tpu.dma_semaphore, #tpu.memory_space<semaphore_mem>>) src(%dma_wait3A_107 : memref<136x128xf32, #tpu.memory_space<hbm>>) dst(%dma_wait3A_103 : memref<136x128xf32, #tpu.memory_space<vmem>>)
      %mul3A_108 = arith.constant 136 : i32
      %mul3A_109 = arith.muli %rem3A_87, %mul3A_108 : i32
      %add3A_110 = arith.addi %sub3A, %scan3A_85 : i32
      %parallel_loop3A = arith.constant 0 : i32
      %parallel_loop3A_111 = arith.constant 128 : i32
      %parallel_loop3A_112 = arith.constant 1 : i32
      scf.for %parallel_loop3A_113 = %parallel_loop3A to %parallel_loop3A_111 step %parallel_loop3A_112  : i32 {
        %parallel_loop3A_114 = arith.index_cast %add3A_110 : i32 to index
        %parallel_loop3A_115 = arith.index_cast %parallel_loop3A_113 : i32 to index
        %parallel_loop3A_116 = tpu.vector_load %arg7[%parallel_loop3A_114, %parallel_loop3A_115] {strides = array<i32>} : memref<8x144xi32, #tpu.memory_space<vmem>>, vector<16xi32>,
        %parallel_loop3A_117 = vector.extract_strided_slice %parallel_loop3A_116 {offsets = [0], sizes = [1], strides = [1]} : vector<16xi32> to vector<1xi32>
        %parallel_loop3A_118 = vector.extract %parallel_loop3A_117[0] : i32 from vector<1xi32>
        %parallel_loop3A_119 = arith.addi %mul3A_109, %parallel_loop3A_118 : i32
        %parallel_loop3A_120 = arith.constant 0 : i32
        %parallel_loop3A_121 = arith.index_cast %parallel_loop3A_120 : i32 to index
        %parallel_loop3A_122 = arith.index_cast %add3A_110 : i32 to index
        %parallel_loop3A_123 = arith.index_cast %parallel_loop3A_113 : i32 to index
        %parallel_loop3A_124 = tpu.vector_load %arg8[%parallel_loop3A_121, %parallel_loop3A_122, %parallel_loop3A_123] {strides = array<i32>} : memref<4x8x144xf32, #tpu.memory_space<vmem>>, vector<16xf32>,
        %parallel_loop3A_125 = vector.extract_strided_slice %parallel_loop3A_124 {offsets = [0], sizes = [1], strides = [1]} : vector<16xf32> to vector<1xf32>
        %parallel_loop3A_126 = vector.extract %parallel_loop3A_125[0] : f32 from vector<1xf32>
        %parallel_loop3A_127 = vector.broadcast %parallel_loop3A_126 : f32 to vector<16xf32>
        %parallel_loop3A_128 = arith.constant 1 : i32
        %parallel_loop3A_129 = arith.index_cast %parallel_loop3A_128 : i32 to index
        %parallel_loop3A_130 = arith.index_cast %add3A_110 : i32 to index
        %parallel_loop3A_131 = arith.index_cast %parallel_loop3A_113 : i32 to index
        %parallel_loop3A_132 = tpu.vector_load %arg8[%parallel_loop3A_129, %parallel_loop3A_130, %parallel_loop3A_131] {strides = array<i32>} : memref<4x8x144xf32, #tpu.memory_space<vmem>>, vector<16xf32>,
        %parallel_loop3A_133 = vector.extract_strided_slice %parallel_loop3A_132 {offsets = [0], sizes = [1], strides = [1]} : vector<16xf32> to vector<1xf32>
        %parallel_loop3A_134 = vector.extract %parallel_loop3A_133[0] : f32 from vector<1xf32>
        %parallel_loop3A_135 = vector.broadcast %parallel_loop3A_134 : f32 to vector<16xf32>
        %parallel_loop3A_136 = arith.constant 2 : i32
        %parallel_loop3A_137 = arith.index_cast %parallel_loop3A_136 : i32 to index
        %parallel_loop3A_138 = arith.index_cast %add3A_110 : i32 to index
        %parallel_loop3A_139 = arith.index_cast %parallel_loop3A_113 : i32 to index
        %parallel_loop3A_140 = tpu.vector_load %arg8[%parallel_loop3A_137, %parallel_loop3A_138, %parallel_loop3A_139] {strides = array<i32>} : memref<4x8x144xf32, #tpu.memory_space<vmem>>, vector<16xf32>,
        %parallel_loop3A_141 = vector.extract_strided_slice %parallel_loop3A_140 {offsets = [0], sizes = [1], strides = [1]} : vector<16xf32> to vector<1xf32>
        %parallel_loop3A_142 = vector.extract %parallel_loop3A_141[0] : f32 from vector<1xf32>
        %parallel_loop3A_143 = vector.broadcast %parallel_loop3A_142 : f32 to vector<16xf32>
        %parallel_loop3A_144 = arith.constant 3 : i32
        %parallel_loop3A_145 = arith.index_cast %parallel_loop3A_144 : i32 to index
        %parallel_loop3A_146 = arith.index_cast %add3A_110 : i32 to index
        %parallel_loop3A_147 = arith.index_cast %parallel_loop3A_113 : i32 to index
        %parallel_loop3A_148 = tpu.vector_load %arg8[%parallel_loop3A_145, %parallel_loop3A_146, %parallel_loop3A_147] {strides = array<i32>} : memref<4x8x144xf32, #tpu.memory_space<vmem>>, vector<16xf32>,
        %parallel_loop3A_149 = vector.extract_strided_slice %parallel_loop3A_148 {offsets = [0], sizes = [1], strides = [1]} : vector<16xf32> to vector<1xf32>
        %parallel_loop3A_150 = vector.extract %parallel_loop3A_149[0] : f32 from vector<1xf32>
        %parallel_loop3A_151 = vector.broadcast %parallel_loop3A_150 : f32 to vector<16xf32>
        %parallel_loop3A_152 = arith.index_cast %parallel_loop3A_119 : i32 to index
        %parallel_loop3A_153 = arith.constant 0 : index
        %parallel_loop3A_154 = tpu.vector_load %arg6[%parallel_loop3A_152, %parallel_loop3A_153] {strides = array<i32>} : memref<544x128xf32, #tpu.memory_space<vmem>>, vector<16xf32>,
        %parallel_loop3A_155 = arith.mulf %parallel_loop3A_154, %parallel_loop3A_127 : vector<16xf32>
        %parallel_loop3A_156 = arith.constant 1 : i32
        %parallel_loop3A_157 = arith.addi %parallel_loop3A_119, %parallel_loop3A_156 : i32
        %parallel_loop3A_158 = arith.index_cast %parallel_loop3A_157 : i32 to index
        %parallel_loop3A_159 = arith.constant 0 : index
        %parallel_loop3A_160 = tpu.vector_load %arg6[%parallel_loop3A_158, %parallel_loop3A_159] {strides = array<i32>} : memref<544x128xf32, #tpu.memory_space<vmem>>, vector<16xf32>,
        %parallel_loop3A_161 = arith.mulf %parallel_loop3A_160, %parallel_loop3A_135 : vector<16xf32>
        %parallel_loop3A_162 = arith.addf %parallel_loop3A_155, %parallel_loop3A_161 : vector<16xf32>
        %parallel_loop3A_163 = arith.constant 2 : i32
        %parallel_loop3A_164 = arith.addi %parallel_loop3A_119, %parallel_loop3A_163 : i32
        %parallel_loop3A_165 = arith.index_cast %parallel_loop3A_164 : i32 to index
        %parallel_loop3A_166 = arith.constant 0 : index
        %parallel_loop3A_167 = tpu.vector_load %arg6[%parallel_loop3A_165, %parallel_loop3A_166] {strides = array<i32>} : memref<544x128xf32, #tpu.memory_space<vmem>>, vector<16xf32>,
        %parallel_loop3A_168 = arith.mulf %parallel_loop3A_167, %parallel_loop3A_143 : vector<16xf32>
        %parallel_loop3A_169 = arith.addf %parallel_loop3A_162, %parallel_loop3A_168 : vector<16xf32>
        %parallel_loop3A_170 = arith.constant 3 : i32
        %parallel_loop3A_171 = arith.addi %parallel_loop3A_119, %parallel_loop3A_170 : i32
        %parallel_loop3A_172 = arith.index_cast %parallel_loop3A_171 : i32 to index
        %parallel_loop3A_173 = arith.constant 0 : index
        %parallel_loop3A_174 = tpu.vector_load %arg6[%parallel_loop3A_172, %parallel_loop3A_173] {strides = array<i32>} : memref<544x128xf32, #tpu.memory_space<vmem>>, vector<16xf32>,
        %parallel_loop3A_175 = arith.mulf %parallel_loop3A_174, %parallel_loop3A_151 : vector<16xf32>
        %parallel_loop3A_176 = arith.addf %parallel_loop3A_169, %parallel_loop3A_175 : vector<16xf32>
        %parallel_loop3A_177 = arith.index_cast %parallel_loop3A_113 : i32 to index
        %parallel_loop3A_178 = arith.constant 0 : index
        %parallel_loop3A_179 = tpu.vector_load %arg9[%parallel_loop3A_177, %parallel_loop3A_178] {strides = array<i32>} : memref<128x128xf32, #tpu.memory_space<vmem>>, vector<16xf32>,
        tpu.vector_store %arg9[%parallel_loop3A_177, %parallel_loop3A_178], %parallel_loop3A_176 {add = true, strides = array<i32>} : memref<128x128xf32, #tpu.memory_space<vmem>>, vector<16xf32>,
        %parallel_loop3A_180 = arith.index_cast %parallel_loop3A_119 : i32 to index
        %parallel_loop3A_181 = arith.constant 16 : index
        %parallel_loop3A_182 = tpu.vector_load %arg6[%parallel_loop3A_180, %parallel_loop3A_181] {strides = array<i32>} : memref<544x128xf32, #tpu.memory_space<vmem>>, vector<16xf32>,
        %parallel_loop3A_183 = arith.mulf %parallel_loop3A_182, %parallel_loop3A_127 : vector<16xf32>
        %parallel_loop3A_184 = arith.constant 1 : i32
        %parallel_loop3A_185 = arith.addi %parallel_loop3A_119, %parallel_loop3A_184 : i32
        %parallel_loop3A_186 = arith.index_cast %parallel_loop3A_185 : i32 to index
        %parallel_loop3A_187 = arith.constant 16 : index
        %parallel_loop3A_188 = tpu.vector_load %arg6[%parallel_loop3A_186, %parallel_loop3A_187] {strides = array<i32>} : memref<544x128xf32, #tpu.memory_space<vmem>>, vector<16xf32>,
        %parallel_loop3A_189 = arith.mulf %parallel_loop3A_188, %parallel_loop3A_135 : vector<16xf32>
        %parallel_loop3A_190 = arith.addf %parallel_loop3A_183, %parallel_loop3A_189 : vector<16xf32>
        %parallel_loop3A_191 = arith.constant 2 : i32
        %parallel_loop3A_192 = arith.addi %parallel_loop3A_119, %parallel_loop3A_191 : i32
        %parallel_loop3A_193 = arith.index_cast %parallel_loop3A_192 : i32 to index
        %parallel_loop3A_194 = arith.constant 16 : index
        %parallel_loop3A_195 = tpu.vector_load %arg6[%parallel_loop3A_193, %parallel_loop3A_194] {strides = array<i32>} : memref<544x128xf32, #tpu.memory_space<vmem>>, vector<16xf32>,
        %parallel_loop3A_196 = arith.mulf %parallel_loop3A_195, %parallel_loop3A_143 : vector<16xf32>
        %parallel_loop3A_197 = arith.addf %parallel_loop3A_190, %parallel_loop3A_196 : vector<16xf32>
        %parallel_loop3A_198 = arith.constant 3 : i32
        %parallel_loop3A_199 = arith.addi %parallel_loop3A_119, %parallel_loop3A_198 : i32
        %parallel_loop3A_200 = arith.index_cast %parallel_loop3A_199 : i32 to index
        %parallel_loop3A_201 = arith.constant 16 : index
        %parallel_loop3A_202 = tpu.vector_load %arg6[%parallel_loop3A_200, %parallel_loop3A_201] {strides = array<i32>} : memref<544x128xf32, #tpu.memory_space<vmem>>, vector<16xf32>,
        %parallel_loop3A_203 = arith.mulf %parallel_loop3A_202, %parallel_loop3A_151 : vector<16xf32>
        %parallel_loop3A_204 = arith.addf %parallel_loop3A_197, %parallel_loop3A_203 : vector<16xf32>
        %parallel_loop3A_205 = arith.index_cast %parallel_loop3A_113 : i32 to index
        %parallel_loop3A_206 = arith.constant 16 : index
        %parallel_loop3A_207 = tpu.vector_load %arg9[%parallel_loop3A_205, %parallel_loop3A_206] {strides = array<i32>} : memref<128x128xf32, #tpu.memory_space<vmem>>, vector<16xf32>,
        tpu.vector_store %arg9[%parallel_loop3A_205, %parallel_loop3A_206], %parallel_loop3A_204 {add = true, strides = array<i32>} : memref<128x128xf32, #tpu.memory_space<vmem>>, vector<16xf32>,
        %parallel_loop3A_208 = arith.index_cast %parallel_loop3A_119 : i32 to index
        %parallel_loop3A_209 = arith.constant 32 : index
        %parallel_loop3A_210 = tpu.vector_load %arg6[%parallel_loop3A_208, %parallel_loop3A_209] {strides = array<i32>} : memref<544x128xf32, #tpu.memory_space<vmem>>, vector<16xf32>,
        %parallel_loop3A_211 = arith.mulf %parallel_loop3A_210, %parallel_loop3A_127 : vector<16xf32>
        %parallel_loop3A_212 = arith.constant 1 : i32
        %parallel_loop3A_213 = arith.addi %parallel_loop3A_119, %parallel_loop3A_212 : i32
        %parallel_loop3A_214 = arith.index_cast %parallel_loop3A_213 : i32 to index
        %parallel_loop3A_215 = arith.constant 32 : index
        %parallel_loop3A_216 = tpu.vector_load %arg6[%parallel_loop3A_214, %parallel_loop3A_215] {strides = array<i32>} : memref<544x128xf32, #tpu.memory_space<vmem>>, vector<16xf32>,
        %parallel_loop3A_217 = arith.mulf %parallel_loop3A_216, %parallel_loop3A_135 : vector<16xf32>
        %parallel_loop3A_218 = arith.addf %parallel_loop3A_211, %parallel_loop3A_217 : vector<16xf32>
        %parallel_loop3A_219 = arith.constant 2 : i32
        %parallel_loop3A_220 = arith.addi %parallel_loop3A_119, %parallel_loop3A_219 : i32
        %parallel_loop3A_221 = arith.index_cast %parallel_loop3A_220 : i32 to index
        %parallel_loop3A_222 = arith.constant 32 : index
        %parallel_loop3A_223 = tpu.vector_load %arg6[%parallel_loop3A_221, %parallel_loop3A_222] {strides = array<i32>} : memref<544x128xf32, #tpu.memory_space<vmem>>, vector<16xf32>,
        %parallel_loop3A_224 = arith.mulf %parallel_loop3A_223, %parallel_loop3A_143 : vector<16xf32>
        %parallel_loop3A_225 = arith.addf %parallel_loop3A_218, %parallel_loop3A_224 : vector<16xf32>
        %parallel_loop3A_226 = arith.constant 3 : i32
        %parallel_loop3A_227 = arith.addi %parallel_loop3A_119, %parallel_loop3A_226 : i32
        %parallel_loop3A_228 = arith.index_cast %parallel_loop3A_227 : i32 to index
        %parallel_loop3A_229 = arith.constant 32 : index
        %parallel_loop3A_230 = tpu.vector_load %arg6[%parallel_loop3A_228, %parallel_loop3A_229] {strides = array<i32>} : memref<544x128xf32, #tpu.memory_space<vmem>>, vector<16xf32>,
        %parallel_loop3A_231 = arith.mulf %parallel_loop3A_230, %parallel_loop3A_151 : vector<16xf32>
        %parallel_loop3A_232 = arith.addf %parallel_loop3A_225, %parallel_loop3A_231 : vector<16xf32>
        %parallel_loop3A_233 = arith.index_cast %parallel_loop3A_113 : i32 to index
        %parallel_loop3A_234 = arith.constant 32 : index
        %parallel_loop3A_235 = tpu.vector_load %arg9[%parallel_loop3A_233, %parallel_loop3A_234] {strides = array<i32>} : memref<128x128xf32, #tpu.memory_space<vmem>>, vector<16xf32>,
        tpu.vector_store %arg9[%parallel_loop3A_233, %parallel_loop3A_234], %parallel_loop3A_232 {add = true, strides = array<i32>} : memref<128x128xf32, #tpu.memory_space<vmem>>, vector<16xf32>,
        %parallel_loop3A_236 = arith.index_cast %parallel_loop3A_119 : i32 to index
        %parallel_loop3A_237 = arith.constant 48 : index
        %parallel_loop3A_238 = tpu.vector_load %arg6[%parallel_loop3A_236, %parallel_loop3A_237] {strides = array<i32>} : memref<544x128xf32, #tpu.memory_space<vmem>>, vector<16xf32>,
        %parallel_loop3A_239 = arith.mulf %parallel_loop3A_238, %parallel_loop3A_127 : vector<16xf32>
        %parallel_loop3A_240 = arith.constant 1 : i32
        %parallel_loop3A_241 = arith.addi %parallel_loop3A_119, %parallel_loop3A_240 : i32
        %parallel_loop3A_242 = arith.index_cast %parallel_loop3A_241 : i32 to index
        %parallel_loop3A_243 = arith.constant 48 : index
        %parallel_loop3A_244 = tpu.vector_load %arg6[%parallel_loop3A_242, %parallel_loop3A_243] {strides = array<i32>} : memref<544x128xf32, #tpu.memory_space<vmem>>, vector<16xf32>,
        %parallel_loop3A_245 = arith.mulf %parallel_loop3A_244, %parallel_loop3A_135 : vector<16xf32>
        %parallel_loop3A_246 = arith.addf %parallel_loop3A_239, %parallel_loop3A_245 : vector<16xf32>
        %parallel_loop3A_247 = arith.constant 2 : i32
        %parallel_loop3A_248 = arith.addi %parallel_loop3A_119, %parallel_loop3A_247 : i32
        %parallel_loop3A_249 = arith.index_cast %parallel_loop3A_248 : i32 to index
        %parallel_loop3A_250 = arith.constant 48 : index
        %parallel_loop3A_251 = tpu.vector_load %arg6[%parallel_loop3A_249, %parallel_loop3A_250] {strides = array<i32>} : memref<544x128xf32, #tpu.memory_space<vmem>>, vector<16xf32>,
        %parallel_loop3A_252 = arith.mulf %parallel_loop3A_251, %parallel_loop3A_143 : vector<16xf32>
        %parallel_loop3A_253 = arith.addf %parallel_loop3A_246, %parallel_loop3A_252 : vector<16xf32>
        %parallel_loop3A_254 = arith.constant 3 : i32
        %parallel_loop3A_255 = arith.addi %parallel_loop3A_119, %parallel_loop3A_254 : i32
        %parallel_loop3A_256 = arith.index_cast %parallel_loop3A_255 : i32 to index
        %parallel_loop3A_257 = arith.constant 48 : index
        %parallel_loop3A_258 = tpu.vector_load %arg6[%parallel_loop3A_256, %parallel_loop3A_257] {strides = array<i32>} : memref<544x128xf32, #tpu.memory_space<vmem>>, vector<16xf32>,
        %parallel_loop3A_259 = arith.mulf %parallel_loop3A_258, %parallel_loop3A_151 : vector<16xf32>
        %parallel_loop3A_260 = arith.addf %parallel_loop3A_253, %parallel_loop3A_259 : vector<16xf32>
        %parallel_loop3A_261 = arith.index_cast %parallel_loop3A_113 : i32 to index
        %parallel_loop3A_262 = arith.constant 48 : index
        %parallel_loop3A_263 = tpu.vector_load %arg9[%parallel_loop3A_261, %parallel_loop3A_262] {strides = array<i32>} : memref<128x128xf32, #tpu.memory_space<vmem>>, vector<16xf32>,
        tpu.vector_store %arg9[%parallel_loop3A_261, %parallel_loop3A_262], %parallel_loop3A_260 {add = true, strides = array<i32>} : memref<128x128xf32, #tpu.memory_space<vmem>>, vector<16xf32>,
        %parallel_loop3A_264 = arith.index_cast %parallel_loop3A_119 : i32 to index
        %parallel_loop3A_265 = arith.constant 64 : index
        %parallel_loop3A_266 = tpu.vector_load %arg6[%parallel_loop3A_264, %parallel_loop3A_265] {strides = array<i32>} : memref<544x128xf32, #tpu.memory_space<vmem>>, vector<16xf32>,
        %parallel_loop3A_267 = arith.mulf %parallel_loop3A_266, %parallel_loop3A_127 : vector<16xf32>
        %parallel_loop3A_268 = arith.constant 1 : i32
        %parallel_loop3A_269 = arith.addi %parallel_loop3A_119, %parallel_loop3A_268 : i32
        %parallel_loop3A_270 = arith.index_cast %parallel_loop3A_269 : i32 to index
        %parallel_loop3A_271 = arith.constant 64 : index
        %parallel_loop3A_272 = tpu.vector_load %arg6[%parallel_loop3A_270, %parallel_loop3A_271] {strides = array<i32>} : memref<544x128xf32, #tpu.memory_space<vmem>>, vector<16xf32>,
        %parallel_loop3A_273 = arith.mulf %parallel_loop3A_272, %parallel_loop3A_135 : vector<16xf32>
        %parallel_loop3A_274 = arith.addf %parallel_loop3A_267, %parallel_loop3A_273 : vector<16xf32>
        %parallel_loop3A_275 = arith.constant 2 : i32
        %parallel_loop3A_276 = arith.addi %parallel_loop3A_119, %parallel_loop3A_275 : i32
        %parallel_loop3A_277 = arith.index_cast %parallel_loop3A_276 : i32 to index
        %parallel_loop3A_278 = arith.constant 64 : index
        %parallel_loop3A_279 = tpu.vector_load %arg6[%parallel_loop3A_277, %parallel_loop3A_278] {strides = array<i32>} : memref<544x128xf32, #tpu.memory_space<vmem>>, vector<16xf32>,
        %parallel_loop3A_280 = arith.mulf %parallel_loop3A_279, %parallel_loop3A_143 : vector<16xf32>
        %parallel_loop3A_281 = arith.addf %parallel_loop3A_274, %parallel_loop3A_280 : vector<16xf32>
        %parallel_loop3A_282 = arith.constant 3 : i32
        %parallel_loop3A_283 = arith.addi %parallel_loop3A_119, %parallel_loop3A_282 : i32
        %parallel_loop3A_284 = arith.index_cast %parallel_loop3A_283 : i32 to index
        %parallel_loop3A_285 = arith.constant 64 : index
        %parallel_loop3A_286 = tpu.vector_load %arg6[%parallel_loop3A_284, %parallel_loop3A_285] {strides = array<i32>} : memref<544x128xf32, #tpu.memory_space<vmem>>, vector<16xf32>,
        %parallel_loop3A_287 = arith.mulf %parallel_loop3A_286, %parallel_loop3A_151 : vector<16xf32>
        %parallel_loop3A_288 = arith.addf %parallel_loop3A_281, %parallel_loop3A_287 : vector<16xf32>
        %parallel_loop3A_289 = arith.index_cast %parallel_loop3A_113 : i32 to index
        %parallel_loop3A_290 = arith.constant 64 : index
        %parallel_loop3A_291 = tpu.vector_load %arg9[%parallel_loop3A_289, %parallel_loop3A_290] {strides = array<i32>} : memref<128x128xf32, #tpu.memory_space<vmem>>, vector<16xf32>,
        tpu.vector_store %arg9[%parallel_loop3A_289, %parallel_loop3A_290], %parallel_loop3A_288 {add = true, strides = array<i32>} : memref<128x128xf32, #tpu.memory_space<vmem>>, vector<16xf32>,
        %parallel_loop3A_292 = arith.index_cast %parallel_loop3A_119 : i32 to index
        %parallel_loop3A_293 = arith.constant 80 : index
        %parallel_loop3A_294 = tpu.vector_load %arg6[%parallel_loop3A_292, %parallel_loop3A_293] {strides = array<i32>} : memref<544x128xf32, #tpu.memory_space<vmem>>, vector<16xf32>,
        %parallel_loop3A_295 = arith.mulf %parallel_loop3A_294, %parallel_loop3A_127 : vector<16xf32>
        %parallel_loop3A_296 = arith.constant 1 : i32
        %parallel_loop3A_297 = arith.addi %parallel_loop3A_119, %parallel_loop3A_296 : i32
        %parallel_loop3A_298 = arith.index_cast %parallel_loop3A_297 : i32 to index
        %parallel_loop3A_299 = arith.constant 80 : index
        %parallel_loop3A_300 = tpu.vector_load %arg6[%parallel_loop3A_298, %parallel_loop3A_299] {strides = array<i32>} : memref<544x128xf32, #tpu.memory_space<vmem>>, vector<16xf32>,
        %parallel_loop3A_301 = arith.mulf %parallel_loop3A_300, %parallel_loop3A_135 : vector<16xf32>
        %parallel_loop3A_302 = arith.addf %parallel_loop3A_295, %parallel_loop3A_301 : vector<16xf32>
        %parallel_loop3A_303 = arith.constant 2 : i32
        %parallel_loop3A_304 = arith.addi %parallel_loop3A_119, %parallel_loop3A_303 : i32
        %parallel_loop3A_305 = arith.index_cast %parallel_loop3A_304 : i32 to index
        %parallel_loop3A_306 = arith.constant 80 : index
        %parallel_loop3A_307 = tpu.vector_load %arg6[%parallel_loop3A_305, %parallel_loop3A_306] {strides = array<i32>} : memref<544x128xf32, #tpu.memory_space<vmem>>, vector<16xf32>,
        %parallel_loop3A_308 = arith.mulf %parallel_loop3A_307, %parallel_loop3A_143 : vector<16xf32>
        %parallel_loop3A_309 = arith.addf %parallel_loop3A_302, %parallel_loop3A_308 : vector<16xf32>
        %parallel_loop3A_310 = arith.constant 3 : i32
        %parallel_loop3A_311 = arith.addi %parallel_loop3A_119, %parallel_loop3A_310 : i32
        %parallel_loop3A_312 = arith.index_cast %parallel_loop3A_311 : i32 to index
        %parallel_loop3A_313 = arith.constant 80 : index
        %parallel_loop3A_314 = tpu.vector_load %arg6[%parallel_loop3A_312, %parallel_loop3A_313] {strides = array<i32>} : memref<544x128xf32, #tpu.memory_space<vmem>>, vector<16xf32>,
        %parallel_loop3A_315 = arith.mulf %parallel_loop3A_314, %parallel_loop3A_151 : vector<16xf32>
        %parallel_loop3A_316 = arith.addf %parallel_loop3A_309, %parallel_loop3A_315 : vector<16xf32>
        %parallel_loop3A_317 = arith.index_cast %parallel_loop3A_113 : i32 to index
        %parallel_loop3A_318 = arith.constant 80 : index
        %parallel_loop3A_319 = tpu.vector_load %arg9[%parallel_loop3A_317, %parallel_loop3A_318] {strides = array<i32>} : memref<128x128xf32, #tpu.memory_space<vmem>>, vector<16xf32>,
        tpu.vector_store %arg9[%parallel_loop3A_317, %parallel_loop3A_318], %parallel_loop3A_316 {add = true, strides = array<i32>} : memref<128x128xf32, #tpu.memory_space<vmem>>, vector<16xf32>,
        %parallel_loop3A_320 = arith.index_cast %parallel_loop3A_119 : i32 to index
        %parallel_loop3A_321 = arith.constant 96 : index
        %parallel_loop3A_322 = tpu.vector_load %arg6[%parallel_loop3A_320, %parallel_loop3A_321] {strides = array<i32>} : memref<544x128xf32, #tpu.memory_space<vmem>>, vector<16xf32>,
        %parallel_loop3A_323 = arith.mulf %parallel_loop3A_322, %parallel_loop3A_127 : vector<16xf32>
        %parallel_loop3A_324 = arith.constant 1 : i32
        %parallel_loop3A_325 = arith.addi %parallel_loop3A_119, %parallel_loop3A_324 : i32
        %parallel_loop3A_326 = arith.index_cast %parallel_loop3A_325 : i32 to index
        %parallel_loop3A_327 = arith.constant 96 : index
        %parallel_loop3A_328 = tpu.vector_load %arg6[%parallel_loop3A_326, %parallel_loop3A_327] {strides = array<i32>} : memref<544x128xf32, #tpu.memory_space<vmem>>, vector<16xf32>,
        %parallel_loop3A_329 = arith.mulf %parallel_loop3A_328, %parallel_loop3A_135 : vector<16xf32>
        %parallel_loop3A_330 = arith.addf %parallel_loop3A_323, %parallel_loop3A_329 : vector<16xf32>
        %parallel_loop3A_331 = arith.constant 2 : i32
        %parallel_loop3A_332 = arith.addi %parallel_loop3A_119, %parallel_loop3A_331 : i32
        %parallel_loop3A_333 = arith.index_cast %parallel_loop3A_332 : i32 to index
        %parallel_loop3A_334 = arith.constant 96 : index
        %parallel_loop3A_335 = tpu.vector_load %arg6[%parallel_loop3A_333, %parallel_loop3A_334] {strides = array<i32>} : memref<544x128xf32, #tpu.memory_space<vmem>>, vector<16xf32>,
        %parallel_loop3A_336 = arith.mulf %parallel_loop3A_335, %parallel_loop3A_143 : vector<16xf32>
        %parallel_loop3A_337 = arith.addf %parallel_loop3A_330, %parallel_loop3A_336 : vector<16xf32>
        %parallel_loop3A_338 = arith.constant 3 : i32
        %parallel_loop3A_339 = arith.addi %parallel_loop3A_119, %parallel_loop3A_338 : i32
        %parallel_loop3A_340 = arith.index_cast %parallel_loop3A_339 : i32 to index
        %parallel_loop3A_341 = arith.constant 96 : index
        %parallel_loop3A_342 = tpu.vector_load %arg6[%parallel_loop3A_340, %parallel_loop3A_341] {strides = array<i32>} : memref<544x128xf32, #tpu.memory_space<vmem>>, vector<16xf32>,
        %parallel_loop3A_343 = arith.mulf %parallel_loop3A_342, %parallel_loop3A_151 : vector<16xf32>
        %parallel_loop3A_344 = arith.addf %parallel_loop3A_337, %parallel_loop3A_343 : vector<16xf32>
        %parallel_loop3A_345 = arith.index_cast %parallel_loop3A_113 : i32 to index
        %parallel_loop3A_346 = arith.constant 96 : index
        %parallel_loop3A_347 = tpu.vector_load %arg9[%parallel_loop3A_345, %parallel_loop3A_346] {strides = array<i32>} : memref<128x128xf32, #tpu.memory_space<vmem>>, vector<16xf32>,
        tpu.vector_store %arg9[%parallel_loop3A_345, %parallel_loop3A_346], %parallel_loop3A_344 {add = true, strides = array<i32>} : memref<128x128xf32, #tpu.memory_space<vmem>>, vector<16xf32>,
        %parallel_loop3A_348 = arith.index_cast %parallel_loop3A_119 : i32 to index
        %parallel_loop3A_349 = arith.constant 112 : index
        %parallel_loop3A_350 = tpu.vector_load %arg6[%parallel_loop3A_348, %parallel_loop3A_349] {strides = array<i32>} : memref<544x128xf32, #tpu.memory_space<vmem>>, vector<16xf32>,
        %parallel_loop3A_351 = arith.mulf %parallel_loop3A_350, %parallel_loop3A_127 : vector<16xf32>
        %parallel_loop3A_352 = arith.constant 1 : i32
        %parallel_loop3A_353 = arith.addi %parallel_loop3A_119, %parallel_loop3A_352 : i32
        %parallel_loop3A_354 = arith.index_cast %parallel_loop3A_353 : i32 to index
        %parallel_loop3A_355 = arith.constant 112 : index
        %parallel_loop3A_356 = tpu.vector_load %arg6[%parallel_loop3A_354, %parallel_loop3A_355] {strides = array<i32>} : memref<544x128xf32, #tpu.memory_space<vmem>>, vector<16xf32>,
        %parallel_loop3A_357 = arith.mulf %parallel_loop3A_356, %parallel_loop3A_135 : vector<16xf32>
        %parallel_loop3A_358 = arith.addf %parallel_loop3A_351, %parallel_loop3A_357 : vector<16xf32>
        %parallel_loop3A_359 = arith.constant 2 : i32
        %parallel_loop3A_360 = arith.addi %parallel_loop3A_119, %parallel_loop3A_359 : i32
        %parallel_loop3A_361 = arith.index_cast %parallel_loop3A_360 : i32 to index
        %parallel_loop3A_362 = arith.constant 112 : index
        %parallel_loop3A_363 = tpu.vector_load %arg6[%parallel_loop3A_361, %parallel_loop3A_362] {strides = array<i32>} : memref<544x128xf32, #tpu.memory_space<vmem>>, vector<16xf32>,
        %parallel_loop3A_364 = arith.mulf %parallel_loop3A_363, %parallel_loop3A_143 : vector<16xf32>
        %parallel_loop3A_365 = arith.addf %parallel_loop3A_358, %parallel_loop3A_364 : vector<16xf32>
        %parallel_loop3A_366 = arith.constant 3 : i32
        %parallel_loop3A_367 = arith.addi %parallel_loop3A_119, %parallel_loop3A_366 : i32
        %parallel_loop3A_368 = arith.index_cast %parallel_loop3A_367 : i32 to index
        %parallel_loop3A_369 = arith.constant 112 : index
        %parallel_loop3A_370 = tpu.vector_load %arg6[%parallel_loop3A_368, %parallel_loop3A_369] {strides = array<i32>} : memref<544x128xf32, #tpu.memory_space<vmem>>, vector<16xf32>,
        %parallel_loop3A_371 = arith.mulf %parallel_loop3A_370, %parallel_loop3A_151 : vector<16xf32>
        %parallel_loop3A_372 = arith.addf %parallel_loop3A_365, %parallel_loop3A_371 : vector<16xf32>
        %parallel_loop3A_373 = arith.index_cast %parallel_loop3A_113 : i32 to index
        %parallel_loop3A_374 = arith.constant 112 : index
        %parallel_loop3A_375 = tpu.vector_load %arg9[%parallel_loop3A_373, %parallel_loop3A_374] {strides = array<i32>} : memref<128x128xf32, #tpu.memory_space<vmem>>, vector<16xf32>,
        tpu.vector_store %arg9[%parallel_loop3A_373, %parallel_loop3A_374], %parallel_loop3A_372 {add = true, strides = array<i32>} : memref<128x128xf32, #tpu.memory_space<vmem>>, vector<16xf32>,
      } {sc.loop_unroll_factor = 1 : i64, sc.parallel_access}
    }
    %scan3A_84 = arith.constant 4 : i32
    "tpu.region"() ({
      %run_scoped3A_85 = tpu.sem_alloc : memref<!tpu.dma_semaphore, #tpu.memory_space<semaphore_mem>>
      %dma_start3A_86 = arith.constant 0 : i32
      %dma_start3A_87 = tpu.memref_slice %arg5[%div3A_1, %mul3A_6, %dma_start3A_86] : memref<32x128x128xf32, #tpu.memory_space<hbm>> -> memref<1x128x128xf32, #tpu.memory_space<hbm>>
      %dma_start3A_88 = tpu.memref_squeeze %dma_start3A_87 : memref<1x128x128xf32, #tpu.memory_space<hbm>> -> memref<128x128xf32, #tpu.memory_space<hbm>>
      %dma_start3A_89 = arith.constant 0 : i32
      %dma_start3A_90 = tpu.memref_slice %arg5[%div3A_1, %mul3A_6, %dma_start3A_89] : memref<32x128x128xf32, #tpu.memory_space<hbm>> -> memref<1x128x128xf32, #tpu.memory_space<hbm>>
      %dma_start3A_91 = tpu.memref_squeeze %dma_start3A_90 : memref<1x128x128xf32, #tpu.memory_space<hbm>> -> memref<128x128xf32, #tpu.memory_space<hbm>>
      tpu.enqueue_dma source(%arg9 : memref<128x128xf32, #tpu.memory_space<vmem>>) target(%dma_start3A_91 : memref<128x128xf32, #tpu.memory_space<hbm>>) target_semaphore(%run_scoped3A_85 : memref<!tpu.dma_semaphore, #tpu.memory_space<semaphore_mem>>)
      %dma_wait3A = arith.constant 0 : i32
      %dma_wait3A_92 = tpu.memref_slice %arg5[%div3A_1, %mul3A_6, %dma_wait3A] : memref<32x128x128xf32, #tpu.memory_space<hbm>> -> memref<1x128x128xf32, #tpu.memory_space<hbm>>
      %dma_wait3A_93 = tpu.memref_squeeze %dma_wait3A_92 : memref<1x128x128xf32, #tpu.memory_space<hbm>> -> memref<128x128xf32, #tpu.memory_space<hbm>>
      %dma_wait3A_94 = arith.constant 0 : i32
      %dma_wait3A_95 = tpu.memref_slice %arg5[%div3A_1, %mul3A_6, %dma_wait3A_94] : memref<32x128x128xf32, #tpu.memory_space<hbm>> -> memref<1x128x128xf32, #tpu.memory_space<hbm>>
      %dma_wait3A_96 = tpu.memref_squeeze %dma_wait3A_95 : memref<1x128x128xf32, #tpu.memory_space<hbm>> -> memref<128x128xf32, #tpu.memory_space<hbm>>
      tpu.wait_dma2 semaphore(%run_scoped3A_85 : memref<!tpu.dma_semaphore, #tpu.memory_space<semaphore_mem>>) src(%arg9 : memref<128x128xf32, #tpu.memory_space<vmem>>) dst(%dma_wait3A_96 : memref<128x128xf32, #tpu.memory_space<hbm>>)
      tpu.yield
    }) : () -> ()
    return
  }
}

module attributes {stable_mosaic.version = 14 : i64} {
  func.func @_basis_body(%arg0: memref<128x1024xf32, #tpu.memory_space<vmem>>, %arg1: memref<128x128xi32, #tpu.memory_space<vmem>>, %arg2: memref<4x128x128xf32, #tpu.memory_space<vmem>>) attributes {dimension_semantics = [], scalar_prefetch = 0 : i64, scratch_operands = 0 : i64, tpu.core_type = #tpu.core_type<tc>} {
    %get3A = arith.constant 0 : index
    %get3A_0 = arith.constant 0 : index
    %get3A_1 = vector.load %arg0[%get3A, %get3A_0] : memref<128x1024xf32, #tpu.memory_space<vmem>>, vector<128x1024xf32>
    %slice3A = vector.extract_strided_slice %get3A_1 {offsets = [0, 0], sizes = [128, 128], strides = [1, 1]} : vector<128x1024xf32> to vector<128x128xf32>
    %add3A = arith.constant 1.000000e+00 : f32
    %add3A_2 = vector.broadcast %add3A : f32 to vector<128x128xf32>
    %add3A_3 = arith.addf %slice3A, %add3A_2 : vector<128x128xf32>
    %mul3A = arith.constant 6.400000e+01 : f32
    %mul3A_4 = vector.broadcast %mul3A : f32 to vector<128x128xf32>
    %mul3A_5 = arith.mulf %add3A_3, %mul3A_4 : vector<128x128xf32>
    %floor3A = math.floor %mul3A_5 : vector<128x128xf32>
    %convert_element_type3A = arith.fptosi %floor3A : vector<128x128xf32> to vector<128x128xi32>
    %add3A_6 = arith.constant 3 : i32
    %add3A_7 = vector.broadcast %add3A_6 : i32 to vector<128x128xi32>
    %add3A_8 = arith.addi %add3A_7, %convert_element_type3A : vector<128x128xi32>
    %jit3A = arith.constant 3 : i32
    %jit3A_9 = arith.constant 130 : i32
    %max3A = vector.broadcast %jit3A : i32 to vector<128x128xi32>
    %max3A_10 = arith.maxsi %max3A, %add3A_8 : vector<128x128xi32>
    %min3A = vector.broadcast %jit3A_9 : i32 to vector<128x128xi32>
    %min3A_11 = arith.minsi %min3A, %max3A_10 : vector<128x128xi32>
    %broadcast_in_dim3A = arith.constant 1.000000e+00 : f32
    %broadcast_in_dim3A_12 = vector.broadcast %broadcast_in_dim3A : f32 to vector<128x128xf32>
    %add3A_13 = arith.constant 0 : i32
    %add3A_14 = vector.broadcast %add3A_13 : i32 to vector<128x128xi32>
    %add3A_15 = arith.addi %min3A_11, %add3A_14 : vector<128x128xi32>
    %convert_element_type3A_16 = arith.sitofp %add3A_15 : vector<128x128xi32> to vector<128x128xf32>
    %sub3A = arith.constant 3.000000e+00 : f32
    %sub3A_17 = vector.broadcast %sub3A : f32 to vector<128x128xf32>
    %sub3A_18 = arith.subf %convert_element_type3A_16, %sub3A_17 : vector<128x128xf32>
    %mul3A_19 = arith.constant 1.562500e-02 : f32
    %mul3A_20 = vector.broadcast %mul3A_19 : f32 to vector<128x128xf32>
    %mul3A_21 = arith.mulf %sub3A_18, %mul3A_20 : vector<128x128xf32>
    %add3A_22 = arith.constant -1.000000e+00 : f32
    %add3A_23 = vector.broadcast %add3A_22 : f32 to vector<128x128xf32>
    %add3A_24 = arith.addf %add3A_23, %mul3A_21 : vector<128x128xf32>
    %jit3A_25 = arith.constant -1.000000e+00 : f32
    %jit3A_26 = arith.constant 1.000000e+00 : f32
    %max3A_27 = vector.broadcast %jit3A_25 : f32 to vector<128x128xf32>
    %max3A_28 = arith.maximumf %max3A_27, %add3A_24 : vector<128x128xf32>
    %min3A_29 = vector.broadcast %jit3A_26 : f32 to vector<128x128xf32>
    %min3A_30 = arith.minimumf %min3A_29, %max3A_28 : vector<128x128xf32>
    %sub3A_31 = arith.subf %slice3A, %min3A_30 : vector<128x128xf32>
    %add3A_32 = arith.constant 1 : i32
    %add3A_33 = vector.broadcast %add3A_32 : i32 to vector<128x128xi32>
    %add3A_34 = arith.addi %min3A_11, %add3A_33 : vector<128x128xi32>
    %convert_element_type3A_35 = arith.sitofp %add3A_34 : vector<128x128xi32> to vector<128x128xf32>
    %sub3A_36 = arith.constant 3.000000e+00 : f32
    %sub3A_37 = vector.broadcast %sub3A_36 : f32 to vector<128x128xf32>
    %sub3A_38 = arith.subf %convert_element_type3A_35, %sub3A_37 : vector<128x128xf32>
    %mul3A_39 = arith.constant 1.562500e-02 : f32
    %mul3A_40 = vector.broadcast %mul3A_39 : f32 to vector<128x128xf32>
    %mul3A_41 = arith.mulf %sub3A_38, %mul3A_40 : vector<128x128xf32>
    %add3A_42 = arith.constant -1.000000e+00 : f32
    %add3A_43 = vector.broadcast %add3A_42 : f32 to vector<128x128xf32>
    %add3A_44 = arith.addf %add3A_43, %mul3A_41 : vector<128x128xf32>
    %jit3A_45 = arith.constant -1.000000e+00 : f32
    %jit3A_46 = arith.constant 1.000000e+00 : f32
    %max3A_47 = vector.broadcast %jit3A_45 : f32 to vector<128x128xf32>
    %max3A_48 = arith.maximumf %max3A_47, %add3A_44 : vector<128x128xf32>
    %min3A_49 = vector.broadcast %jit3A_46 : f32 to vector<128x128xf32>
    %min3A_50 = arith.minimumf %min3A_49, %max3A_48 : vector<128x128xf32>
    %sub3A_51 = arith.subf %min3A_50, %slice3A : vector<128x128xf32>
    %broadcast_in_dim3A_52 = arith.constant 0.000000e+00 : f32
    %broadcast_in_dim3A_53 = vector.broadcast %broadcast_in_dim3A_52 : f32 to vector<128x128xf32>
    %add3A_54 = arith.addf %sub3A_51, %sub3A_31 : vector<128x128xf32>
    %div3A = arith.divf %broadcast_in_dim3A_12, %add3A_54 : vector<128x128xf32>
    %mul3A_55 = arith.mulf %sub3A_51, %div3A : vector<128x128xf32>
    %add3A_56 = arith.addf %broadcast_in_dim3A_53, %mul3A_55 : vector<128x128xf32>
    %mul3A_57 = arith.mulf %sub3A_31, %div3A : vector<128x128xf32>
    %add3A_58 = arith.constant -1 : i32
    %add3A_59 = vector.broadcast %add3A_58 : i32 to vector<128x128xi32>
    %add3A_60 = arith.addi %min3A_11, %add3A_59 : vector<128x128xi32>
    %convert_element_type3A_61 = arith.sitofp %add3A_60 : vector<128x128xi32> to vector<128x128xf32>
    %sub3A_62 = arith.constant 3.000000e+00 : f32
    %sub3A_63 = vector.broadcast %sub3A_62 : f32 to vector<128x128xf32>
    %sub3A_64 = arith.subf %convert_element_type3A_61, %sub3A_63 : vector<128x128xf32>
    %mul3A_65 = arith.constant 1.562500e-02 : f32
    %mul3A_66 = vector.broadcast %mul3A_65 : f32 to vector<128x128xf32>
    %mul3A_67 = arith.mulf %sub3A_64, %mul3A_66 : vector<128x128xf32>
    %add3A_68 = arith.constant -1.000000e+00 : f32
    %add3A_69 = vector.broadcast %add3A_68 : f32 to vector<128x128xf32>
    %add3A_70 = arith.addf %add3A_69, %mul3A_67 : vector<128x128xf32>
    %jit3A_71 = arith.constant -1.000000e+00 : f32
    %jit3A_72 = arith.constant 1.000000e+00 : f32
    %max3A_73 = vector.broadcast %jit3A_71 : f32 to vector<128x128xf32>
    %max3A_74 = arith.maximumf %max3A_73, %add3A_70 : vector<128x128xf32>
    %min3A_75 = vector.broadcast %jit3A_72 : f32 to vector<128x128xf32>
    %min3A_76 = arith.minimumf %min3A_75, %max3A_74 : vector<128x128xf32>
    %sub3A_77 = arith.subf %slice3A, %min3A_76 : vector<128x128xf32>
    %add3A_78 = arith.constant 2 : i32
    %add3A_79 = vector.broadcast %add3A_78 : i32 to vector<128x128xi32>
    %add3A_80 = arith.addi %min3A_11, %add3A_79 : vector<128x128xi32>
    %convert_element_type3A_81 = arith.sitofp %add3A_80 : vector<128x128xi32> to vector<128x128xf32>
    %sub3A_82 = arith.constant 3.000000e+00 : f32
    %sub3A_83 = vector.broadcast %sub3A_82 : f32 to vector<128x128xf32>
    %sub3A_84 = arith.subf %convert_element_type3A_81, %sub3A_83 : vector<128x128xf32>
    %mul3A_85 = arith.constant 1.562500e-02 : f32
    %mul3A_86 = vector.broadcast %mul3A_85 : f32 to vector<128x128xf32>
    %mul3A_87 = arith.mulf %sub3A_84, %mul3A_86 : vector<128x128xf32>
    %add3A_88 = arith.constant -1.000000e+00 : f32
    %add3A_89 = vector.broadcast %add3A_88 : f32 to vector<128x128xf32>
    %add3A_90 = arith.addf %add3A_89, %mul3A_87 : vector<128x128xf32>
    %jit3A_91 = arith.constant -1.000000e+00 : f32
    %jit3A_92 = arith.constant 1.000000e+00 : f32
    %max3A_93 = vector.broadcast %jit3A_91 : f32 to vector<128x128xf32>
    %max3A_94 = arith.maximumf %max3A_93, %add3A_90 : vector<128x128xf32>
    %min3A_95 = vector.broadcast %jit3A_92 : f32 to vector<128x128xf32>
    %min3A_96 = arith.minimumf %min3A_95, %max3A_94 : vector<128x128xf32>
    %sub3A_97 = arith.subf %min3A_96, %slice3A : vector<128x128xf32>
    %broadcast_in_dim3A_98 = arith.constant 0.000000e+00 : f32
    %broadcast_in_dim3A_99 = vector.broadcast %broadcast_in_dim3A_98 : f32 to vector<128x128xf32>
    %add3A_100 = arith.addf %sub3A_51, %sub3A_77 : vector<128x128xf32>
    %div3A_101 = arith.divf %add3A_56, %add3A_100 : vector<128x128xf32>
    %mul3A_102 = arith.mulf %sub3A_51, %div3A_101 : vector<128x128xf32>
    %add3A_103 = arith.addf %broadcast_in_dim3A_99, %mul3A_102 : vector<128x128xf32>
    %mul3A_104 = arith.mulf %sub3A_77, %div3A_101 : vector<128x128xf32>
    %add3A_105 = arith.addf %sub3A_97, %sub3A_31 : vector<128x128xf32>
    %div3A_106 = arith.divf %mul3A_57, %add3A_105 : vector<128x128xf32>
    %mul3A_107 = arith.mulf %sub3A_97, %div3A_106 : vector<128x128xf32>
    %add3A_108 = arith.addf %mul3A_104, %mul3A_107 : vector<128x128xf32>
    %mul3A_109 = arith.mulf %sub3A_31, %div3A_106 : vector<128x128xf32>
    %add3A_110 = arith.constant -2 : i32
    %add3A_111 = vector.broadcast %add3A_110 : i32 to vector<128x128xi32>
    %add3A_112 = arith.addi %min3A_11, %add3A_111 : vector<128x128xi32>
    %convert_element_type3A_113 = arith.sitofp %add3A_112 : vector<128x128xi32> to vector<128x128xf32>
    %sub3A_114 = arith.constant 3.000000e+00 : f32
    %sub3A_115 = vector.broadcast %sub3A_114 : f32 to vector<128x128xf32>
    %sub3A_116 = arith.subf %convert_element_type3A_113, %sub3A_115 : vector<128x128xf32>
    %mul3A_117 = arith.constant 1.562500e-02 : f32
    %mul3A_118 = vector.broadcast %mul3A_117 : f32 to vector<128x128xf32>
    %mul3A_119 = arith.mulf %sub3A_116, %mul3A_118 : vector<128x128xf32>
    %add3A_120 = arith.constant -1.000000e+00 : f32
    %add3A_121 = vector.broadcast %add3A_120 : f32 to vector<128x128xf32>
    %add3A_122 = arith.addf %add3A_121, %mul3A_119 : vector<128x128xf32>
    %jit3A_123 = arith.constant -1.000000e+00 : f32
    %jit3A_124 = arith.constant 1.000000e+00 : f32
    %max3A_125 = vector.broadcast %jit3A_123 : f32 to vector<128x128xf32>
    %max3A_126 = arith.maximumf %max3A_125, %add3A_122 : vector<128x128xf32>
    %min3A_127 = vector.broadcast %jit3A_124 : f32 to vector<128x128xf32>
    %min3A_128 = arith.minimumf %min3A_127, %max3A_126 : vector<128x128xf32>
    %sub3A_129 = arith.subf %slice3A, %min3A_128 : vector<128x128xf32>
    %add3A_130 = arith.constant 3 : i32
    %add3A_131 = vector.broadcast %add3A_130 : i32 to vector<128x128xi32>
    %add3A_132 = arith.addi %min3A_11, %add3A_131 : vector<128x128xi32>
    %convert_element_type3A_133 = arith.sitofp %add3A_132 : vector<128x128xi32> to vector<128x128xf32>
    %sub3A_134 = arith.constant 3.000000e+00 : f32
    %sub3A_135 = vector.broadcast %sub3A_134 : f32 to vector<128x128xf32>
    %sub3A_136 = arith.subf %convert_element_type3A_133, %sub3A_135 : vector<128x128xf32>
    %mul3A_137 = arith.constant 1.562500e-02 : f32
    %mul3A_138 = vector.broadcast %mul3A_137 : f32 to vector<128x128xf32>
    %mul3A_139 = arith.mulf %sub3A_136, %mul3A_138 : vector<128x128xf32>
    %add3A_140 = arith.constant -1.000000e+00 : f32
    %add3A_141 = vector.broadcast %add3A_140 : f32 to vector<128x128xf32>
    %add3A_142 = arith.addf %add3A_141, %mul3A_139 : vector<128x128xf32>
    %jit3A_143 = arith.constant -1.000000e+00 : f32
    %jit3A_144 = arith.constant 1.000000e+00 : f32
    %max3A_145 = vector.broadcast %jit3A_143 : f32 to vector<128x128xf32>
    %max3A_146 = arith.maximumf %max3A_145, %add3A_142 : vector<128x128xf32>
    %min3A_147 = vector.broadcast %jit3A_144 : f32 to vector<128x128xf32>
    %min3A_148 = arith.minimumf %min3A_147, %max3A_146 : vector<128x128xf32>
    %sub3A_149 = arith.subf %min3A_148, %slice3A : vector<128x128xf32>
    %broadcast_in_dim3A_150 = arith.constant 0.000000e+00 : f32
    %broadcast_in_dim3A_151 = vector.broadcast %broadcast_in_dim3A_150 : f32 to vector<128x128xf32>
    %add3A_152 = arith.addf %sub3A_51, %sub3A_129 : vector<128x128xf32>
    %div3A_153 = arith.divf %add3A_103, %add3A_152 : vector<128x128xf32>
    %mul3A_154 = arith.mulf %sub3A_51, %div3A_153 : vector<128x128xf32>
    %add3A_155 = arith.addf %broadcast_in_dim3A_151, %mul3A_154 : vector<128x128xf32>
    %mul3A_156 = arith.mulf %sub3A_129, %div3A_153 : vector<128x128xf32>
    %add3A_157 = arith.addf %sub3A_97, %sub3A_77 : vector<128x128xf32>
    %div3A_158 = arith.divf %add3A_108, %add3A_157 : vector<128x128xf32>
    %mul3A_159 = arith.mulf %sub3A_97, %div3A_158 : vector<128x128xf32>
    %add3A_160 = arith.addf %mul3A_156, %mul3A_159 : vector<128x128xf32>
    %mul3A_161 = arith.mulf %sub3A_77, %div3A_158 : vector<128x128xf32>
    %add3A_162 = arith.addf %sub3A_149, %sub3A_31 : vector<128x128xf32>
    %div3A_163 = arith.divf %mul3A_109, %add3A_162 : vector<128x128xf32>
    %mul3A_164 = arith.mulf %sub3A_149, %div3A_163 : vector<128x128xf32>
    %add3A_165 = arith.addf %mul3A_161, %mul3A_164 : vector<128x128xf32>
    %mul3A_166 = arith.mulf %sub3A_31, %div3A_163 : vector<128x128xf32>
    %sub3A_167 = arith.constant 3 : i32
    %sub3A_168 = vector.broadcast %sub3A_167 : i32 to vector<128x128xi32>
    %sub3A_169 = arith.subi %min3A_11, %sub3A_168 : vector<128x128xi32>
    %swap3A = arith.constant 0 : index
    %swap3A_170 = arith.constant 0 : index
    %swap3A_171 = vector.load %arg1[%swap3A, %swap3A_170] : memref<128x128xi32, #tpu.memory_space<vmem>>, vector<128x128xi32>
    tpu.vector_store %arg1[%swap3A, %swap3A_170], %sub3A_169 {strides = array<i32>} : memref<128x128xi32, #tpu.memory_space<vmem>>, vector<128x128xi32>,
    %swap3A_172 = arith.constant 0 : index
    %swap3A_173 = arith.constant 0 : index
    %swap3A_174 = arith.constant 0 : index
    %swap3A_175 = vector.load %arg2[%swap3A_172, %swap3A_173, %swap3A_174] : memref<4x128x128xf32, #tpu.memory_space<vmem>>, vector<1x128x128xf32>
    %swap3A_176 = vector.shape_cast %swap3A_175 : vector<1x128x128xf32> to vector<128x128xf32>
    %swap3A_177 = vector.shape_cast %add3A_155 : vector<128x128xf32> to vector<1x128x128xf32>
    tpu.vector_store %arg2[%swap3A_172, %swap3A_173, %swap3A_174], %swap3A_177 {strides = array<i32>} : memref<4x128x128xf32, #tpu.memory_space<vmem>>, vector<1x128x128xf32>,
    %swap3A_178 = arith.constant 1 : index
    %swap3A_179 = arith.constant 0 : index
    %swap3A_180 = arith.constant 0 : index
    %swap3A_181 = vector.load %arg2[%swap3A_178, %swap3A_179, %swap3A_180] : memref<4x128x128xf32, #tpu.memory_space<vmem>>, vector<1x128x128xf32>
    %swap3A_182 = vector.shape_cast %swap3A_181 : vector<1x128x128xf32> to vector<128x128xf32>
    %swap3A_183 = vector.shape_cast %add3A_160 : vector<128x128xf32> to vector<1x128x128xf32>
    tpu.vector_store %arg2[%swap3A_178, %swap3A_179, %swap3A_180], %swap3A_183 {strides = array<i32>} : memref<4x128x128xf32, #tpu.memory_space<vmem>>, vector<1x128x128xf32>,
    %swap3A_184 = arith.constant 2 : index
    %swap3A_185 = arith.constant 0 : index
    %swap3A_186 = arith.constant 0 : index
    %swap3A_187 = vector.load %arg2[%swap3A_184, %swap3A_185, %swap3A_186] : memref<4x128x128xf32, #tpu.memory_space<vmem>>, vector<1x128x128xf32>
    %swap3A_188 = vector.shape_cast %swap3A_187 : vector<1x128x128xf32> to vector<128x128xf32>
    %swap3A_189 = vector.shape_cast %add3A_165 : vector<128x128xf32> to vector<1x128x128xf32>
    tpu.vector_store %arg2[%swap3A_184, %swap3A_185, %swap3A_186], %swap3A_189 {strides = array<i32>} : memref<4x128x128xf32, #tpu.memory_space<vmem>>, vector<1x128x128xf32>,
    %swap3A_190 = arith.constant 3 : index
    %swap3A_191 = arith.constant 0 : index
    %swap3A_192 = arith.constant 0 : index
    %swap3A_193 = vector.load %arg2[%swap3A_190, %swap3A_191, %swap3A_192] : memref<4x128x128xf32, #tpu.memory_space<vmem>>, vector<1x128x128xf32>
    %swap3A_194 = vector.shape_cast %swap3A_193 : vector<1x128x128xf32> to vector<128x128xf32>
    %swap3A_195 = vector.shape_cast %mul3A_166 : vector<128x128xf32> to vector<1x128x128xf32>
    tpu.vector_store %arg2[%swap3A_190, %swap3A_191, %swap3A_192], %swap3A_195 {strides = array<i32>} : memref<4x128x128xf32, #tpu.memory_space<vmem>>, vector<1x128x128xf32>,
    return
  }
}

module attributes {stable_mosaic.version = 14 : i64} {
  func.func @_tc_spline_body(%arg0: i32, %arg1: memref<32x1024xf32, #tpu.memory_space<vmem>>, %arg2: memref<4352x128xf32, #tpu.memory_space<vmem>>, %arg3: memref<128x896xf32, #tpu.memory_space<vmem>>, %arg4: memref<4352x896xf32, #tpu.memory_space<vmem>>) attributes {dimension_semantics = [#tpu.dimension_semantics<arbitrary>], iteration_bounds = array<i64: 4>, scalar_prefetch = 0 : i64, scratch_operands = 1 : i64, tpu.core_type = #tpu.core_type<tc>, window_params = [{transform_indices = @transform_0, window_bounds = array<i64: 32, 1024>}, {transform_indices = @transform_1, window_bounds = array<i64: 4352, 128>}, {pipeline_mode = #tpu.pipeline_mode<synchronous>, transform_indices = @transform_2, window_bounds = array<i64: 128, 896>}]} {
    %eq3A = arith.constant 0 : i32
    %eq3A_0 = arith.cmpi eq, %arg0, %eq3A : i32
    %convert_element_type3A = arith.extui %eq3A_0 : i1 to i32
    %cond3A = arith.constant 0 : i32
    %cond3A_1 = arith.cmpi ne, %convert_element_type3A, %cond3A : i32
    scf.if %cond3A_1 {
      %broadcast_in_dim3A_1430 = arith.constant 0.000000e+00 : f32
      %broadcast_in_dim3A_1431 = vector.broadcast %broadcast_in_dim3A_1430 : f32 to vector<128x896xf32>
      %swap3A_1432 = arith.constant 0 : index
      %swap3A_1433 = arith.constant 0 : index
      %swap3A_1434 = vector.load %arg3[%swap3A_1432, %swap3A_1433] : memref<128x896xf32, #tpu.memory_space<vmem>>, vector<128x896xf32>
      tpu.vector_store %arg3[%swap3A_1432, %swap3A_1433], %broadcast_in_dim3A_1431 {strides = array<i32>} : memref<128x896xf32, #tpu.memory_space<vmem>>, vector<128x896xf32>,
    } else {
    }
    %get3A = arith.constant 0 : index
    %get3A_2 = arith.constant 0 : index
    %get3A_3 = vector.load %arg1[%get3A, %get3A_2] : memref<32x1024xf32, #tpu.memory_space<vmem>>, vector<32x1024xf32>
    %slice3A = vector.extract_strided_slice %get3A_3 {offsets = [0, 128], sizes = [32, 896], strides = [1, 1]} : vector<32x1024xf32> to vector<32x896xf32>
    %add3A = arith.constant 1.000000e+00 : f32
    %add3A_4 = vector.broadcast %add3A : f32 to vector<32x896xf32>
    %add3A_5 = arith.addf %slice3A, %add3A_4 : vector<32x896xf32>
    %mul3A = arith.constant 6.400000e+01 : f32
    %mul3A_6 = vector.broadcast %mul3A : f32 to vector<32x896xf32>
    %mul3A_7 = arith.mulf %add3A_5, %mul3A_6 : vector<32x896xf32>
    %floor3A = math.floor %mul3A_7 : vector<32x896xf32>
    %convert_element_type3A_8 = arith.fptosi %floor3A : vector<32x896xf32> to vector<32x896xi32>
    %add3A_9 = arith.constant 3 : i32
    %add3A_10 = vector.broadcast %add3A_9 : i32 to vector<32x896xi32>
    %add3A_11 = arith.addi %add3A_10, %convert_element_type3A_8 : vector<32x896xi32>
    %jit3A = arith.constant 3 : i32
    %jit3A_12 = arith.constant 130 : i32
    %max3A = vector.broadcast %jit3A : i32 to vector<32x896xi32>
    %max3A_13 = arith.maxsi %max3A, %add3A_11 : vector<32x896xi32>
    %min3A = vector.broadcast %jit3A_12 : i32 to vector<32x896xi32>
    %min3A_14 = arith.minsi %min3A, %max3A_13 : vector<32x896xi32>
    %broadcast_in_dim3A = arith.constant 1.000000e+00 : f32
    %broadcast_in_dim3A_15 = vector.broadcast %broadcast_in_dim3A : f32 to vector<32x896xf32>
    %add3A_16 = arith.constant 0 : i32
    %add3A_17 = vector.broadcast %add3A_16 : i32 to vector<32x896xi32>
    %add3A_18 = arith.addi %min3A_14, %add3A_17 : vector<32x896xi32>
    %convert_element_type3A_19 = arith.sitofp %add3A_18 : vector<32x896xi32> to vector<32x896xf32>
    %sub3A = arith.constant 3.000000e+00 : f32
    %sub3A_20 = vector.broadcast %sub3A : f32 to vector<32x896xf32>
    %sub3A_21 = arith.subf %convert_element_type3A_19, %sub3A_20 : vector<32x896xf32>
    %mul3A_22 = arith.constant 1.562500e-02 : f32
    %mul3A_23 = vector.broadcast %mul3A_22 : f32 to vector<32x896xf32>
    %mul3A_24 = arith.mulf %sub3A_21, %mul3A_23 : vector<32x896xf32>
    %add3A_25 = arith.constant -1.000000e+00 : f32
    %add3A_26 = vector.broadcast %add3A_25 : f32 to vector<32x896xf32>
    %add3A_27 = arith.addf %add3A_26, %mul3A_24 : vector<32x896xf32>
    %jit3A_28 = arith.constant -1.000000e+00 : f32
    %jit3A_29 = arith.constant 1.000000e+00 : f32
    %max3A_30 = vector.broadcast %jit3A_28 : f32 to vector<32x896xf32>
    %max3A_31 = arith.maximumf %max3A_30, %add3A_27 : vector<32x896xf32>
    %min3A_32 = vector.broadcast %jit3A_29 : f32 to vector<32x896xf32>
    %min3A_33 = arith.minimumf %min3A_32, %max3A_31 : vector<32x896xf32>
    %sub3A_34 = arith.subf %slice3A, %min3A_33 : vector<32x896xf32>
    %add3A_35 = arith.constant 1 : i32
    %add3A_36 = vector.broadcast %add3A_35 : i32 to vector<32x896xi32>
    %add3A_37 = arith.addi %min3A_14, %add3A_36 : vector<32x896xi32>
    %convert_element_type3A_38 = arith.sitofp %add3A_37 : vector<32x896xi32> to vector<32x896xf32>
    %sub3A_39 = arith.constant 3.000000e+00 : f32
    %sub3A_40 = vector.broadcast %sub3A_39 : f32 to vector<32x896xf32>
    %sub3A_41 = arith.subf %convert_element_type3A_38, %sub3A_40 : vector<32x896xf32>
    %mul3A_42 = arith.constant 1.562500e-02 : f32
    %mul3A_43 = vector.broadcast %mul3A_42 : f32 to vector<32x896xf32>
    %mul3A_44 = arith.mulf %sub3A_41, %mul3A_43 : vector<32x896xf32>
    %add3A_45 = arith.constant -1.000000e+00 : f32
    %add3A_46 = vector.broadcast %add3A_45 : f32 to vector<32x896xf32>
    %add3A_47 = arith.addf %add3A_46, %mul3A_44 : vector<32x896xf32>
    %jit3A_48 = arith.constant -1.000000e+00 : f32
    %jit3A_49 = arith.constant 1.000000e+00 : f32
    %max3A_50 = vector.broadcast %jit3A_48 : f32 to vector<32x896xf32>
    %max3A_51 = arith.maximumf %max3A_50, %add3A_47 : vector<32x896xf32>
    %min3A_52 = vector.broadcast %jit3A_49 : f32 to vector<32x896xf32>
    %min3A_53 = arith.minimumf %min3A_52, %max3A_51 : vector<32x896xf32>
    %sub3A_54 = arith.subf %min3A_53, %slice3A : vector<32x896xf32>
    %broadcast_in_dim3A_55 = arith.constant 0.000000e+00 : f32
    %broadcast_in_dim3A_56 = vector.broadcast %broadcast_in_dim3A_55 : f32 to vector<32x896xf32>
    %add3A_57 = arith.addf %sub3A_54, %sub3A_34 : vector<32x896xf32>
    %div3A = arith.divf %broadcast_in_dim3A_15, %add3A_57 : vector<32x896xf32>
    %mul3A_58 = arith.mulf %sub3A_54, %div3A : vector<32x896xf32>
    %add3A_59 = arith.addf %broadcast_in_dim3A_56, %mul3A_58 : vector<32x896xf32>
    %mul3A_60 = arith.mulf %sub3A_34, %div3A : vector<32x896xf32>
    %add3A_61 = arith.constant -1 : i32
    %add3A_62 = vector.broadcast %add3A_61 : i32 to vector<32x896xi32>
    %add3A_63 = arith.addi %min3A_14, %add3A_62 : vector<32x896xi32>
    %convert_element_type3A_64 = arith.sitofp %add3A_63 : vector<32x896xi32> to vector<32x896xf32>
    %sub3A_65 = arith.constant 3.000000e+00 : f32
    %sub3A_66 = vector.broadcast %sub3A_65 : f32 to vector<32x896xf32>
    %sub3A_67 = arith.subf %convert_element_type3A_64, %sub3A_66 : vector<32x896xf32>
    %mul3A_68 = arith.constant 1.562500e-02 : f32
    %mul3A_69 = vector.broadcast %mul3A_68 : f32 to vector<32x896xf32>
    %mul3A_70 = arith.mulf %sub3A_67, %mul3A_69 : vector<32x896xf32>
    %add3A_71 = arith.constant -1.000000e+00 : f32
    %add3A_72 = vector.broadcast %add3A_71 : f32 to vector<32x896xf32>
    %add3A_73 = arith.addf %add3A_72, %mul3A_70 : vector<32x896xf32>
    %jit3A_74 = arith.constant -1.000000e+00 : f32
    %jit3A_75 = arith.constant 1.000000e+00 : f32
    %max3A_76 = vector.broadcast %jit3A_74 : f32 to vector<32x896xf32>
    %max3A_77 = arith.maximumf %max3A_76, %add3A_73 : vector<32x896xf32>
    %min3A_78 = vector.broadcast %jit3A_75 : f32 to vector<32x896xf32>
    %min3A_79 = arith.minimumf %min3A_78, %max3A_77 : vector<32x896xf32>
    %sub3A_80 = arith.subf %slice3A, %min3A_79 : vector<32x896xf32>
    %add3A_81 = arith.constant 2 : i32
    %add3A_82 = vector.broadcast %add3A_81 : i32 to vector<32x896xi32>
    %add3A_83 = arith.addi %min3A_14, %add3A_82 : vector<32x896xi32>
    %convert_element_type3A_84 = arith.sitofp %add3A_83 : vector<32x896xi32> to vector<32x896xf32>
    %sub3A_85 = arith.constant 3.000000e+00 : f32
    %sub3A_86 = vector.broadcast %sub3A_85 : f32 to vector<32x896xf32>
    %sub3A_87 = arith.subf %convert_element_type3A_84, %sub3A_86 : vector<32x896xf32>
    %mul3A_88 = arith.constant 1.562500e-02 : f32
    %mul3A_89 = vector.broadcast %mul3A_88 : f32 to vector<32x896xf32>
    %mul3A_90 = arith.mulf %sub3A_87, %mul3A_89 : vector<32x896xf32>
    %add3A_91 = arith.constant -1.000000e+00 : f32
    %add3A_92 = vector.broadcast %add3A_91 : f32 to vector<32x896xf32>
    %add3A_93 = arith.addf %add3A_92, %mul3A_90 : vector<32x896xf32>
    %jit3A_94 = arith.constant -1.000000e+00 : f32
    %jit3A_95 = arith.constant 1.000000e+00 : f32
    %max3A_96 = vector.broadcast %jit3A_94 : f32 to vector<32x896xf32>
    %max3A_97 = arith.maximumf %max3A_96, %add3A_93 : vector<32x896xf32>
    %min3A_98 = vector.broadcast %jit3A_95 : f32 to vector<32x896xf32>
    %min3A_99 = arith.minimumf %min3A_98, %max3A_97 : vector<32x896xf32>
    %sub3A_100 = arith.subf %min3A_99, %slice3A : vector<32x896xf32>
    %broadcast_in_dim3A_101 = arith.constant 0.000000e+00 : f32
    %broadcast_in_dim3A_102 = vector.broadcast %broadcast_in_dim3A_101 : f32 to vector<32x896xf32>
    %add3A_103 = arith.addf %sub3A_54, %sub3A_80 : vector<32x896xf32>
    %div3A_104 = arith.divf %add3A_59, %add3A_103 : vector<32x896xf32>
    %mul3A_105 = arith.mulf %sub3A_54, %div3A_104 : vector<32x896xf32>
    %add3A_106 = arith.addf %broadcast_in_dim3A_102, %mul3A_105 : vector<32x896xf32>
    %mul3A_107 = arith.mulf %sub3A_80, %div3A_104 : vector<32x896xf32>
    %add3A_108 = arith.addf %sub3A_100, %sub3A_34 : vector<32x896xf32>
    %div3A_109 = arith.divf %mul3A_60, %add3A_108 : vector<32x896xf32>
    %mul3A_110 = arith.mulf %sub3A_100, %div3A_109 : vector<32x896xf32>
    %add3A_111 = arith.addf %mul3A_107, %mul3A_110 : vector<32x896xf32>
    %mul3A_112 = arith.mulf %sub3A_34, %div3A_109 : vector<32x896xf32>
    %add3A_113 = arith.constant -2 : i32
    %add3A_114 = vector.broadcast %add3A_113 : i32 to vector<32x896xi32>
    %add3A_115 = arith.addi %min3A_14, %add3A_114 : vector<32x896xi32>
    %convert_element_type3A_116 = arith.sitofp %add3A_115 : vector<32x896xi32> to vector<32x896xf32>
    %sub3A_117 = arith.constant 3.000000e+00 : f32
    %sub3A_118 = vector.broadcast %sub3A_117 : f32 to vector<32x896xf32>
    %sub3A_119 = arith.subf %convert_element_type3A_116, %sub3A_118 : vector<32x896xf32>
    %mul3A_120 = arith.constant 1.562500e-02 : f32
    %mul3A_121 = vector.broadcast %mul3A_120 : f32 to vector<32x896xf32>
    %mul3A_122 = arith.mulf %sub3A_119, %mul3A_121 : vector<32x896xf32>
    %add3A_123 = arith.constant -1.000000e+00 : f32
    %add3A_124 = vector.broadcast %add3A_123 : f32 to vector<32x896xf32>
    %add3A_125 = arith.addf %add3A_124, %mul3A_122 : vector<32x896xf32>
    %jit3A_126 = arith.constant -1.000000e+00 : f32
    %jit3A_127 = arith.constant 1.000000e+00 : f32
    %max3A_128 = vector.broadcast %jit3A_126 : f32 to vector<32x896xf32>
    %max3A_129 = arith.maximumf %max3A_128, %add3A_125 : vector<32x896xf32>
    %min3A_130 = vector.broadcast %jit3A_127 : f32 to vector<32x896xf32>
    %min3A_131 = arith.minimumf %min3A_130, %max3A_129 : vector<32x896xf32>
    %sub3A_132 = arith.subf %slice3A, %min3A_131 : vector<32x896xf32>
    %add3A_133 = arith.constant 3 : i32
    %add3A_134 = vector.broadcast %add3A_133 : i32 to vector<32x896xi32>
    %add3A_135 = arith.addi %min3A_14, %add3A_134 : vector<32x896xi32>
    %convert_element_type3A_136 = arith.sitofp %add3A_135 : vector<32x896xi32> to vector<32x896xf32>
    %sub3A_137 = arith.constant 3.000000e+00 : f32
    %sub3A_138 = vector.broadcast %sub3A_137 : f32 to vector<32x896xf32>
    %sub3A_139 = arith.subf %convert_element_type3A_136, %sub3A_138 : vector<32x896xf32>
    %mul3A_140 = arith.constant 1.562500e-02 : f32
    %mul3A_141 = vector.broadcast %mul3A_140 : f32 to vector<32x896xf32>
    %mul3A_142 = arith.mulf %sub3A_139, %mul3A_141 : vector<32x896xf32>
    %add3A_143 = arith.constant -1.000000e+00 : f32
    %add3A_144 = vector.broadcast %add3A_143 : f32 to vector<32x896xf32>
    %add3A_145 = arith.addf %add3A_144, %mul3A_142 : vector<32x896xf32>
    %jit3A_146 = arith.constant -1.000000e+00 : f32
    %jit3A_147 = arith.constant 1.000000e+00 : f32
    %max3A_148 = vector.broadcast %jit3A_146 : f32 to vector<32x896xf32>
    %max3A_149 = arith.maximumf %max3A_148, %add3A_145 : vector<32x896xf32>
    %min3A_150 = vector.broadcast %jit3A_147 : f32 to vector<32x896xf32>
    %min3A_151 = arith.minimumf %min3A_150, %max3A_149 : vector<32x896xf32>
    %sub3A_152 = arith.subf %min3A_151, %slice3A : vector<32x896xf32>
    %broadcast_in_dim3A_153 = arith.constant 0.000000e+00 : f32
    %broadcast_in_dim3A_154 = vector.broadcast %broadcast_in_dim3A_153 : f32 to vector<32x896xf32>
    %add3A_155 = arith.addf %sub3A_54, %sub3A_132 : vector<32x896xf32>
    %div3A_156 = arith.divf %add3A_106, %add3A_155 : vector<32x896xf32>
    %mul3A_157 = arith.mulf %sub3A_54, %div3A_156 : vector<32x896xf32>
    %add3A_158 = arith.addf %broadcast_in_dim3A_154, %mul3A_157 : vector<32x896xf32>
    %mul3A_159 = arith.mulf %sub3A_132, %div3A_156 : vector<32x896xf32>
    %add3A_160 = arith.addf %sub3A_100, %sub3A_80 : vector<32x896xf32>
    %div3A_161 = arith.divf %add3A_111, %add3A_160 : vector<32x896xf32>
    %mul3A_162 = arith.mulf %sub3A_100, %div3A_161 : vector<32x896xf32>
    %add3A_163 = arith.addf %mul3A_159, %mul3A_162 : vector<32x896xf32>
    %mul3A_164 = arith.mulf %sub3A_80, %div3A_161 : vector<32x896xf32>
    %add3A_165 = arith.addf %sub3A_152, %sub3A_34 : vector<32x896xf32>
    %div3A_166 = arith.divf %mul3A_112, %add3A_165 : vector<32x896xf32>
    %mul3A_167 = arith.mulf %sub3A_152, %div3A_166 : vector<32x896xf32>
    %add3A_168 = arith.addf %mul3A_164, %mul3A_167 : vector<32x896xf32>
    %mul3A_169 = arith.mulf %sub3A_34, %div3A_166 : vector<32x896xf32>
    %iota3A = tpu.iota {dimensions = array<i32: 0>} : vector<136x896xi32>
    %slice3A_170 = vector.extract_strided_slice %min3A_14 {offsets = [0, 0], sizes = [1, 896], strides = [1, 1]} : vector<32x896xi32> to vector<1x896xi32>
    %sub3A_171 = arith.constant 3 : i32
    %sub3A_172 = vector.broadcast %sub3A_171 : i32 to vector<1x896xi32>
    %sub3A_173 = arith.subi %slice3A_170, %sub3A_172 : vector<1x896xi32>
    %sub3A_174 = vector.broadcast %sub3A_173 : vector<1x896xi32> to vector<136x896xi32>
    %sub3A_175 = arith.subi %iota3A, %sub3A_174 : vector<136x896xi32>
    %eq3A_176 = arith.constant 0 : i32
    %eq3A_177 = vector.broadcast %eq3A_176 : i32 to vector<136x896xi32>
    %eq3A_178 = arith.cmpi eq, %sub3A_175, %eq3A_177 : vector<136x896xi32>
    %slice3A_179 = vector.extract_strided_slice %add3A_158 {offsets = [0, 0], sizes = [1, 896], strides = [1, 1]} : vector<32x896xf32> to vector<1x896xf32>
    %jit3A_180 = arith.constant 0.000000e+00 : f32
    %broadcast_in_dim3A_181 = vector.shape_cast %slice3A_179 : vector<1x896xf32> to vector<1x896xf32>
    %broadcast_in_dim3A_182 = vector.broadcast %broadcast_in_dim3A_181 : vector<1x896xf32> to vector<136x896xf32>
    %broadcast_in_dim3A_183 = vector.broadcast %jit3A_180 : f32 to vector<136x896xf32>
    %select_n3A = arith.select %eq3A_178, %broadcast_in_dim3A_182, %broadcast_in_dim3A_183 : vector<136x896xi1>, vector<136x896xf32>
    %eq3A_184 = arith.constant 1 : i32
    %eq3A_185 = vector.broadcast %eq3A_184 : i32 to vector<136x896xi32>
    %eq3A_186 = arith.cmpi eq, %sub3A_175, %eq3A_185 : vector<136x896xi32>
    %slice3A_187 = vector.extract_strided_slice %add3A_163 {offsets = [0, 0], sizes = [1, 896], strides = [1, 1]} : vector<32x896xf32> to vector<1x896xf32>
    %broadcast_in_dim3A_188 = vector.shape_cast %slice3A_187 : vector<1x896xf32> to vector<1x896xf32>
    %broadcast_in_dim3A_189 = vector.broadcast %broadcast_in_dim3A_188 : vector<1x896xf32> to vector<136x896xf32>
    %select_n3A_190 = arith.select %eq3A_186, %broadcast_in_dim3A_189, %select_n3A : vector<136x896xi1>, vector<136x896xf32>
    %eq3A_191 = arith.constant 2 : i32
    %eq3A_192 = vector.broadcast %eq3A_191 : i32 to vector<136x896xi32>
    %eq3A_193 = arith.cmpi eq, %sub3A_175, %eq3A_192 : vector<136x896xi32>
    %slice3A_194 = vector.extract_strided_slice %add3A_168 {offsets = [0, 0], sizes = [1, 896], strides = [1, 1]} : vector<32x896xf32> to vector<1x896xf32>
    %broadcast_in_dim3A_195 = vector.shape_cast %slice3A_194 : vector<1x896xf32> to vector<1x896xf32>
    %broadcast_in_dim3A_196 = vector.broadcast %broadcast_in_dim3A_195 : vector<1x896xf32> to vector<136x896xf32>
    %select_n3A_197 = arith.select %eq3A_193, %broadcast_in_dim3A_196, %select_n3A_190 : vector<136x896xi1>, vector<136x896xf32>
    %eq3A_198 = arith.constant 3 : i32
    %eq3A_199 = vector.broadcast %eq3A_198 : i32 to vector<136x896xi32>
    %eq3A_200 = arith.cmpi eq, %sub3A_175, %eq3A_199 : vector<136x896xi32>
    %slice3A_201 = vector.extract_strided_slice %mul3A_169 {offsets = [0, 0], sizes = [1, 896], strides = [1, 1]} : vector<32x896xf32> to vector<1x896xf32>
    %broadcast_in_dim3A_202 = vector.shape_cast %slice3A_201 : vector<1x896xf32> to vector<1x896xf32>
    %broadcast_in_dim3A_203 = vector.broadcast %broadcast_in_dim3A_202 : vector<1x896xf32> to vector<136x896xf32>
    %select_n3A_204 = arith.select %eq3A_200, %broadcast_in_dim3A_203, %select_n3A_197 : vector<136x896xi1>, vector<136x896xf32>
    %swap3A = arith.constant 0 : index
    %swap3A_205 = arith.constant 0 : index
    %swap3A_206 = vector.load %arg4[%swap3A, %swap3A_205] : memref<4352x896xf32, #tpu.memory_space<vmem>>, vector<136x896xf32>
    tpu.vector_store %arg4[%swap3A, %swap3A_205], %select_n3A_204 {strides = array<i32>} : memref<4352x896xf32, #tpu.memory_space<vmem>>, vector<136x896xf32>,
    %slice3A_207 = vector.extract_strided_slice %min3A_14 {offsets = [1, 0], sizes = [1, 896], strides = [1, 1]} : vector<32x896xi32> to vector<1x896xi32>
    %sub3A_208 = arith.constant 3 : i32
    %sub3A_209 = vector.broadcast %sub3A_208 : i32 to vector<1x896xi32>
    %sub3A_210 = arith.subi %slice3A_207, %sub3A_209 : vector<1x896xi32>
    %sub3A_211 = vector.broadcast %sub3A_210 : vector<1x896xi32> to vector<136x896xi32>
    %sub3A_212 = arith.subi %iota3A, %sub3A_211 : vector<136x896xi32>
    %eq3A_213 = arith.constant 0 : i32
    %eq3A_214 = vector.broadcast %eq3A_213 : i32 to vector<136x896xi32>
    %eq3A_215 = arith.cmpi eq, %sub3A_212, %eq3A_214 : vector<136x896xi32>
    %slice3A_216 = vector.extract_strided_slice %add3A_158 {offsets = [1, 0], sizes = [1, 896], strides = [1, 1]} : vector<32x896xf32> to vector<1x896xf32>
    %jit3A_217 = arith.constant 0.000000e+00 : f32
    %broadcast_in_dim3A_218 = vector.shape_cast %slice3A_216 : vector<1x896xf32> to vector<1x896xf32>
    %broadcast_in_dim3A_219 = vector.broadcast %broadcast_in_dim3A_218 : vector<1x896xf32> to vector<136x896xf32>
    %broadcast_in_dim3A_220 = vector.broadcast %jit3A_217 : f32 to vector<136x896xf32>
    %select_n3A_221 = arith.select %eq3A_215, %broadcast_in_dim3A_219, %broadcast_in_dim3A_220 : vector<136x896xi1>, vector<136x896xf32>
    %eq3A_222 = arith.constant 1 : i32
    %eq3A_223 = vector.broadcast %eq3A_222 : i32 to vector<136x896xi32>
    %eq3A_224 = arith.cmpi eq, %sub3A_212, %eq3A_223 : vector<136x896xi32>
    %slice3A_225 = vector.extract_strided_slice %add3A_163 {offsets = [1, 0], sizes = [1, 896], strides = [1, 1]} : vector<32x896xf32> to vector<1x896xf32>
    %broadcast_in_dim3A_226 = vector.shape_cast %slice3A_225 : vector<1x896xf32> to vector<1x896xf32>
    %broadcast_in_dim3A_227 = vector.broadcast %broadcast_in_dim3A_226 : vector<1x896xf32> to vector<136x896xf32>
    %select_n3A_228 = arith.select %eq3A_224, %broadcast_in_dim3A_227, %select_n3A_221 : vector<136x896xi1>, vector<136x896xf32>
    %eq3A_229 = arith.constant 2 : i32
    %eq3A_230 = vector.broadcast %eq3A_229 : i32 to vector<136x896xi32>
    %eq3A_231 = arith.cmpi eq, %sub3A_212, %eq3A_230 : vector<136x896xi32>
    %slice3A_232 = vector.extract_strided_slice %add3A_168 {offsets = [1, 0], sizes = [1, 896], strides = [1, 1]} : vector<32x896xf32> to vector<1x896xf32>
    %broadcast_in_dim3A_233 = vector.shape_cast %slice3A_232 : vector<1x896xf32> to vector<1x896xf32>
    %broadcast_in_dim3A_234 = vector.broadcast %broadcast_in_dim3A_233 : vector<1x896xf32> to vector<136x896xf32>
    %select_n3A_235 = arith.select %eq3A_231, %broadcast_in_dim3A_234, %select_n3A_228 : vector<136x896xi1>, vector<136x896xf32>
    %eq3A_236 = arith.constant 3 : i32
    %eq3A_237 = vector.broadcast %eq3A_236 : i32 to vector<136x896xi32>
    %eq3A_238 = arith.cmpi eq, %sub3A_212, %eq3A_237 : vector<136x896xi32>
    %slice3A_239 = vector.extract_strided_slice %mul3A_169 {offsets = [1, 0], sizes = [1, 896], strides = [1, 1]} : vector<32x896xf32> to vector<1x896xf32>
    %broadcast_in_dim3A_240 = vector.shape_cast %slice3A_239 : vector<1x896xf32> to vector<1x896xf32>
    %broadcast_in_dim3A_241 = vector.broadcast %broadcast_in_dim3A_240 : vector<1x896xf32> to vector<136x896xf32>
    %select_n3A_242 = arith.select %eq3A_238, %broadcast_in_dim3A_241, %select_n3A_235 : vector<136x896xi1>, vector<136x896xf32>
    %swap3A_243 = arith.constant 136 : index
    %swap3A_244 = arith.constant 0 : index
    %swap3A_245 = vector.load %arg4[%swap3A_243, %swap3A_244] : memref<4352x896xf32, #tpu.memory_space<vmem>>, vector<136x896xf32>
    tpu.vector_store %arg4[%swap3A_243, %swap3A_244], %select_n3A_242 {strides = array<i32>} : memref<4352x896xf32, #tpu.memory_space<vmem>>, vector<136x896xf32>,
    %slice3A_246 = vector.extract_strided_slice %min3A_14 {offsets = [2, 0], sizes = [1, 896], strides = [1, 1]} : vector<32x896xi32> to vector<1x896xi32>
    %sub3A_247 = arith.constant 3 : i32
    %sub3A_248 = vector.broadcast %sub3A_247 : i32 to vector<1x896xi32>
    %sub3A_249 = arith.subi %slice3A_246, %sub3A_248 : vector<1x896xi32>
    %sub3A_250 = vector.broadcast %sub3A_249 : vector<1x896xi32> to vector<136x896xi32>
    %sub3A_251 = arith.subi %iota3A, %sub3A_250 : vector<136x896xi32>
    %eq3A_252 = arith.constant 0 : i32
    %eq3A_253 = vector.broadcast %eq3A_252 : i32 to vector<136x896xi32>
    %eq3A_254 = arith.cmpi eq, %sub3A_251, %eq3A_253 : vector<136x896xi32>
    %slice3A_255 = vector.extract_strided_slice %add3A_158 {offsets = [2, 0], sizes = [1, 896], strides = [1, 1]} : vector<32x896xf32> to vector<1x896xf32>
    %jit3A_256 = arith.constant 0.000000e+00 : f32
    %broadcast_in_dim3A_257 = vector.shape_cast %slice3A_255 : vector<1x896xf32> to vector<1x896xf32>
    %broadcast_in_dim3A_258 = vector.broadcast %broadcast_in_dim3A_257 : vector<1x896xf32> to vector<136x896xf32>
    %broadcast_in_dim3A_259 = vector.broadcast %jit3A_256 : f32 to vector<136x896xf32>
    %select_n3A_260 = arith.select %eq3A_254, %broadcast_in_dim3A_258, %broadcast_in_dim3A_259 : vector<136x896xi1>, vector<136x896xf32>
    %eq3A_261 = arith.constant 1 : i32
    %eq3A_262 = vector.broadcast %eq3A_261 : i32 to vector<136x896xi32>
    %eq3A_263 = arith.cmpi eq, %sub3A_251, %eq3A_262 : vector<136x896xi32>
    %slice3A_264 = vector.extract_strided_slice %add3A_163 {offsets = [2, 0], sizes = [1, 896], strides = [1, 1]} : vector<32x896xf32> to vector<1x896xf32>
    %broadcast_in_dim3A_265 = vector.shape_cast %slice3A_264 : vector<1x896xf32> to vector<1x896xf32>
    %broadcast_in_dim3A_266 = vector.broadcast %broadcast_in_dim3A_265 : vector<1x896xf32> to vector<136x896xf32>
    %select_n3A_267 = arith.select %eq3A_263, %broadcast_in_dim3A_266, %select_n3A_260 : vector<136x896xi1>, vector<136x896xf32>
    %eq3A_268 = arith.constant 2 : i32
    %eq3A_269 = vector.broadcast %eq3A_268 : i32 to vector<136x896xi32>
    %eq3A_270 = arith.cmpi eq, %sub3A_251, %eq3A_269 : vector<136x896xi32>
    %slice3A_271 = vector.extract_strided_slice %add3A_168 {offsets = [2, 0], sizes = [1, 896], strides = [1, 1]} : vector<32x896xf32> to vector<1x896xf32>
    %broadcast_in_dim3A_272 = vector.shape_cast %slice3A_271 : vector<1x896xf32> to vector<1x896xf32>
    %broadcast_in_dim3A_273 = vector.broadcast %broadcast_in_dim3A_272 : vector<1x896xf32> to vector<136x896xf32>
    %select_n3A_274 = arith.select %eq3A_270, %broadcast_in_dim3A_273, %select_n3A_267 : vector<136x896xi1>, vector<136x896xf32>
    %eq3A_275 = arith.constant 3 : i32
    %eq3A_276 = vector.broadcast %eq3A_275 : i32 to vector<136x896xi32>
    %eq3A_277 = arith.cmpi eq, %sub3A_251, %eq3A_276 : vector<136x896xi32>
    %slice3A_278 = vector.extract_strided_slice %mul3A_169 {offsets = [2, 0], sizes = [1, 896], strides = [1, 1]} : vector<32x896xf32> to vector<1x896xf32>
    %broadcast_in_dim3A_279 = vector.shape_cast %slice3A_278 : vector<1x896xf32> to vector<1x896xf32>
    %broadcast_in_dim3A_280 = vector.broadcast %broadcast_in_dim3A_279 : vector<1x896xf32> to vector<136x896xf32>
    %select_n3A_281 = arith.select %eq3A_277, %broadcast_in_dim3A_280, %select_n3A_274 : vector<136x896xi1>, vector<136x896xf32>
    %swap3A_282 = arith.constant 272 : index
    %swap3A_283 = arith.constant 0 : index
    %swap3A_284 = vector.load %arg4[%swap3A_282, %swap3A_283] : memref<4352x896xf32, #tpu.memory_space<vmem>>, vector<136x896xf32>
    tpu.vector_store %arg4[%swap3A_282, %swap3A_283], %select_n3A_281 {strides = array<i32>} : memref<4352x896xf32, #tpu.memory_space<vmem>>, vector<136x896xf32>,
    %slice3A_285 = vector.extract_strided_slice %min3A_14 {offsets = [3, 0], sizes = [1, 896], strides = [1, 1]} : vector<32x896xi32> to vector<1x896xi32>
    %sub3A_286 = arith.constant 3 : i32
    %sub3A_287 = vector.broadcast %sub3A_286 : i32 to vector<1x896xi32>
    %sub3A_288 = arith.subi %slice3A_285, %sub3A_287 : vector<1x896xi32>
    %sub3A_289 = vector.broadcast %sub3A_288 : vector<1x896xi32> to vector<136x896xi32>
    %sub3A_290 = arith.subi %iota3A, %sub3A_289 : vector<136x896xi32>
    %eq3A_291 = arith.constant 0 : i32
    %eq3A_292 = vector.broadcast %eq3A_291 : i32 to vector<136x896xi32>
    %eq3A_293 = arith.cmpi eq, %sub3A_290, %eq3A_292 : vector<136x896xi32>
    %slice3A_294 = vector.extract_strided_slice %add3A_158 {offsets = [3, 0], sizes = [1, 896], strides = [1, 1]} : vector<32x896xf32> to vector<1x896xf32>
    %jit3A_295 = arith.constant 0.000000e+00 : f32
    %broadcast_in_dim3A_296 = vector.shape_cast %slice3A_294 : vector<1x896xf32> to vector<1x896xf32>
    %broadcast_in_dim3A_297 = vector.broadcast %broadcast_in_dim3A_296 : vector<1x896xf32> to vector<136x896xf32>
    %broadcast_in_dim3A_298 = vector.broadcast %jit3A_295 : f32 to vector<136x896xf32>
    %select_n3A_299 = arith.select %eq3A_293, %broadcast_in_dim3A_297, %broadcast_in_dim3A_298 : vector<136x896xi1>, vector<136x896xf32>
    %eq3A_300 = arith.constant 1 : i32
    %eq3A_301 = vector.broadcast %eq3A_300 : i32 to vector<136x896xi32>
    %eq3A_302 = arith.cmpi eq, %sub3A_290, %eq3A_301 : vector<136x896xi32>
    %slice3A_303 = vector.extract_strided_slice %add3A_163 {offsets = [3, 0], sizes = [1, 896], strides = [1, 1]} : vector<32x896xf32> to vector<1x896xf32>
    %broadcast_in_dim3A_304 = vector.shape_cast %slice3A_303 : vector<1x896xf32> to vector<1x896xf32>
    %broadcast_in_dim3A_305 = vector.broadcast %broadcast_in_dim3A_304 : vector<1x896xf32> to vector<136x896xf32>
    %select_n3A_306 = arith.select %eq3A_302, %broadcast_in_dim3A_305, %select_n3A_299 : vector<136x896xi1>, vector<136x896xf32>
    %eq3A_307 = arith.constant 2 : i32
    %eq3A_308 = vector.broadcast %eq3A_307 : i32 to vector<136x896xi32>
    %eq3A_309 = arith.cmpi eq, %sub3A_290, %eq3A_308 : vector<136x896xi32>
    %slice3A_310 = vector.extract_strided_slice %add3A_168 {offsets = [3, 0], sizes = [1, 896], strides = [1, 1]} : vector<32x896xf32> to vector<1x896xf32>
    %broadcast_in_dim3A_311 = vector.shape_cast %slice3A_310 : vector<1x896xf32> to vector<1x896xf32>
    %broadcast_in_dim3A_312 = vector.broadcast %broadcast_in_dim3A_311 : vector<1x896xf32> to vector<136x896xf32>
    %select_n3A_313 = arith.select %eq3A_309, %broadcast_in_dim3A_312, %select_n3A_306 : vector<136x896xi1>, vector<136x896xf32>
    %eq3A_314 = arith.constant 3 : i32
    %eq3A_315 = vector.broadcast %eq3A_314 : i32 to vector<136x896xi32>
    %eq3A_316 = arith.cmpi eq, %sub3A_290, %eq3A_315 : vector<136x896xi32>
    %slice3A_317 = vector.extract_strided_slice %mul3A_169 {offsets = [3, 0], sizes = [1, 896], strides = [1, 1]} : vector<32x896xf32> to vector<1x896xf32>
    %broadcast_in_dim3A_318 = vector.shape_cast %slice3A_317 : vector<1x896xf32> to vector<1x896xf32>
    %broadcast_in_dim3A_319 = vector.broadcast %broadcast_in_dim3A_318 : vector<1x896xf32> to vector<136x896xf32>
    %select_n3A_320 = arith.select %eq3A_316, %broadcast_in_dim3A_319, %select_n3A_313 : vector<136x896xi1>, vector<136x896xf32>
    %swap3A_321 = arith.constant 408 : index
    %swap3A_322 = arith.constant 0 : index
    %swap3A_323 = vector.load %arg4[%swap3A_321, %swap3A_322] : memref<4352x896xf32, #tpu.memory_space<vmem>>, vector<136x896xf32>
    tpu.vector_store %arg4[%swap3A_321, %swap3A_322], %select_n3A_320 {strides = array<i32>} : memref<4352x896xf32, #tpu.memory_space<vmem>>, vector<136x896xf32>,
    %slice3A_324 = vector.extract_strided_slice %min3A_14 {offsets = [4, 0], sizes = [1, 896], strides = [1, 1]} : vector<32x896xi32> to vector<1x896xi32>
    %sub3A_325 = arith.constant 3 : i32
    %sub3A_326 = vector.broadcast %sub3A_325 : i32 to vector<1x896xi32>
    %sub3A_327 = arith.subi %slice3A_324, %sub3A_326 : vector<1x896xi32>
    %sub3A_328 = vector.broadcast %sub3A_327 : vector<1x896xi32> to vector<136x896xi32>
    %sub3A_329 = arith.subi %iota3A, %sub3A_328 : vector<136x896xi32>
    %eq3A_330 = arith.constant 0 : i32
    %eq3A_331 = vector.broadcast %eq3A_330 : i32 to vector<136x896xi32>
    %eq3A_332 = arith.cmpi eq, %sub3A_329, %eq3A_331 : vector<136x896xi32>
    %slice3A_333 = vector.extract_strided_slice %add3A_158 {offsets = [4, 0], sizes = [1, 896], strides = [1, 1]} : vector<32x896xf32> to vector<1x896xf32>
    %jit3A_334 = arith.constant 0.000000e+00 : f32
    %broadcast_in_dim3A_335 = vector.shape_cast %slice3A_333 : vector<1x896xf32> to vector<1x896xf32>
    %broadcast_in_dim3A_336 = vector.broadcast %broadcast_in_dim3A_335 : vector<1x896xf32> to vector<136x896xf32>
    %broadcast_in_dim3A_337 = vector.broadcast %jit3A_334 : f32 to vector<136x896xf32>
    %select_n3A_338 = arith.select %eq3A_332, %broadcast_in_dim3A_336, %broadcast_in_dim3A_337 : vector<136x896xi1>, vector<136x896xf32>
    %eq3A_339 = arith.constant 1 : i32
    %eq3A_340 = vector.broadcast %eq3A_339 : i32 to vector<136x896xi32>
    %eq3A_341 = arith.cmpi eq, %sub3A_329, %eq3A_340 : vector<136x896xi32>
    %slice3A_342 = vector.extract_strided_slice %add3A_163 {offsets = [4, 0], sizes = [1, 896], strides = [1, 1]} : vector<32x896xf32> to vector<1x896xf32>
    %broadcast_in_dim3A_343 = vector.shape_cast %slice3A_342 : vector<1x896xf32> to vector<1x896xf32>
    %broadcast_in_dim3A_344 = vector.broadcast %broadcast_in_dim3A_343 : vector<1x896xf32> to vector<136x896xf32>
    %select_n3A_345 = arith.select %eq3A_341, %broadcast_in_dim3A_344, %select_n3A_338 : vector<136x896xi1>, vector<136x896xf32>
    %eq3A_346 = arith.constant 2 : i32
    %eq3A_347 = vector.broadcast %eq3A_346 : i32 to vector<136x896xi32>
    %eq3A_348 = arith.cmpi eq, %sub3A_329, %eq3A_347 : vector<136x896xi32>
    %slice3A_349 = vector.extract_strided_slice %add3A_168 {offsets = [4, 0], sizes = [1, 896], strides = [1, 1]} : vector<32x896xf32> to vector<1x896xf32>
    %broadcast_in_dim3A_350 = vector.shape_cast %slice3A_349 : vector<1x896xf32> to vector<1x896xf32>
    %broadcast_in_dim3A_351 = vector.broadcast %broadcast_in_dim3A_350 : vector<1x896xf32> to vector<136x896xf32>
    %select_n3A_352 = arith.select %eq3A_348, %broadcast_in_dim3A_351, %select_n3A_345 : vector<136x896xi1>, vector<136x896xf32>
    %eq3A_353 = arith.constant 3 : i32
    %eq3A_354 = vector.broadcast %eq3A_353 : i32 to vector<136x896xi32>
    %eq3A_355 = arith.cmpi eq, %sub3A_329, %eq3A_354 : vector<136x896xi32>
    %slice3A_356 = vector.extract_strided_slice %mul3A_169 {offsets = [4, 0], sizes = [1, 896], strides = [1, 1]} : vector<32x896xf32> to vector<1x896xf32>
    %broadcast_in_dim3A_357 = vector.shape_cast %slice3A_356 : vector<1x896xf32> to vector<1x896xf32>
    %broadcast_in_dim3A_358 = vector.broadcast %broadcast_in_dim3A_357 : vector<1x896xf32> to vector<136x896xf32>
    %select_n3A_359 = arith.select %eq3A_355, %broadcast_in_dim3A_358, %select_n3A_352 : vector<136x896xi1>, vector<136x896xf32>
    %swap3A_360 = arith.constant 544 : index
    %swap3A_361 = arith.constant 0 : index
    %swap3A_362 = vector.load %arg4[%swap3A_360, %swap3A_361] : memref<4352x896xf32, #tpu.memory_space<vmem>>, vector<136x896xf32>
    tpu.vector_store %arg4[%swap3A_360, %swap3A_361], %select_n3A_359 {strides = array<i32>} : memref<4352x896xf32, #tpu.memory_space<vmem>>, vector<136x896xf32>,
    %slice3A_363 = vector.extract_strided_slice %min3A_14 {offsets = [5, 0], sizes = [1, 896], strides = [1, 1]} : vector<32x896xi32> to vector<1x896xi32>
    %sub3A_364 = arith.constant 3 : i32
    %sub3A_365 = vector.broadcast %sub3A_364 : i32 to vector<1x896xi32>
    %sub3A_366 = arith.subi %slice3A_363, %sub3A_365 : vector<1x896xi32>
    %sub3A_367 = vector.broadcast %sub3A_366 : vector<1x896xi32> to vector<136x896xi32>
    %sub3A_368 = arith.subi %iota3A, %sub3A_367 : vector<136x896xi32>
    %eq3A_369 = arith.constant 0 : i32
    %eq3A_370 = vector.broadcast %eq3A_369 : i32 to vector<136x896xi32>
    %eq3A_371 = arith.cmpi eq, %sub3A_368, %eq3A_370 : vector<136x896xi32>
    %slice3A_372 = vector.extract_strided_slice %add3A_158 {offsets = [5, 0], sizes = [1, 896], strides = [1, 1]} : vector<32x896xf32> to vector<1x896xf32>
    %jit3A_373 = arith.constant 0.000000e+00 : f32
    %broadcast_in_dim3A_374 = vector.shape_cast %slice3A_372 : vector<1x896xf32> to vector<1x896xf32>
    %broadcast_in_dim3A_375 = vector.broadcast %broadcast_in_dim3A_374 : vector<1x896xf32> to vector<136x896xf32>
    %broadcast_in_dim3A_376 = vector.broadcast %jit3A_373 : f32 to vector<136x896xf32>
    %select_n3A_377 = arith.select %eq3A_371, %broadcast_in_dim3A_375, %broadcast_in_dim3A_376 : vector<136x896xi1>, vector<136x896xf32>
    %eq3A_378 = arith.constant 1 : i32
    %eq3A_379 = vector.broadcast %eq3A_378 : i32 to vector<136x896xi32>
    %eq3A_380 = arith.cmpi eq, %sub3A_368, %eq3A_379 : vector<136x896xi32>
    %slice3A_381 = vector.extract_strided_slice %add3A_163 {offsets = [5, 0], sizes = [1, 896], strides = [1, 1]} : vector<32x896xf32> to vector<1x896xf32>
    %broadcast_in_dim3A_382 = vector.shape_cast %slice3A_381 : vector<1x896xf32> to vector<1x896xf32>
    %broadcast_in_dim3A_383 = vector.broadcast %broadcast_in_dim3A_382 : vector<1x896xf32> to vector<136x896xf32>
    %select_n3A_384 = arith.select %eq3A_380, %broadcast_in_dim3A_383, %select_n3A_377 : vector<136x896xi1>, vector<136x896xf32>
    %eq3A_385 = arith.constant 2 : i32
    %eq3A_386 = vector.broadcast %eq3A_385 : i32 to vector<136x896xi32>
    %eq3A_387 = arith.cmpi eq, %sub3A_368, %eq3A_386 : vector<136x896xi32>
    %slice3A_388 = vector.extract_strided_slice %add3A_168 {offsets = [5, 0], sizes = [1, 896], strides = [1, 1]} : vector<32x896xf32> to vector<1x896xf32>
    %broadcast_in_dim3A_389 = vector.shape_cast %slice3A_388 : vector<1x896xf32> to vector<1x896xf32>
    %broadcast_in_dim3A_390 = vector.broadcast %broadcast_in_dim3A_389 : vector<1x896xf32> to vector<136x896xf32>
    %select_n3A_391 = arith.select %eq3A_387, %broadcast_in_dim3A_390, %select_n3A_384 : vector<136x896xi1>, vector<136x896xf32>
    %eq3A_392 = arith.constant 3 : i32
    %eq3A_393 = vector.broadcast %eq3A_392 : i32 to vector<136x896xi32>
    %eq3A_394 = arith.cmpi eq, %sub3A_368, %eq3A_393 : vector<136x896xi32>
    %slice3A_395 = vector.extract_strided_slice %mul3A_169 {offsets = [5, 0], sizes = [1, 896], strides = [1, 1]} : vector<32x896xf32> to vector<1x896xf32>
    %broadcast_in_dim3A_396 = vector.shape_cast %slice3A_395 : vector<1x896xf32> to vector<1x896xf32>
    %broadcast_in_dim3A_397 = vector.broadcast %broadcast_in_dim3A_396 : vector<1x896xf32> to vector<136x896xf32>
    %select_n3A_398 = arith.select %eq3A_394, %broadcast_in_dim3A_397, %select_n3A_391 : vector<136x896xi1>, vector<136x896xf32>
    %swap3A_399 = arith.constant 680 : index
    %swap3A_400 = arith.constant 0 : index
    %swap3A_401 = vector.load %arg4[%swap3A_399, %swap3A_400] : memref<4352x896xf32, #tpu.memory_space<vmem>>, vector<136x896xf32>
    tpu.vector_store %arg4[%swap3A_399, %swap3A_400], %select_n3A_398 {strides = array<i32>} : memref<4352x896xf32, #tpu.memory_space<vmem>>, vector<136x896xf32>,
    %slice3A_402 = vector.extract_strided_slice %min3A_14 {offsets = [6, 0], sizes = [1, 896], strides = [1, 1]} : vector<32x896xi32> to vector<1x896xi32>
    %sub3A_403 = arith.constant 3 : i32
    %sub3A_404 = vector.broadcast %sub3A_403 : i32 to vector<1x896xi32>
    %sub3A_405 = arith.subi %slice3A_402, %sub3A_404 : vector<1x896xi32>
    %sub3A_406 = vector.broadcast %sub3A_405 : vector<1x896xi32> to vector<136x896xi32>
    %sub3A_407 = arith.subi %iota3A, %sub3A_406 : vector<136x896xi32>
    %eq3A_408 = arith.constant 0 : i32
    %eq3A_409 = vector.broadcast %eq3A_408 : i32 to vector<136x896xi32>
    %eq3A_410 = arith.cmpi eq, %sub3A_407, %eq3A_409 : vector<136x896xi32>
    %slice3A_411 = vector.extract_strided_slice %add3A_158 {offsets = [6, 0], sizes = [1, 896], strides = [1, 1]} : vector<32x896xf32> to vector<1x896xf32>
    %jit3A_412 = arith.constant 0.000000e+00 : f32
    %broadcast_in_dim3A_413 = vector.shape_cast %slice3A_411 : vector<1x896xf32> to vector<1x896xf32>
    %broadcast_in_dim3A_414 = vector.broadcast %broadcast_in_dim3A_413 : vector<1x896xf32> to vector<136x896xf32>
    %broadcast_in_dim3A_415 = vector.broadcast %jit3A_412 : f32 to vector<136x896xf32>
    %select_n3A_416 = arith.select %eq3A_410, %broadcast_in_dim3A_414, %broadcast_in_dim3A_415 : vector<136x896xi1>, vector<136x896xf32>
    %eq3A_417 = arith.constant 1 : i32
    %eq3A_418 = vector.broadcast %eq3A_417 : i32 to vector<136x896xi32>
    %eq3A_419 = arith.cmpi eq, %sub3A_407, %eq3A_418 : vector<136x896xi32>
    %slice3A_420 = vector.extract_strided_slice %add3A_163 {offsets = [6, 0], sizes = [1, 896], strides = [1, 1]} : vector<32x896xf32> to vector<1x896xf32>
    %broadcast_in_dim3A_421 = vector.shape_cast %slice3A_420 : vector<1x896xf32> to vector<1x896xf32>
    %broadcast_in_dim3A_422 = vector.broadcast %broadcast_in_dim3A_421 : vector<1x896xf32> to vector<136x896xf32>
    %select_n3A_423 = arith.select %eq3A_419, %broadcast_in_dim3A_422, %select_n3A_416 : vector<136x896xi1>, vector<136x896xf32>
    %eq3A_424 = arith.constant 2 : i32
    %eq3A_425 = vector.broadcast %eq3A_424 : i32 to vector<136x896xi32>
    %eq3A_426 = arith.cmpi eq, %sub3A_407, %eq3A_425 : vector<136x896xi32>
    %slice3A_427 = vector.extract_strided_slice %add3A_168 {offsets = [6, 0], sizes = [1, 896], strides = [1, 1]} : vector<32x896xf32> to vector<1x896xf32>
    %broadcast_in_dim3A_428 = vector.shape_cast %slice3A_427 : vector<1x896xf32> to vector<1x896xf32>
    %broadcast_in_dim3A_429 = vector.broadcast %broadcast_in_dim3A_428 : vector<1x896xf32> to vector<136x896xf32>
    %select_n3A_430 = arith.select %eq3A_426, %broadcast_in_dim3A_429, %select_n3A_423 : vector<136x896xi1>, vector<136x896xf32>
    %eq3A_431 = arith.constant 3 : i32
    %eq3A_432 = vector.broadcast %eq3A_431 : i32 to vector<136x896xi32>
    %eq3A_433 = arith.cmpi eq, %sub3A_407, %eq3A_432 : vector<136x896xi32>
    %slice3A_434 = vector.extract_strided_slice %mul3A_169 {offsets = [6, 0], sizes = [1, 896], strides = [1, 1]} : vector<32x896xf32> to vector<1x896xf32>
    %broadcast_in_dim3A_435 = vector.shape_cast %slice3A_434 : vector<1x896xf32> to vector<1x896xf32>
    %broadcast_in_dim3A_436 = vector.broadcast %broadcast_in_dim3A_435 : vector<1x896xf32> to vector<136x896xf32>
    %select_n3A_437 = arith.select %eq3A_433, %broadcast_in_dim3A_436, %select_n3A_430 : vector<136x896xi1>, vector<136x896xf32>
    %swap3A_438 = arith.constant 816 : index
    %swap3A_439 = arith.constant 0 : index
    %swap3A_440 = vector.load %arg4[%swap3A_438, %swap3A_439] : memref<4352x896xf32, #tpu.memory_space<vmem>>, vector<136x896xf32>
    tpu.vector_store %arg4[%swap3A_438, %swap3A_439], %select_n3A_437 {strides = array<i32>} : memref<4352x896xf32, #tpu.memory_space<vmem>>, vector<136x896xf32>,
    %slice3A_441 = vector.extract_strided_slice %min3A_14 {offsets = [7, 0], sizes = [1, 896], strides = [1, 1]} : vector<32x896xi32> to vector<1x896xi32>
    %sub3A_442 = arith.constant 3 : i32
    %sub3A_443 = vector.broadcast %sub3A_442 : i32 to vector<1x896xi32>
    %sub3A_444 = arith.subi %slice3A_441, %sub3A_443 : vector<1x896xi32>
    %sub3A_445 = vector.broadcast %sub3A_444 : vector<1x896xi32> to vector<136x896xi32>
    %sub3A_446 = arith.subi %iota3A, %sub3A_445 : vector<136x896xi32>
    %eq3A_447 = arith.constant 0 : i32
    %eq3A_448 = vector.broadcast %eq3A_447 : i32 to vector<136x896xi32>
    %eq3A_449 = arith.cmpi eq, %sub3A_446, %eq3A_448 : vector<136x896xi32>
    %slice3A_450 = vector.extract_strided_slice %add3A_158 {offsets = [7, 0], sizes = [1, 896], strides = [1, 1]} : vector<32x896xf32> to vector<1x896xf32>
    %jit3A_451 = arith.constant 0.000000e+00 : f32
    %broadcast_in_dim3A_452 = vector.shape_cast %slice3A_450 : vector<1x896xf32> to vector<1x896xf32>
    %broadcast_in_dim3A_453 = vector.broadcast %broadcast_in_dim3A_452 : vector<1x896xf32> to vector<136x896xf32>
    %broadcast_in_dim3A_454 = vector.broadcast %jit3A_451 : f32 to vector<136x896xf32>
    %select_n3A_455 = arith.select %eq3A_449, %broadcast_in_dim3A_453, %broadcast_in_dim3A_454 : vector<136x896xi1>, vector<136x896xf32>
    %eq3A_456 = arith.constant 1 : i32
    %eq3A_457 = vector.broadcast %eq3A_456 : i32 to vector<136x896xi32>
    %eq3A_458 = arith.cmpi eq, %sub3A_446, %eq3A_457 : vector<136x896xi32>
    %slice3A_459 = vector.extract_strided_slice %add3A_163 {offsets = [7, 0], sizes = [1, 896], strides = [1, 1]} : vector<32x896xf32> to vector<1x896xf32>
    %broadcast_in_dim3A_460 = vector.shape_cast %slice3A_459 : vector<1x896xf32> to vector<1x896xf32>
    %broadcast_in_dim3A_461 = vector.broadcast %broadcast_in_dim3A_460 : vector<1x896xf32> to vector<136x896xf32>
    %select_n3A_462 = arith.select %eq3A_458, %broadcast_in_dim3A_461, %select_n3A_455 : vector<136x896xi1>, vector<136x896xf32>
    %eq3A_463 = arith.constant 2 : i32
    %eq3A_464 = vector.broadcast %eq3A_463 : i32 to vector<136x896xi32>
    %eq3A_465 = arith.cmpi eq, %sub3A_446, %eq3A_464 : vector<136x896xi32>
    %slice3A_466 = vector.extract_strided_slice %add3A_168 {offsets = [7, 0], sizes = [1, 896], strides = [1, 1]} : vector<32x896xf32> to vector<1x896xf32>
    %broadcast_in_dim3A_467 = vector.shape_cast %slice3A_466 : vector<1x896xf32> to vector<1x896xf32>
    %broadcast_in_dim3A_468 = vector.broadcast %broadcast_in_dim3A_467 : vector<1x896xf32> to vector<136x896xf32>
    %select_n3A_469 = arith.select %eq3A_465, %broadcast_in_dim3A_468, %select_n3A_462 : vector<136x896xi1>, vector<136x896xf32>
    %eq3A_470 = arith.constant 3 : i32
    %eq3A_471 = vector.broadcast %eq3A_470 : i32 to vector<136x896xi32>
    %eq3A_472 = arith.cmpi eq, %sub3A_446, %eq3A_471 : vector<136x896xi32>
    %slice3A_473 = vector.extract_strided_slice %mul3A_169 {offsets = [7, 0], sizes = [1, 896], strides = [1, 1]} : vector<32x896xf32> to vector<1x896xf32>
    %broadcast_in_dim3A_474 = vector.shape_cast %slice3A_473 : vector<1x896xf32> to vector<1x896xf32>
    %broadcast_in_dim3A_475 = vector.broadcast %broadcast_in_dim3A_474 : vector<1x896xf32> to vector<136x896xf32>
    %select_n3A_476 = arith.select %eq3A_472, %broadcast_in_dim3A_475, %select_n3A_469 : vector<136x896xi1>, vector<136x896xf32>
    %swap3A_477 = arith.constant 952 : index
    %swap3A_478 = arith.constant 0 : index
    %swap3A_479 = vector.load %arg4[%swap3A_477, %swap3A_478] : memref<4352x896xf32, #tpu.memory_space<vmem>>, vector<136x896xf32>
    tpu.vector_store %arg4[%swap3A_477, %swap3A_478], %select_n3A_476 {strides = array<i32>} : memref<4352x896xf32, #tpu.memory_space<vmem>>, vector<136x896xf32>,
    %slice3A_480 = vector.extract_strided_slice %min3A_14 {offsets = [8, 0], sizes = [1, 896], strides = [1, 1]} : vector<32x896xi32> to vector<1x896xi32>
    %sub3A_481 = arith.constant 3 : i32
    %sub3A_482 = vector.broadcast %sub3A_481 : i32 to vector<1x896xi32>
    %sub3A_483 = arith.subi %slice3A_480, %sub3A_482 : vector<1x896xi32>
    %sub3A_484 = vector.broadcast %sub3A_483 : vector<1x896xi32> to vector<136x896xi32>
    %sub3A_485 = arith.subi %iota3A, %sub3A_484 : vector<136x896xi32>
    %eq3A_486 = arith.constant 0 : i32
    %eq3A_487 = vector.broadcast %eq3A_486 : i32 to vector<136x896xi32>
    %eq3A_488 = arith.cmpi eq, %sub3A_485, %eq3A_487 : vector<136x896xi32>
    %slice3A_489 = vector.extract_strided_slice %add3A_158 {offsets = [8, 0], sizes = [1, 896], strides = [1, 1]} : vector<32x896xf32> to vector<1x896xf32>
    %jit3A_490 = arith.constant 0.000000e+00 : f32
    %broadcast_in_dim3A_491 = vector.shape_cast %slice3A_489 : vector<1x896xf32> to vector<1x896xf32>
    %broadcast_in_dim3A_492 = vector.broadcast %broadcast_in_dim3A_491 : vector<1x896xf32> to vector<136x896xf32>
    %broadcast_in_dim3A_493 = vector.broadcast %jit3A_490 : f32 to vector<136x896xf32>
    %select_n3A_494 = arith.select %eq3A_488, %broadcast_in_dim3A_492, %broadcast_in_dim3A_493 : vector<136x896xi1>, vector<136x896xf32>
    %eq3A_495 = arith.constant 1 : i32
    %eq3A_496 = vector.broadcast %eq3A_495 : i32 to vector<136x896xi32>
    %eq3A_497 = arith.cmpi eq, %sub3A_485, %eq3A_496 : vector<136x896xi32>
    %slice3A_498 = vector.extract_strided_slice %add3A_163 {offsets = [8, 0], sizes = [1, 896], strides = [1, 1]} : vector<32x896xf32> to vector<1x896xf32>
    %broadcast_in_dim3A_499 = vector.shape_cast %slice3A_498 : vector<1x896xf32> to vector<1x896xf32>
    %broadcast_in_dim3A_500 = vector.broadcast %broadcast_in_dim3A_499 : vector<1x896xf32> to vector<136x896xf32>
    %select_n3A_501 = arith.select %eq3A_497, %broadcast_in_dim3A_500, %select_n3A_494 : vector<136x896xi1>, vector<136x896xf32>
    %eq3A_502 = arith.constant 2 : i32
    %eq3A_503 = vector.broadcast %eq3A_502 : i32 to vector<136x896xi32>
    %eq3A_504 = arith.cmpi eq, %sub3A_485, %eq3A_503 : vector<136x896xi32>
    %slice3A_505 = vector.extract_strided_slice %add3A_168 {offsets = [8, 0], sizes = [1, 896], strides = [1, 1]} : vector<32x896xf32> to vector<1x896xf32>
    %broadcast_in_dim3A_506 = vector.shape_cast %slice3A_505 : vector<1x896xf32> to vector<1x896xf32>
    %broadcast_in_dim3A_507 = vector.broadcast %broadcast_in_dim3A_506 : vector<1x896xf32> to vector<136x896xf32>
    %select_n3A_508 = arith.select %eq3A_504, %broadcast_in_dim3A_507, %select_n3A_501 : vector<136x896xi1>, vector<136x896xf32>
    %eq3A_509 = arith.constant 3 : i32
    %eq3A_510 = vector.broadcast %eq3A_509 : i32 to vector<136x896xi32>
    %eq3A_511 = arith.cmpi eq, %sub3A_485, %eq3A_510 : vector<136x896xi32>
    %slice3A_512 = vector.extract_strided_slice %mul3A_169 {offsets = [8, 0], sizes = [1, 896], strides = [1, 1]} : vector<32x896xf32> to vector<1x896xf32>
    %broadcast_in_dim3A_513 = vector.shape_cast %slice3A_512 : vector<1x896xf32> to vector<1x896xf32>
    %broadcast_in_dim3A_514 = vector.broadcast %broadcast_in_dim3A_513 : vector<1x896xf32> to vector<136x896xf32>
    %select_n3A_515 = arith.select %eq3A_511, %broadcast_in_dim3A_514, %select_n3A_508 : vector<136x896xi1>, vector<136x896xf32>
    %swap3A_516 = arith.constant 1088 : index
    %swap3A_517 = arith.constant 0 : index
    %swap3A_518 = vector.load %arg4[%swap3A_516, %swap3A_517] : memref<4352x896xf32, #tpu.memory_space<vmem>>, vector<136x896xf32>
    tpu.vector_store %arg4[%swap3A_516, %swap3A_517], %select_n3A_515 {strides = array<i32>} : memref<4352x896xf32, #tpu.memory_space<vmem>>, vector<136x896xf32>,
    %slice3A_519 = vector.extract_strided_slice %min3A_14 {offsets = [9, 0], sizes = [1, 896], strides = [1, 1]} : vector<32x896xi32> to vector<1x896xi32>
    %sub3A_520 = arith.constant 3 : i32
    %sub3A_521 = vector.broadcast %sub3A_520 : i32 to vector<1x896xi32>
    %sub3A_522 = arith.subi %slice3A_519, %sub3A_521 : vector<1x896xi32>
    %sub3A_523 = vector.broadcast %sub3A_522 : vector<1x896xi32> to vector<136x896xi32>
    %sub3A_524 = arith.subi %iota3A, %sub3A_523 : vector<136x896xi32>
    %eq3A_525 = arith.constant 0 : i32
    %eq3A_526 = vector.broadcast %eq3A_525 : i32 to vector<136x896xi32>
    %eq3A_527 = arith.cmpi eq, %sub3A_524, %eq3A_526 : vector<136x896xi32>
    %slice3A_528 = vector.extract_strided_slice %add3A_158 {offsets = [9, 0], sizes = [1, 896], strides = [1, 1]} : vector<32x896xf32> to vector<1x896xf32>
    %jit3A_529 = arith.constant 0.000000e+00 : f32
    %broadcast_in_dim3A_530 = vector.shape_cast %slice3A_528 : vector<1x896xf32> to vector<1x896xf32>
    %broadcast_in_dim3A_531 = vector.broadcast %broadcast_in_dim3A_530 : vector<1x896xf32> to vector<136x896xf32>
    %broadcast_in_dim3A_532 = vector.broadcast %jit3A_529 : f32 to vector<136x896xf32>
    %select_n3A_533 = arith.select %eq3A_527, %broadcast_in_dim3A_531, %broadcast_in_dim3A_532 : vector<136x896xi1>, vector<136x896xf32>
    %eq3A_534 = arith.constant 1 : i32
    %eq3A_535 = vector.broadcast %eq3A_534 : i32 to vector<136x896xi32>
    %eq3A_536 = arith.cmpi eq, %sub3A_524, %eq3A_535 : vector<136x896xi32>
    %slice3A_537 = vector.extract_strided_slice %add3A_163 {offsets = [9, 0], sizes = [1, 896], strides = [1, 1]} : vector<32x896xf32> to vector<1x896xf32>
    %broadcast_in_dim3A_538 = vector.shape_cast %slice3A_537 : vector<1x896xf32> to vector<1x896xf32>
    %broadcast_in_dim3A_539 = vector.broadcast %broadcast_in_dim3A_538 : vector<1x896xf32> to vector<136x896xf32>
    %select_n3A_540 = arith.select %eq3A_536, %broadcast_in_dim3A_539, %select_n3A_533 : vector<136x896xi1>, vector<136x896xf32>
    %eq3A_541 = arith.constant 2 : i32
    %eq3A_542 = vector.broadcast %eq3A_541 : i32 to vector<136x896xi32>
    %eq3A_543 = arith.cmpi eq, %sub3A_524, %eq3A_542 : vector<136x896xi32>
    %slice3A_544 = vector.extract_strided_slice %add3A_168 {offsets = [9, 0], sizes = [1, 896], strides = [1, 1]} : vector<32x896xf32> to vector<1x896xf32>
    %broadcast_in_dim3A_545 = vector.shape_cast %slice3A_544 : vector<1x896xf32> to vector<1x896xf32>
    %broadcast_in_dim3A_546 = vector.broadcast %broadcast_in_dim3A_545 : vector<1x896xf32> to vector<136x896xf32>
    %select_n3A_547 = arith.select %eq3A_543, %broadcast_in_dim3A_546, %select_n3A_540 : vector<136x896xi1>, vector<136x896xf32>
    %eq3A_548 = arith.constant 3 : i32
    %eq3A_549 = vector.broadcast %eq3A_548 : i32 to vector<136x896xi32>
    %eq3A_550 = arith.cmpi eq, %sub3A_524, %eq3A_549 : vector<136x896xi32>
    %slice3A_551 = vector.extract_strided_slice %mul3A_169 {offsets = [9, 0], sizes = [1, 896], strides = [1, 1]} : vector<32x896xf32> to vector<1x896xf32>
    %broadcast_in_dim3A_552 = vector.shape_cast %slice3A_551 : vector<1x896xf32> to vector<1x896xf32>
    %broadcast_in_dim3A_553 = vector.broadcast %broadcast_in_dim3A_552 : vector<1x896xf32> to vector<136x896xf32>
    %select_n3A_554 = arith.select %eq3A_550, %broadcast_in_dim3A_553, %select_n3A_547 : vector<136x896xi1>, vector<136x896xf32>
    %swap3A_555 = arith.constant 1224 : index
    %swap3A_556 = arith.constant 0 : index
    %swap3A_557 = vector.load %arg4[%swap3A_555, %swap3A_556] : memref<4352x896xf32, #tpu.memory_space<vmem>>, vector<136x896xf32>
    tpu.vector_store %arg4[%swap3A_555, %swap3A_556], %select_n3A_554 {strides = array<i32>} : memref<4352x896xf32, #tpu.memory_space<vmem>>, vector<136x896xf32>,
    %slice3A_558 = vector.extract_strided_slice %min3A_14 {offsets = [10, 0], sizes = [1, 896], strides = [1, 1]} : vector<32x896xi32> to vector<1x896xi32>
    %sub3A_559 = arith.constant 3 : i32
    %sub3A_560 = vector.broadcast %sub3A_559 : i32 to vector<1x896xi32>
    %sub3A_561 = arith.subi %slice3A_558, %sub3A_560 : vector<1x896xi32>
    %sub3A_562 = vector.broadcast %sub3A_561 : vector<1x896xi32> to vector<136x896xi32>
    %sub3A_563 = arith.subi %iota3A, %sub3A_562 : vector<136x896xi32>
    %eq3A_564 = arith.constant 0 : i32
    %eq3A_565 = vector.broadcast %eq3A_564 : i32 to vector<136x896xi32>
    %eq3A_566 = arith.cmpi eq, %sub3A_563, %eq3A_565 : vector<136x896xi32>
    %slice3A_567 = vector.extract_strided_slice %add3A_158 {offsets = [10, 0], sizes = [1, 896], strides = [1, 1]} : vector<32x896xf32> to vector<1x896xf32>
    %jit3A_568 = arith.constant 0.000000e+00 : f32
    %broadcast_in_dim3A_569 = vector.shape_cast %slice3A_567 : vector<1x896xf32> to vector<1x896xf32>
    %broadcast_in_dim3A_570 = vector.broadcast %broadcast_in_dim3A_569 : vector<1x896xf32> to vector<136x896xf32>
    %broadcast_in_dim3A_571 = vector.broadcast %jit3A_568 : f32 to vector<136x896xf32>
    %select_n3A_572 = arith.select %eq3A_566, %broadcast_in_dim3A_570, %broadcast_in_dim3A_571 : vector<136x896xi1>, vector<136x896xf32>
    %eq3A_573 = arith.constant 1 : i32
    %eq3A_574 = vector.broadcast %eq3A_573 : i32 to vector<136x896xi32>
    %eq3A_575 = arith.cmpi eq, %sub3A_563, %eq3A_574 : vector<136x896xi32>
    %slice3A_576 = vector.extract_strided_slice %add3A_163 {offsets = [10, 0], sizes = [1, 896], strides = [1, 1]} : vector<32x896xf32> to vector<1x896xf32>
    %broadcast_in_dim3A_577 = vector.shape_cast %slice3A_576 : vector<1x896xf32> to vector<1x896xf32>
    %broadcast_in_dim3A_578 = vector.broadcast %broadcast_in_dim3A_577 : vector<1x896xf32> to vector<136x896xf32>
    %select_n3A_579 = arith.select %eq3A_575, %broadcast_in_dim3A_578, %select_n3A_572 : vector<136x896xi1>, vector<136x896xf32>
    %eq3A_580 = arith.constant 2 : i32
    %eq3A_581 = vector.broadcast %eq3A_580 : i32 to vector<136x896xi32>
    %eq3A_582 = arith.cmpi eq, %sub3A_563, %eq3A_581 : vector<136x896xi32>
    %slice3A_583 = vector.extract_strided_slice %add3A_168 {offsets = [10, 0], sizes = [1, 896], strides = [1, 1]} : vector<32x896xf32> to vector<1x896xf32>
    %broadcast_in_dim3A_584 = vector.shape_cast %slice3A_583 : vector<1x896xf32> to vector<1x896xf32>
    %broadcast_in_dim3A_585 = vector.broadcast %broadcast_in_dim3A_584 : vector<1x896xf32> to vector<136x896xf32>
    %select_n3A_586 = arith.select %eq3A_582, %broadcast_in_dim3A_585, %select_n3A_579 : vector<136x896xi1>, vector<136x896xf32>
    %eq3A_587 = arith.constant 3 : i32
    %eq3A_588 = vector.broadcast %eq3A_587 : i32 to vector<136x896xi32>
    %eq3A_589 = arith.cmpi eq, %sub3A_563, %eq3A_588 : vector<136x896xi32>
    %slice3A_590 = vector.extract_strided_slice %mul3A_169 {offsets = [10, 0], sizes = [1, 896], strides = [1, 1]} : vector<32x896xf32> to vector<1x896xf32>
    %broadcast_in_dim3A_591 = vector.shape_cast %slice3A_590 : vector<1x896xf32> to vector<1x896xf32>
    %broadcast_in_dim3A_592 = vector.broadcast %broadcast_in_dim3A_591 : vector<1x896xf32> to vector<136x896xf32>
    %select_n3A_593 = arith.select %eq3A_589, %broadcast_in_dim3A_592, %select_n3A_586 : vector<136x896xi1>, vector<136x896xf32>
    %swap3A_594 = arith.constant 1360 : index
    %swap3A_595 = arith.constant 0 : index
    %swap3A_596 = vector.load %arg4[%swap3A_594, %swap3A_595] : memref<4352x896xf32, #tpu.memory_space<vmem>>, vector<136x896xf32>
    tpu.vector_store %arg4[%swap3A_594, %swap3A_595], %select_n3A_593 {strides = array<i32>} : memref<4352x896xf32, #tpu.memory_space<vmem>>, vector<136x896xf32>,
    %slice3A_597 = vector.extract_strided_slice %min3A_14 {offsets = [11, 0], sizes = [1, 896], strides = [1, 1]} : vector<32x896xi32> to vector<1x896xi32>
    %sub3A_598 = arith.constant 3 : i32
    %sub3A_599 = vector.broadcast %sub3A_598 : i32 to vector<1x896xi32>
    %sub3A_600 = arith.subi %slice3A_597, %sub3A_599 : vector<1x896xi32>
    %sub3A_601 = vector.broadcast %sub3A_600 : vector<1x896xi32> to vector<136x896xi32>
    %sub3A_602 = arith.subi %iota3A, %sub3A_601 : vector<136x896xi32>
    %eq3A_603 = arith.constant 0 : i32
    %eq3A_604 = vector.broadcast %eq3A_603 : i32 to vector<136x896xi32>
    %eq3A_605 = arith.cmpi eq, %sub3A_602, %eq3A_604 : vector<136x896xi32>
    %slice3A_606 = vector.extract_strided_slice %add3A_158 {offsets = [11, 0], sizes = [1, 896], strides = [1, 1]} : vector<32x896xf32> to vector<1x896xf32>
    %jit3A_607 = arith.constant 0.000000e+00 : f32
    %broadcast_in_dim3A_608 = vector.shape_cast %slice3A_606 : vector<1x896xf32> to vector<1x896xf32>
    %broadcast_in_dim3A_609 = vector.broadcast %broadcast_in_dim3A_608 : vector<1x896xf32> to vector<136x896xf32>
    %broadcast_in_dim3A_610 = vector.broadcast %jit3A_607 : f32 to vector<136x896xf32>
    %select_n3A_611 = arith.select %eq3A_605, %broadcast_in_dim3A_609, %broadcast_in_dim3A_610 : vector<136x896xi1>, vector<136x896xf32>
    %eq3A_612 = arith.constant 1 : i32
    %eq3A_613 = vector.broadcast %eq3A_612 : i32 to vector<136x896xi32>
    %eq3A_614 = arith.cmpi eq, %sub3A_602, %eq3A_613 : vector<136x896xi32>
    %slice3A_615 = vector.extract_strided_slice %add3A_163 {offsets = [11, 0], sizes = [1, 896], strides = [1, 1]} : vector<32x896xf32> to vector<1x896xf32>
    %broadcast_in_dim3A_616 = vector.shape_cast %slice3A_615 : vector<1x896xf32> to vector<1x896xf32>
    %broadcast_in_dim3A_617 = vector.broadcast %broadcast_in_dim3A_616 : vector<1x896xf32> to vector<136x896xf32>
    %select_n3A_618 = arith.select %eq3A_614, %broadcast_in_dim3A_617, %select_n3A_611 : vector<136x896xi1>, vector<136x896xf32>
    %eq3A_619 = arith.constant 2 : i32
    %eq3A_620 = vector.broadcast %eq3A_619 : i32 to vector<136x896xi32>
    %eq3A_621 = arith.cmpi eq, %sub3A_602, %eq3A_620 : vector<136x896xi32>
    %slice3A_622 = vector.extract_strided_slice %add3A_168 {offsets = [11, 0], sizes = [1, 896], strides = [1, 1]} : vector<32x896xf32> to vector<1x896xf32>
    %broadcast_in_dim3A_623 = vector.shape_cast %slice3A_622 : vector<1x896xf32> to vector<1x896xf32>
    %broadcast_in_dim3A_624 = vector.broadcast %broadcast_in_dim3A_623 : vector<1x896xf32> to vector<136x896xf32>
    %select_n3A_625 = arith.select %eq3A_621, %broadcast_in_dim3A_624, %select_n3A_618 : vector<136x896xi1>, vector<136x896xf32>
    %eq3A_626 = arith.constant 3 : i32
    %eq3A_627 = vector.broadcast %eq3A_626 : i32 to vector<136x896xi32>
    %eq3A_628 = arith.cmpi eq, %sub3A_602, %eq3A_627 : vector<136x896xi32>
    %slice3A_629 = vector.extract_strided_slice %mul3A_169 {offsets = [11, 0], sizes = [1, 896], strides = [1, 1]} : vector<32x896xf32> to vector<1x896xf32>
    %broadcast_in_dim3A_630 = vector.shape_cast %slice3A_629 : vector<1x896xf32> to vector<1x896xf32>
    %broadcast_in_dim3A_631 = vector.broadcast %broadcast_in_dim3A_630 : vector<1x896xf32> to vector<136x896xf32>
    %select_n3A_632 = arith.select %eq3A_628, %broadcast_in_dim3A_631, %select_n3A_625 : vector<136x896xi1>, vector<136x896xf32>
    %swap3A_633 = arith.constant 1496 : index
    %swap3A_634 = arith.constant 0 : index
    %swap3A_635 = vector.load %arg4[%swap3A_633, %swap3A_634] : memref<4352x896xf32, #tpu.memory_space<vmem>>, vector<136x896xf32>
    tpu.vector_store %arg4[%swap3A_633, %swap3A_634], %select_n3A_632 {strides = array<i32>} : memref<4352x896xf32, #tpu.memory_space<vmem>>, vector<136x896xf32>,
    %slice3A_636 = vector.extract_strided_slice %min3A_14 {offsets = [12, 0], sizes = [1, 896], strides = [1, 1]} : vector<32x896xi32> to vector<1x896xi32>
    %sub3A_637 = arith.constant 3 : i32
    %sub3A_638 = vector.broadcast %sub3A_637 : i32 to vector<1x896xi32>
    %sub3A_639 = arith.subi %slice3A_636, %sub3A_638 : vector<1x896xi32>
    %sub3A_640 = vector.broadcast %sub3A_639 : vector<1x896xi32> to vector<136x896xi32>
    %sub3A_641 = arith.subi %iota3A, %sub3A_640 : vector<136x896xi32>
    %eq3A_642 = arith.constant 0 : i32
    %eq3A_643 = vector.broadcast %eq3A_642 : i32 to vector<136x896xi32>
    %eq3A_644 = arith.cmpi eq, %sub3A_641, %eq3A_643 : vector<136x896xi32>
    %slice3A_645 = vector.extract_strided_slice %add3A_158 {offsets = [12, 0], sizes = [1, 896], strides = [1, 1]} : vector<32x896xf32> to vector<1x896xf32>
    %jit3A_646 = arith.constant 0.000000e+00 : f32
    %broadcast_in_dim3A_647 = vector.shape_cast %slice3A_645 : vector<1x896xf32> to vector<1x896xf32>
    %broadcast_in_dim3A_648 = vector.broadcast %broadcast_in_dim3A_647 : vector<1x896xf32> to vector<136x896xf32>
    %broadcast_in_dim3A_649 = vector.broadcast %jit3A_646 : f32 to vector<136x896xf32>
    %select_n3A_650 = arith.select %eq3A_644, %broadcast_in_dim3A_648, %broadcast_in_dim3A_649 : vector<136x896xi1>, vector<136x896xf32>
    %eq3A_651 = arith.constant 1 : i32
    %eq3A_652 = vector.broadcast %eq3A_651 : i32 to vector<136x896xi32>
    %eq3A_653 = arith.cmpi eq, %sub3A_641, %eq3A_652 : vector<136x896xi32>
    %slice3A_654 = vector.extract_strided_slice %add3A_163 {offsets = [12, 0], sizes = [1, 896], strides = [1, 1]} : vector<32x896xf32> to vector<1x896xf32>
    %broadcast_in_dim3A_655 = vector.shape_cast %slice3A_654 : vector<1x896xf32> to vector<1x896xf32>
    %broadcast_in_dim3A_656 = vector.broadcast %broadcast_in_dim3A_655 : vector<1x896xf32> to vector<136x896xf32>
    %select_n3A_657 = arith.select %eq3A_653, %broadcast_in_dim3A_656, %select_n3A_650 : vector<136x896xi1>, vector<136x896xf32>
    %eq3A_658 = arith.constant 2 : i32
    %eq3A_659 = vector.broadcast %eq3A_658 : i32 to vector<136x896xi32>
    %eq3A_660 = arith.cmpi eq, %sub3A_641, %eq3A_659 : vector<136x896xi32>
    %slice3A_661 = vector.extract_strided_slice %add3A_168 {offsets = [12, 0], sizes = [1, 896], strides = [1, 1]} : vector<32x896xf32> to vector<1x896xf32>
    %broadcast_in_dim3A_662 = vector.shape_cast %slice3A_661 : vector<1x896xf32> to vector<1x896xf32>
    %broadcast_in_dim3A_663 = vector.broadcast %broadcast_in_dim3A_662 : vector<1x896xf32> to vector<136x896xf32>
    %select_n3A_664 = arith.select %eq3A_660, %broadcast_in_dim3A_663, %select_n3A_657 : vector<136x896xi1>, vector<136x896xf32>
    %eq3A_665 = arith.constant 3 : i32
    %eq3A_666 = vector.broadcast %eq3A_665 : i32 to vector<136x896xi32>
    %eq3A_667 = arith.cmpi eq, %sub3A_641, %eq3A_666 : vector<136x896xi32>
    %slice3A_668 = vector.extract_strided_slice %mul3A_169 {offsets = [12, 0], sizes = [1, 896], strides = [1, 1]} : vector<32x896xf32> to vector<1x896xf32>
    %broadcast_in_dim3A_669 = vector.shape_cast %slice3A_668 : vector<1x896xf32> to vector<1x896xf32>
    %broadcast_in_dim3A_670 = vector.broadcast %broadcast_in_dim3A_669 : vector<1x896xf32> to vector<136x896xf32>
    %select_n3A_671 = arith.select %eq3A_667, %broadcast_in_dim3A_670, %select_n3A_664 : vector<136x896xi1>, vector<136x896xf32>
    %swap3A_672 = arith.constant 1632 : index
    %swap3A_673 = arith.constant 0 : index
    %swap3A_674 = vector.load %arg4[%swap3A_672, %swap3A_673] : memref<4352x896xf32, #tpu.memory_space<vmem>>, vector<136x896xf32>
    tpu.vector_store %arg4[%swap3A_672, %swap3A_673], %select_n3A_671 {strides = array<i32>} : memref<4352x896xf32, #tpu.memory_space<vmem>>, vector<136x896xf32>,
    %slice3A_675 = vector.extract_strided_slice %min3A_14 {offsets = [13, 0], sizes = [1, 896], strides = [1, 1]} : vector<32x896xi32> to vector<1x896xi32>
    %sub3A_676 = arith.constant 3 : i32
    %sub3A_677 = vector.broadcast %sub3A_676 : i32 to vector<1x896xi32>
    %sub3A_678 = arith.subi %slice3A_675, %sub3A_677 : vector<1x896xi32>
    %sub3A_679 = vector.broadcast %sub3A_678 : vector<1x896xi32> to vector<136x896xi32>
    %sub3A_680 = arith.subi %iota3A, %sub3A_679 : vector<136x896xi32>
    %eq3A_681 = arith.constant 0 : i32
    %eq3A_682 = vector.broadcast %eq3A_681 : i32 to vector<136x896xi32>
    %eq3A_683 = arith.cmpi eq, %sub3A_680, %eq3A_682 : vector<136x896xi32>
    %slice3A_684 = vector.extract_strided_slice %add3A_158 {offsets = [13, 0], sizes = [1, 896], strides = [1, 1]} : vector<32x896xf32> to vector<1x896xf32>
    %jit3A_685 = arith.constant 0.000000e+00 : f32
    %broadcast_in_dim3A_686 = vector.shape_cast %slice3A_684 : vector<1x896xf32> to vector<1x896xf32>
    %broadcast_in_dim3A_687 = vector.broadcast %broadcast_in_dim3A_686 : vector<1x896xf32> to vector<136x896xf32>
    %broadcast_in_dim3A_688 = vector.broadcast %jit3A_685 : f32 to vector<136x896xf32>
    %select_n3A_689 = arith.select %eq3A_683, %broadcast_in_dim3A_687, %broadcast_in_dim3A_688 : vector<136x896xi1>, vector<136x896xf32>
    %eq3A_690 = arith.constant 1 : i32
    %eq3A_691 = vector.broadcast %eq3A_690 : i32 to vector<136x896xi32>
    %eq3A_692 = arith.cmpi eq, %sub3A_680, %eq3A_691 : vector<136x896xi32>
    %slice3A_693 = vector.extract_strided_slice %add3A_163 {offsets = [13, 0], sizes = [1, 896], strides = [1, 1]} : vector<32x896xf32> to vector<1x896xf32>
    %broadcast_in_dim3A_694 = vector.shape_cast %slice3A_693 : vector<1x896xf32> to vector<1x896xf32>
    %broadcast_in_dim3A_695 = vector.broadcast %broadcast_in_dim3A_694 : vector<1x896xf32> to vector<136x896xf32>
    %select_n3A_696 = arith.select %eq3A_692, %broadcast_in_dim3A_695, %select_n3A_689 : vector<136x896xi1>, vector<136x896xf32>
    %eq3A_697 = arith.constant 2 : i32
    %eq3A_698 = vector.broadcast %eq3A_697 : i32 to vector<136x896xi32>
    %eq3A_699 = arith.cmpi eq, %sub3A_680, %eq3A_698 : vector<136x896xi32>
    %slice3A_700 = vector.extract_strided_slice %add3A_168 {offsets = [13, 0], sizes = [1, 896], strides = [1, 1]} : vector<32x896xf32> to vector<1x896xf32>
    %broadcast_in_dim3A_701 = vector.shape_cast %slice3A_700 : vector<1x896xf32> to vector<1x896xf32>
    %broadcast_in_dim3A_702 = vector.broadcast %broadcast_in_dim3A_701 : vector<1x896xf32> to vector<136x896xf32>
    %select_n3A_703 = arith.select %eq3A_699, %broadcast_in_dim3A_702, %select_n3A_696 : vector<136x896xi1>, vector<136x896xf32>
    %eq3A_704 = arith.constant 3 : i32
    %eq3A_705 = vector.broadcast %eq3A_704 : i32 to vector<136x896xi32>
    %eq3A_706 = arith.cmpi eq, %sub3A_680, %eq3A_705 : vector<136x896xi32>
    %slice3A_707 = vector.extract_strided_slice %mul3A_169 {offsets = [13, 0], sizes = [1, 896], strides = [1, 1]} : vector<32x896xf32> to vector<1x896xf32>
    %broadcast_in_dim3A_708 = vector.shape_cast %slice3A_707 : vector<1x896xf32> to vector<1x896xf32>
    %broadcast_in_dim3A_709 = vector.broadcast %broadcast_in_dim3A_708 : vector<1x896xf32> to vector<136x896xf32>
    %select_n3A_710 = arith.select %eq3A_706, %broadcast_in_dim3A_709, %select_n3A_703 : vector<136x896xi1>, vector<136x896xf32>
    %swap3A_711 = arith.constant 1768 : index
    %swap3A_712 = arith.constant 0 : index
    %swap3A_713 = vector.load %arg4[%swap3A_711, %swap3A_712] : memref<4352x896xf32, #tpu.memory_space<vmem>>, vector<136x896xf32>
    tpu.vector_store %arg4[%swap3A_711, %swap3A_712], %select_n3A_710 {strides = array<i32>} : memref<4352x896xf32, #tpu.memory_space<vmem>>, vector<136x896xf32>,
    %slice3A_714 = vector.extract_strided_slice %min3A_14 {offsets = [14, 0], sizes = [1, 896], strides = [1, 1]} : vector<32x896xi32> to vector<1x896xi32>
    %sub3A_715 = arith.constant 3 : i32
    %sub3A_716 = vector.broadcast %sub3A_715 : i32 to vector<1x896xi32>
    %sub3A_717 = arith.subi %slice3A_714, %sub3A_716 : vector<1x896xi32>
    %sub3A_718 = vector.broadcast %sub3A_717 : vector<1x896xi32> to vector<136x896xi32>
    %sub3A_719 = arith.subi %iota3A, %sub3A_718 : vector<136x896xi32>
    %eq3A_720 = arith.constant 0 : i32
    %eq3A_721 = vector.broadcast %eq3A_720 : i32 to vector<136x896xi32>
    %eq3A_722 = arith.cmpi eq, %sub3A_719, %eq3A_721 : vector<136x896xi32>
    %slice3A_723 = vector.extract_strided_slice %add3A_158 {offsets = [14, 0], sizes = [1, 896], strides = [1, 1]} : vector<32x896xf32> to vector<1x896xf32>
    %jit3A_724 = arith.constant 0.000000e+00 : f32
    %broadcast_in_dim3A_725 = vector.shape_cast %slice3A_723 : vector<1x896xf32> to vector<1x896xf32>
    %broadcast_in_dim3A_726 = vector.broadcast %broadcast_in_dim3A_725 : vector<1x896xf32> to vector<136x896xf32>
    %broadcast_in_dim3A_727 = vector.broadcast %jit3A_724 : f32 to vector<136x896xf32>
    %select_n3A_728 = arith.select %eq3A_722, %broadcast_in_dim3A_726, %broadcast_in_dim3A_727 : vector<136x896xi1>, vector<136x896xf32>
    %eq3A_729 = arith.constant 1 : i32
    %eq3A_730 = vector.broadcast %eq3A_729 : i32 to vector<136x896xi32>
    %eq3A_731 = arith.cmpi eq, %sub3A_719, %eq3A_730 : vector<136x896xi32>
    %slice3A_732 = vector.extract_strided_slice %add3A_163 {offsets = [14, 0], sizes = [1, 896], strides = [1, 1]} : vector<32x896xf32> to vector<1x896xf32>
    %broadcast_in_dim3A_733 = vector.shape_cast %slice3A_732 : vector<1x896xf32> to vector<1x896xf32>
    %broadcast_in_dim3A_734 = vector.broadcast %broadcast_in_dim3A_733 : vector<1x896xf32> to vector<136x896xf32>
    %select_n3A_735 = arith.select %eq3A_731, %broadcast_in_dim3A_734, %select_n3A_728 : vector<136x896xi1>, vector<136x896xf32>
    %eq3A_736 = arith.constant 2 : i32
    %eq3A_737 = vector.broadcast %eq3A_736 : i32 to vector<136x896xi32>
    %eq3A_738 = arith.cmpi eq, %sub3A_719, %eq3A_737 : vector<136x896xi32>
    %slice3A_739 = vector.extract_strided_slice %add3A_168 {offsets = [14, 0], sizes = [1, 896], strides = [1, 1]} : vector<32x896xf32> to vector<1x896xf32>
    %broadcast_in_dim3A_740 = vector.shape_cast %slice3A_739 : vector<1x896xf32> to vector<1x896xf32>
    %broadcast_in_dim3A_741 = vector.broadcast %broadcast_in_dim3A_740 : vector<1x896xf32> to vector<136x896xf32>
    %select_n3A_742 = arith.select %eq3A_738, %broadcast_in_dim3A_741, %select_n3A_735 : vector<136x896xi1>, vector<136x896xf32>
    %eq3A_743 = arith.constant 3 : i32
    %eq3A_744 = vector.broadcast %eq3A_743 : i32 to vector<136x896xi32>
    %eq3A_745 = arith.cmpi eq, %sub3A_719, %eq3A_744 : vector<136x896xi32>
    %slice3A_746 = vector.extract_strided_slice %mul3A_169 {offsets = [14, 0], sizes = [1, 896], strides = [1, 1]} : vector<32x896xf32> to vector<1x896xf32>
    %broadcast_in_dim3A_747 = vector.shape_cast %slice3A_746 : vector<1x896xf32> to vector<1x896xf32>
    %broadcast_in_dim3A_748 = vector.broadcast %broadcast_in_dim3A_747 : vector<1x896xf32> to vector<136x896xf32>
    %select_n3A_749 = arith.select %eq3A_745, %broadcast_in_dim3A_748, %select_n3A_742 : vector<136x896xi1>, vector<136x896xf32>
    %swap3A_750 = arith.constant 1904 : index
    %swap3A_751 = arith.constant 0 : index
    %swap3A_752 = vector.load %arg4[%swap3A_750, %swap3A_751] : memref<4352x896xf32, #tpu.memory_space<vmem>>, vector<136x896xf32>
    tpu.vector_store %arg4[%swap3A_750, %swap3A_751], %select_n3A_749 {strides = array<i32>} : memref<4352x896xf32, #tpu.memory_space<vmem>>, vector<136x896xf32>,
    %slice3A_753 = vector.extract_strided_slice %min3A_14 {offsets = [15, 0], sizes = [1, 896], strides = [1, 1]} : vector<32x896xi32> to vector<1x896xi32>
    %sub3A_754 = arith.constant 3 : i32
    %sub3A_755 = vector.broadcast %sub3A_754 : i32 to vector<1x896xi32>
    %sub3A_756 = arith.subi %slice3A_753, %sub3A_755 : vector<1x896xi32>
    %sub3A_757 = vector.broadcast %sub3A_756 : vector<1x896xi32> to vector<136x896xi32>
    %sub3A_758 = arith.subi %iota3A, %sub3A_757 : vector<136x896xi32>
    %eq3A_759 = arith.constant 0 : i32
    %eq3A_760 = vector.broadcast %eq3A_759 : i32 to vector<136x896xi32>
    %eq3A_761 = arith.cmpi eq, %sub3A_758, %eq3A_760 : vector<136x896xi32>
    %slice3A_762 = vector.extract_strided_slice %add3A_158 {offsets = [15, 0], sizes = [1, 896], strides = [1, 1]} : vector<32x896xf32> to vector<1x896xf32>
    %jit3A_763 = arith.constant 0.000000e+00 : f32
    %broadcast_in_dim3A_764 = vector.shape_cast %slice3A_762 : vector<1x896xf32> to vector<1x896xf32>
    %broadcast_in_dim3A_765 = vector.broadcast %broadcast_in_dim3A_764 : vector<1x896xf32> to vector<136x896xf32>
    %broadcast_in_dim3A_766 = vector.broadcast %jit3A_763 : f32 to vector<136x896xf32>
    %select_n3A_767 = arith.select %eq3A_761, %broadcast_in_dim3A_765, %broadcast_in_dim3A_766 : vector<136x896xi1>, vector<136x896xf32>
    %eq3A_768 = arith.constant 1 : i32
    %eq3A_769 = vector.broadcast %eq3A_768 : i32 to vector<136x896xi32>
    %eq3A_770 = arith.cmpi eq, %sub3A_758, %eq3A_769 : vector<136x896xi32>
    %slice3A_771 = vector.extract_strided_slice %add3A_163 {offsets = [15, 0], sizes = [1, 896], strides = [1, 1]} : vector<32x896xf32> to vector<1x896xf32>
    %broadcast_in_dim3A_772 = vector.shape_cast %slice3A_771 : vector<1x896xf32> to vector<1x896xf32>
    %broadcast_in_dim3A_773 = vector.broadcast %broadcast_in_dim3A_772 : vector<1x896xf32> to vector<136x896xf32>
    %select_n3A_774 = arith.select %eq3A_770, %broadcast_in_dim3A_773, %select_n3A_767 : vector<136x896xi1>, vector<136x896xf32>
    %eq3A_775 = arith.constant 2 : i32
    %eq3A_776 = vector.broadcast %eq3A_775 : i32 to vector<136x896xi32>
    %eq3A_777 = arith.cmpi eq, %sub3A_758, %eq3A_776 : vector<136x896xi32>
    %slice3A_778 = vector.extract_strided_slice %add3A_168 {offsets = [15, 0], sizes = [1, 896], strides = [1, 1]} : vector<32x896xf32> to vector<1x896xf32>
    %broadcast_in_dim3A_779 = vector.shape_cast %slice3A_778 : vector<1x896xf32> to vector<1x896xf32>
    %broadcast_in_dim3A_780 = vector.broadcast %broadcast_in_dim3A_779 : vector<1x896xf32> to vector<136x896xf32>
    %select_n3A_781 = arith.select %eq3A_777, %broadcast_in_dim3A_780, %select_n3A_774 : vector<136x896xi1>, vector<136x896xf32>
    %eq3A_782 = arith.constant 3 : i32
    %eq3A_783 = vector.broadcast %eq3A_782 : i32 to vector<136x896xi32>
    %eq3A_784 = arith.cmpi eq, %sub3A_758, %eq3A_783 : vector<136x896xi32>
    %slice3A_785 = vector.extract_strided_slice %mul3A_169 {offsets = [15, 0], sizes = [1, 896], strides = [1, 1]} : vector<32x896xf32> to vector<1x896xf32>
    %broadcast_in_dim3A_786 = vector.shape_cast %slice3A_785 : vector<1x896xf32> to vector<1x896xf32>
    %broadcast_in_dim3A_787 = vector.broadcast %broadcast_in_dim3A_786 : vector<1x896xf32> to vector<136x896xf32>
    %select_n3A_788 = arith.select %eq3A_784, %broadcast_in_dim3A_787, %select_n3A_781 : vector<136x896xi1>, vector<136x896xf32>
    %swap3A_789 = arith.constant 2040 : index
    %swap3A_790 = arith.constant 0 : index
    %swap3A_791 = vector.load %arg4[%swap3A_789, %swap3A_790] : memref<4352x896xf32, #tpu.memory_space<vmem>>, vector<136x896xf32>
    tpu.vector_store %arg4[%swap3A_789, %swap3A_790], %select_n3A_788 {strides = array<i32>} : memref<4352x896xf32, #tpu.memory_space<vmem>>, vector<136x896xf32>,
    %slice3A_792 = vector.extract_strided_slice %min3A_14 {offsets = [16, 0], sizes = [1, 896], strides = [1, 1]} : vector<32x896xi32> to vector<1x896xi32>
    %sub3A_793 = arith.constant 3 : i32
    %sub3A_794 = vector.broadcast %sub3A_793 : i32 to vector<1x896xi32>
    %sub3A_795 = arith.subi %slice3A_792, %sub3A_794 : vector<1x896xi32>
    %sub3A_796 = vector.broadcast %sub3A_795 : vector<1x896xi32> to vector<136x896xi32>
    %sub3A_797 = arith.subi %iota3A, %sub3A_796 : vector<136x896xi32>
    %eq3A_798 = arith.constant 0 : i32
    %eq3A_799 = vector.broadcast %eq3A_798 : i32 to vector<136x896xi32>
    %eq3A_800 = arith.cmpi eq, %sub3A_797, %eq3A_799 : vector<136x896xi32>
    %slice3A_801 = vector.extract_strided_slice %add3A_158 {offsets = [16, 0], sizes = [1, 896], strides = [1, 1]} : vector<32x896xf32> to vector<1x896xf32>
    %jit3A_802 = arith.constant 0.000000e+00 : f32
    %broadcast_in_dim3A_803 = vector.shape_cast %slice3A_801 : vector<1x896xf32> to vector<1x896xf32>
    %broadcast_in_dim3A_804 = vector.broadcast %broadcast_in_dim3A_803 : vector<1x896xf32> to vector<136x896xf32>
    %broadcast_in_dim3A_805 = vector.broadcast %jit3A_802 : f32 to vector<136x896xf32>
    %select_n3A_806 = arith.select %eq3A_800, %broadcast_in_dim3A_804, %broadcast_in_dim3A_805 : vector<136x896xi1>, vector<136x896xf32>
    %eq3A_807 = arith.constant 1 : i32
    %eq3A_808 = vector.broadcast %eq3A_807 : i32 to vector<136x896xi32>
    %eq3A_809 = arith.cmpi eq, %sub3A_797, %eq3A_808 : vector<136x896xi32>
    %slice3A_810 = vector.extract_strided_slice %add3A_163 {offsets = [16, 0], sizes = [1, 896], strides = [1, 1]} : vector<32x896xf32> to vector<1x896xf32>
    %broadcast_in_dim3A_811 = vector.shape_cast %slice3A_810 : vector<1x896xf32> to vector<1x896xf32>
    %broadcast_in_dim3A_812 = vector.broadcast %broadcast_in_dim3A_811 : vector<1x896xf32> to vector<136x896xf32>
    %select_n3A_813 = arith.select %eq3A_809, %broadcast_in_dim3A_812, %select_n3A_806 : vector<136x896xi1>, vector<136x896xf32>
    %eq3A_814 = arith.constant 2 : i32
    %eq3A_815 = vector.broadcast %eq3A_814 : i32 to vector<136x896xi32>
    %eq3A_816 = arith.cmpi eq, %sub3A_797, %eq3A_815 : vector<136x896xi32>
    %slice3A_817 = vector.extract_strided_slice %add3A_168 {offsets = [16, 0], sizes = [1, 896], strides = [1, 1]} : vector<32x896xf32> to vector<1x896xf32>
    %broadcast_in_dim3A_818 = vector.shape_cast %slice3A_817 : vector<1x896xf32> to vector<1x896xf32>
    %broadcast_in_dim3A_819 = vector.broadcast %broadcast_in_dim3A_818 : vector<1x896xf32> to vector<136x896xf32>
    %select_n3A_820 = arith.select %eq3A_816, %broadcast_in_dim3A_819, %select_n3A_813 : vector<136x896xi1>, vector<136x896xf32>
    %eq3A_821 = arith.constant 3 : i32
    %eq3A_822 = vector.broadcast %eq3A_821 : i32 to vector<136x896xi32>
    %eq3A_823 = arith.cmpi eq, %sub3A_797, %eq3A_822 : vector<136x896xi32>
    %slice3A_824 = vector.extract_strided_slice %mul3A_169 {offsets = [16, 0], sizes = [1, 896], strides = [1, 1]} : vector<32x896xf32> to vector<1x896xf32>
    %broadcast_in_dim3A_825 = vector.shape_cast %slice3A_824 : vector<1x896xf32> to vector<1x896xf32>
    %broadcast_in_dim3A_826 = vector.broadcast %broadcast_in_dim3A_825 : vector<1x896xf32> to vector<136x896xf32>
    %select_n3A_827 = arith.select %eq3A_823, %broadcast_in_dim3A_826, %select_n3A_820 : vector<136x896xi1>, vector<136x896xf32>
    %swap3A_828 = arith.constant 2176 : index
    %swap3A_829 = arith.constant 0 : index
    %swap3A_830 = vector.load %arg4[%swap3A_828, %swap3A_829] : memref<4352x896xf32, #tpu.memory_space<vmem>>, vector<136x896xf32>
    tpu.vector_store %arg4[%swap3A_828, %swap3A_829], %select_n3A_827 {strides = array<i32>} : memref<4352x896xf32, #tpu.memory_space<vmem>>, vector<136x896xf32>,
    %slice3A_831 = vector.extract_strided_slice %min3A_14 {offsets = [17, 0], sizes = [1, 896], strides = [1, 1]} : vector<32x896xi32> to vector<1x896xi32>
    %sub3A_832 = arith.constant 3 : i32
    %sub3A_833 = vector.broadcast %sub3A_832 : i32 to vector<1x896xi32>
    %sub3A_834 = arith.subi %slice3A_831, %sub3A_833 : vector<1x896xi32>
    %sub3A_835 = vector.broadcast %sub3A_834 : vector<1x896xi32> to vector<136x896xi32>
    %sub3A_836 = arith.subi %iota3A, %sub3A_835 : vector<136x896xi32>
    %eq3A_837 = arith.constant 0 : i32
    %eq3A_838 = vector.broadcast %eq3A_837 : i32 to vector<136x896xi32>
    %eq3A_839 = arith.cmpi eq, %sub3A_836, %eq3A_838 : vector<136x896xi32>
    %slice3A_840 = vector.extract_strided_slice %add3A_158 {offsets = [17, 0], sizes = [1, 896], strides = [1, 1]} : vector<32x896xf32> to vector<1x896xf32>
    %jit3A_841 = arith.constant 0.000000e+00 : f32
    %broadcast_in_dim3A_842 = vector.shape_cast %slice3A_840 : vector<1x896xf32> to vector<1x896xf32>
    %broadcast_in_dim3A_843 = vector.broadcast %broadcast_in_dim3A_842 : vector<1x896xf32> to vector<136x896xf32>
    %broadcast_in_dim3A_844 = vector.broadcast %jit3A_841 : f32 to vector<136x896xf32>
    %select_n3A_845 = arith.select %eq3A_839, %broadcast_in_dim3A_843, %broadcast_in_dim3A_844 : vector<136x896xi1>, vector<136x896xf32>
    %eq3A_846 = arith.constant 1 : i32
    %eq3A_847 = vector.broadcast %eq3A_846 : i32 to vector<136x896xi32>
    %eq3A_848 = arith.cmpi eq, %sub3A_836, %eq3A_847 : vector<136x896xi32>
    %slice3A_849 = vector.extract_strided_slice %add3A_163 {offsets = [17, 0], sizes = [1, 896], strides = [1, 1]} : vector<32x896xf32> to vector<1x896xf32>
    %broadcast_in_dim3A_850 = vector.shape_cast %slice3A_849 : vector<1x896xf32> to vector<1x896xf32>
    %broadcast_in_dim3A_851 = vector.broadcast %broadcast_in_dim3A_850 : vector<1x896xf32> to vector<136x896xf32>
    %select_n3A_852 = arith.select %eq3A_848, %broadcast_in_dim3A_851, %select_n3A_845 : vector<136x896xi1>, vector<136x896xf32>
    %eq3A_853 = arith.constant 2 : i32
    %eq3A_854 = vector.broadcast %eq3A_853 : i32 to vector<136x896xi32>
    %eq3A_855 = arith.cmpi eq, %sub3A_836, %eq3A_854 : vector<136x896xi32>
    %slice3A_856 = vector.extract_strided_slice %add3A_168 {offsets = [17, 0], sizes = [1, 896], strides = [1, 1]} : vector<32x896xf32> to vector<1x896xf32>
    %broadcast_in_dim3A_857 = vector.shape_cast %slice3A_856 : vector<1x896xf32> to vector<1x896xf32>
    %broadcast_in_dim3A_858 = vector.broadcast %broadcast_in_dim3A_857 : vector<1x896xf32> to vector<136x896xf32>
    %select_n3A_859 = arith.select %eq3A_855, %broadcast_in_dim3A_858, %select_n3A_852 : vector<136x896xi1>, vector<136x896xf32>
    %eq3A_860 = arith.constant 3 : i32
    %eq3A_861 = vector.broadcast %eq3A_860 : i32 to vector<136x896xi32>
    %eq3A_862 = arith.cmpi eq, %sub3A_836, %eq3A_861 : vector<136x896xi32>
    %slice3A_863 = vector.extract_strided_slice %mul3A_169 {offsets = [17, 0], sizes = [1, 896], strides = [1, 1]} : vector<32x896xf32> to vector<1x896xf32>
    %broadcast_in_dim3A_864 = vector.shape_cast %slice3A_863 : vector<1x896xf32> to vector<1x896xf32>
    %broadcast_in_dim3A_865 = vector.broadcast %broadcast_in_dim3A_864 : vector<1x896xf32> to vector<136x896xf32>
    %select_n3A_866 = arith.select %eq3A_862, %broadcast_in_dim3A_865, %select_n3A_859 : vector<136x896xi1>, vector<136x896xf32>
    %swap3A_867 = arith.constant 2312 : index
    %swap3A_868 = arith.constant 0 : index
    %swap3A_869 = vector.load %arg4[%swap3A_867, %swap3A_868] : memref<4352x896xf32, #tpu.memory_space<vmem>>, vector<136x896xf32>
    tpu.vector_store %arg4[%swap3A_867, %swap3A_868], %select_n3A_866 {strides = array<i32>} : memref<4352x896xf32, #tpu.memory_space<vmem>>, vector<136x896xf32>,
    %slice3A_870 = vector.extract_strided_slice %min3A_14 {offsets = [18, 0], sizes = [1, 896], strides = [1, 1]} : vector<32x896xi32> to vector<1x896xi32>
    %sub3A_871 = arith.constant 3 : i32
    %sub3A_872 = vector.broadcast %sub3A_871 : i32 to vector<1x896xi32>
    %sub3A_873 = arith.subi %slice3A_870, %sub3A_872 : vector<1x896xi32>
    %sub3A_874 = vector.broadcast %sub3A_873 : vector<1x896xi32> to vector<136x896xi32>
    %sub3A_875 = arith.subi %iota3A, %sub3A_874 : vector<136x896xi32>
    %eq3A_876 = arith.constant 0 : i32
    %eq3A_877 = vector.broadcast %eq3A_876 : i32 to vector<136x896xi32>
    %eq3A_878 = arith.cmpi eq, %sub3A_875, %eq3A_877 : vector<136x896xi32>
    %slice3A_879 = vector.extract_strided_slice %add3A_158 {offsets = [18, 0], sizes = [1, 896], strides = [1, 1]} : vector<32x896xf32> to vector<1x896xf32>
    %jit3A_880 = arith.constant 0.000000e+00 : f32
    %broadcast_in_dim3A_881 = vector.shape_cast %slice3A_879 : vector<1x896xf32> to vector<1x896xf32>
    %broadcast_in_dim3A_882 = vector.broadcast %broadcast_in_dim3A_881 : vector<1x896xf32> to vector<136x896xf32>
    %broadcast_in_dim3A_883 = vector.broadcast %jit3A_880 : f32 to vector<136x896xf32>
    %select_n3A_884 = arith.select %eq3A_878, %broadcast_in_dim3A_882, %broadcast_in_dim3A_883 : vector<136x896xi1>, vector<136x896xf32>
    %eq3A_885 = arith.constant 1 : i32
    %eq3A_886 = vector.broadcast %eq3A_885 : i32 to vector<136x896xi32>
    %eq3A_887 = arith.cmpi eq, %sub3A_875, %eq3A_886 : vector<136x896xi32>
    %slice3A_888 = vector.extract_strided_slice %add3A_163 {offsets = [18, 0], sizes = [1, 896], strides = [1, 1]} : vector<32x896xf32> to vector<1x896xf32>
    %broadcast_in_dim3A_889 = vector.shape_cast %slice3A_888 : vector<1x896xf32> to vector<1x896xf32>
    %broadcast_in_dim3A_890 = vector.broadcast %broadcast_in_dim3A_889 : vector<1x896xf32> to vector<136x896xf32>
    %select_n3A_891 = arith.select %eq3A_887, %broadcast_in_dim3A_890, %select_n3A_884 : vector<136x896xi1>, vector<136x896xf32>
    %eq3A_892 = arith.constant 2 : i32
    %eq3A_893 = vector.broadcast %eq3A_892 : i32 to vector<136x896xi32>
    %eq3A_894 = arith.cmpi eq, %sub3A_875, %eq3A_893 : vector<136x896xi32>
    %slice3A_895 = vector.extract_strided_slice %add3A_168 {offsets = [18, 0], sizes = [1, 896], strides = [1, 1]} : vector<32x896xf32> to vector<1x896xf32>
    %broadcast_in_dim3A_896 = vector.shape_cast %slice3A_895 : vector<1x896xf32> to vector<1x896xf32>
    %broadcast_in_dim3A_897 = vector.broadcast %broadcast_in_dim3A_896 : vector<1x896xf32> to vector<136x896xf32>
    %select_n3A_898 = arith.select %eq3A_894, %broadcast_in_dim3A_897, %select_n3A_891 : vector<136x896xi1>, vector<136x896xf32>
    %eq3A_899 = arith.constant 3 : i32
    %eq3A_900 = vector.broadcast %eq3A_899 : i32 to vector<136x896xi32>
    %eq3A_901 = arith.cmpi eq, %sub3A_875, %eq3A_900 : vector<136x896xi32>
    %slice3A_902 = vector.extract_strided_slice %mul3A_169 {offsets = [18, 0], sizes = [1, 896], strides = [1, 1]} : vector<32x896xf32> to vector<1x896xf32>
    %broadcast_in_dim3A_903 = vector.shape_cast %slice3A_902 : vector<1x896xf32> to vector<1x896xf32>
    %broadcast_in_dim3A_904 = vector.broadcast %broadcast_in_dim3A_903 : vector<1x896xf32> to vector<136x896xf32>
    %select_n3A_905 = arith.select %eq3A_901, %broadcast_in_dim3A_904, %select_n3A_898 : vector<136x896xi1>, vector<136x896xf32>
    %swap3A_906 = arith.constant 2448 : index
    %swap3A_907 = arith.constant 0 : index
    %swap3A_908 = vector.load %arg4[%swap3A_906, %swap3A_907] : memref<4352x896xf32, #tpu.memory_space<vmem>>, vector<136x896xf32>
    tpu.vector_store %arg4[%swap3A_906, %swap3A_907], %select_n3A_905 {strides = array<i32>} : memref<4352x896xf32, #tpu.memory_space<vmem>>, vector<136x896xf32>,
    %slice3A_909 = vector.extract_strided_slice %min3A_14 {offsets = [19, 0], sizes = [1, 896], strides = [1, 1]} : vector<32x896xi32> to vector<1x896xi32>
    %sub3A_910 = arith.constant 3 : i32
    %sub3A_911 = vector.broadcast %sub3A_910 : i32 to vector<1x896xi32>
    %sub3A_912 = arith.subi %slice3A_909, %sub3A_911 : vector<1x896xi32>
    %sub3A_913 = vector.broadcast %sub3A_912 : vector<1x896xi32> to vector<136x896xi32>
    %sub3A_914 = arith.subi %iota3A, %sub3A_913 : vector<136x896xi32>
    %eq3A_915 = arith.constant 0 : i32
    %eq3A_916 = vector.broadcast %eq3A_915 : i32 to vector<136x896xi32>
    %eq3A_917 = arith.cmpi eq, %sub3A_914, %eq3A_916 : vector<136x896xi32>
    %slice3A_918 = vector.extract_strided_slice %add3A_158 {offsets = [19, 0], sizes = [1, 896], strides = [1, 1]} : vector<32x896xf32> to vector<1x896xf32>
    %jit3A_919 = arith.constant 0.000000e+00 : f32
    %broadcast_in_dim3A_920 = vector.shape_cast %slice3A_918 : vector<1x896xf32> to vector<1x896xf32>
    %broadcast_in_dim3A_921 = vector.broadcast %broadcast_in_dim3A_920 : vector<1x896xf32> to vector<136x896xf32>
    %broadcast_in_dim3A_922 = vector.broadcast %jit3A_919 : f32 to vector<136x896xf32>
    %select_n3A_923 = arith.select %eq3A_917, %broadcast_in_dim3A_921, %broadcast_in_dim3A_922 : vector<136x896xi1>, vector<136x896xf32>
    %eq3A_924 = arith.constant 1 : i32
    %eq3A_925 = vector.broadcast %eq3A_924 : i32 to vector<136x896xi32>
    %eq3A_926 = arith.cmpi eq, %sub3A_914, %eq3A_925 : vector<136x896xi32>
    %slice3A_927 = vector.extract_strided_slice %add3A_163 {offsets = [19, 0], sizes = [1, 896], strides = [1, 1]} : vector<32x896xf32> to vector<1x896xf32>
    %broadcast_in_dim3A_928 = vector.shape_cast %slice3A_927 : vector<1x896xf32> to vector<1x896xf32>
    %broadcast_in_dim3A_929 = vector.broadcast %broadcast_in_dim3A_928 : vector<1x896xf32> to vector<136x896xf32>
    %select_n3A_930 = arith.select %eq3A_926, %broadcast_in_dim3A_929, %select_n3A_923 : vector<136x896xi1>, vector<136x896xf32>
    %eq3A_931 = arith.constant 2 : i32
    %eq3A_932 = vector.broadcast %eq3A_931 : i32 to vector<136x896xi32>
    %eq3A_933 = arith.cmpi eq, %sub3A_914, %eq3A_932 : vector<136x896xi32>
    %slice3A_934 = vector.extract_strided_slice %add3A_168 {offsets = [19, 0], sizes = [1, 896], strides = [1, 1]} : vector<32x896xf32> to vector<1x896xf32>
    %broadcast_in_dim3A_935 = vector.shape_cast %slice3A_934 : vector<1x896xf32> to vector<1x896xf32>
    %broadcast_in_dim3A_936 = vector.broadcast %broadcast_in_dim3A_935 : vector<1x896xf32> to vector<136x896xf32>
    %select_n3A_937 = arith.select %eq3A_933, %broadcast_in_dim3A_936, %select_n3A_930 : vector<136x896xi1>, vector<136x896xf32>
    %eq3A_938 = arith.constant 3 : i32
    %eq3A_939 = vector.broadcast %eq3A_938 : i32 to vector<136x896xi32>
    %eq3A_940 = arith.cmpi eq, %sub3A_914, %eq3A_939 : vector<136x896xi32>
    %slice3A_941 = vector.extract_strided_slice %mul3A_169 {offsets = [19, 0], sizes = [1, 896], strides = [1, 1]} : vector<32x896xf32> to vector<1x896xf32>
    %broadcast_in_dim3A_942 = vector.shape_cast %slice3A_941 : vector<1x896xf32> to vector<1x896xf32>
    %broadcast_in_dim3A_943 = vector.broadcast %broadcast_in_dim3A_942 : vector<1x896xf32> to vector<136x896xf32>
    %select_n3A_944 = arith.select %eq3A_940, %broadcast_in_dim3A_943, %select_n3A_937 : vector<136x896xi1>, vector<136x896xf32>
    %swap3A_945 = arith.constant 2584 : index
    %swap3A_946 = arith.constant 0 : index
    %swap3A_947 = vector.load %arg4[%swap3A_945, %swap3A_946] : memref<4352x896xf32, #tpu.memory_space<vmem>>, vector<136x896xf32>
    tpu.vector_store %arg4[%swap3A_945, %swap3A_946], %select_n3A_944 {strides = array<i32>} : memref<4352x896xf32, #tpu.memory_space<vmem>>, vector<136x896xf32>,
    %slice3A_948 = vector.extract_strided_slice %min3A_14 {offsets = [20, 0], sizes = [1, 896], strides = [1, 1]} : vector<32x896xi32> to vector<1x896xi32>
    %sub3A_949 = arith.constant 3 : i32
    %sub3A_950 = vector.broadcast %sub3A_949 : i32 to vector<1x896xi32>
    %sub3A_951 = arith.subi %slice3A_948, %sub3A_950 : vector<1x896xi32>
    %sub3A_952 = vector.broadcast %sub3A_951 : vector<1x896xi32> to vector<136x896xi32>
    %sub3A_953 = arith.subi %iota3A, %sub3A_952 : vector<136x896xi32>
    %eq3A_954 = arith.constant 0 : i32
    %eq3A_955 = vector.broadcast %eq3A_954 : i32 to vector<136x896xi32>
    %eq3A_956 = arith.cmpi eq, %sub3A_953, %eq3A_955 : vector<136x896xi32>
    %slice3A_957 = vector.extract_strided_slice %add3A_158 {offsets = [20, 0], sizes = [1, 896], strides = [1, 1]} : vector<32x896xf32> to vector<1x896xf32>
    %jit3A_958 = arith.constant 0.000000e+00 : f32
    %broadcast_in_dim3A_959 = vector.shape_cast %slice3A_957 : vector<1x896xf32> to vector<1x896xf32>
    %broadcast_in_dim3A_960 = vector.broadcast %broadcast_in_dim3A_959 : vector<1x896xf32> to vector<136x896xf32>
    %broadcast_in_dim3A_961 = vector.broadcast %jit3A_958 : f32 to vector<136x896xf32>
    %select_n3A_962 = arith.select %eq3A_956, %broadcast_in_dim3A_960, %broadcast_in_dim3A_961 : vector<136x896xi1>, vector<136x896xf32>
    %eq3A_963 = arith.constant 1 : i32
    %eq3A_964 = vector.broadcast %eq3A_963 : i32 to vector<136x896xi32>
    %eq3A_965 = arith.cmpi eq, %sub3A_953, %eq3A_964 : vector<136x896xi32>
    %slice3A_966 = vector.extract_strided_slice %add3A_163 {offsets = [20, 0], sizes = [1, 896], strides = [1, 1]} : vector<32x896xf32> to vector<1x896xf32>
    %broadcast_in_dim3A_967 = vector.shape_cast %slice3A_966 : vector<1x896xf32> to vector<1x896xf32>
    %broadcast_in_dim3A_968 = vector.broadcast %broadcast_in_dim3A_967 : vector<1x896xf32> to vector<136x896xf32>
    %select_n3A_969 = arith.select %eq3A_965, %broadcast_in_dim3A_968, %select_n3A_962 : vector<136x896xi1>, vector<136x896xf32>
    %eq3A_970 = arith.constant 2 : i32
    %eq3A_971 = vector.broadcast %eq3A_970 : i32 to vector<136x896xi32>
    %eq3A_972 = arith.cmpi eq, %sub3A_953, %eq3A_971 : vector<136x896xi32>
    %slice3A_973 = vector.extract_strided_slice %add3A_168 {offsets = [20, 0], sizes = [1, 896], strides = [1, 1]} : vector<32x896xf32> to vector<1x896xf32>
    %broadcast_in_dim3A_974 = vector.shape_cast %slice3A_973 : vector<1x896xf32> to vector<1x896xf32>
    %broadcast_in_dim3A_975 = vector.broadcast %broadcast_in_dim3A_974 : vector<1x896xf32> to vector<136x896xf32>
    %select_n3A_976 = arith.select %eq3A_972, %broadcast_in_dim3A_975, %select_n3A_969 : vector<136x896xi1>, vector<136x896xf32>
    %eq3A_977 = arith.constant 3 : i32
    %eq3A_978 = vector.broadcast %eq3A_977 : i32 to vector<136x896xi32>
    %eq3A_979 = arith.cmpi eq, %sub3A_953, %eq3A_978 : vector<136x896xi32>
    %slice3A_980 = vector.extract_strided_slice %mul3A_169 {offsets = [20, 0], sizes = [1, 896], strides = [1, 1]} : vector<32x896xf32> to vector<1x896xf32>
    %broadcast_in_dim3A_981 = vector.shape_cast %slice3A_980 : vector<1x896xf32> to vector<1x896xf32>
    %broadcast_in_dim3A_982 = vector.broadcast %broadcast_in_dim3A_981 : vector<1x896xf32> to vector<136x896xf32>
    %select_n3A_983 = arith.select %eq3A_979, %broadcast_in_dim3A_982, %select_n3A_976 : vector<136x896xi1>, vector<136x896xf32>
    %swap3A_984 = arith.constant 2720 : index
    %swap3A_985 = arith.constant 0 : index
    %swap3A_986 = vector.load %arg4[%swap3A_984, %swap3A_985] : memref<4352x896xf32, #tpu.memory_space<vmem>>, vector<136x896xf32>
    tpu.vector_store %arg4[%swap3A_984, %swap3A_985], %select_n3A_983 {strides = array<i32>} : memref<4352x896xf32, #tpu.memory_space<vmem>>, vector<136x896xf32>,
    %slice3A_987 = vector.extract_strided_slice %min3A_14 {offsets = [21, 0], sizes = [1, 896], strides = [1, 1]} : vector<32x896xi32> to vector<1x896xi32>
    %sub3A_988 = arith.constant 3 : i32
    %sub3A_989 = vector.broadcast %sub3A_988 : i32 to vector<1x896xi32>
    %sub3A_990 = arith.subi %slice3A_987, %sub3A_989 : vector<1x896xi32>
    %sub3A_991 = vector.broadcast %sub3A_990 : vector<1x896xi32> to vector<136x896xi32>
    %sub3A_992 = arith.subi %iota3A, %sub3A_991 : vector<136x896xi32>
    %eq3A_993 = arith.constant 0 : i32
    %eq3A_994 = vector.broadcast %eq3A_993 : i32 to vector<136x896xi32>
    %eq3A_995 = arith.cmpi eq, %sub3A_992, %eq3A_994 : vector<136x896xi32>
    %slice3A_996 = vector.extract_strided_slice %add3A_158 {offsets = [21, 0], sizes = [1, 896], strides = [1, 1]} : vector<32x896xf32> to vector<1x896xf32>
    %jit3A_997 = arith.constant 0.000000e+00 : f32
    %broadcast_in_dim3A_998 = vector.shape_cast %slice3A_996 : vector<1x896xf32> to vector<1x896xf32>
    %broadcast_in_dim3A_999 = vector.broadcast %broadcast_in_dim3A_998 : vector<1x896xf32> to vector<136x896xf32>
    %broadcast_in_dim3A_1000 = vector.broadcast %jit3A_997 : f32 to vector<136x896xf32>
    %select_n3A_1001 = arith.select %eq3A_995, %broadcast_in_dim3A_999, %broadcast_in_dim3A_1000 : vector<136x896xi1>, vector<136x896xf32>
    %eq3A_1002 = arith.constant 1 : i32
    %eq3A_1003 = vector.broadcast %eq3A_1002 : i32 to vector<136x896xi32>
    %eq3A_1004 = arith.cmpi eq, %sub3A_992, %eq3A_1003 : vector<136x896xi32>
    %slice3A_1005 = vector.extract_strided_slice %add3A_163 {offsets = [21, 0], sizes = [1, 896], strides = [1, 1]} : vector<32x896xf32> to vector<1x896xf32>
    %broadcast_in_dim3A_1006 = vector.shape_cast %slice3A_1005 : vector<1x896xf32> to vector<1x896xf32>
    %broadcast_in_dim3A_1007 = vector.broadcast %broadcast_in_dim3A_1006 : vector<1x896xf32> to vector<136x896xf32>
    %select_n3A_1008 = arith.select %eq3A_1004, %broadcast_in_dim3A_1007, %select_n3A_1001 : vector<136x896xi1>, vector<136x896xf32>
    %eq3A_1009 = arith.constant 2 : i32
    %eq3A_1010 = vector.broadcast %eq3A_1009 : i32 to vector<136x896xi32>
    %eq3A_1011 = arith.cmpi eq, %sub3A_992, %eq3A_1010 : vector<136x896xi32>
    %slice3A_1012 = vector.extract_strided_slice %add3A_168 {offsets = [21, 0], sizes = [1, 896], strides = [1, 1]} : vector<32x896xf32> to vector<1x896xf32>
    %broadcast_in_dim3A_1013 = vector.shape_cast %slice3A_1012 : vector<1x896xf32> to vector<1x896xf32>
    %broadcast_in_dim3A_1014 = vector.broadcast %broadcast_in_dim3A_1013 : vector<1x896xf32> to vector<136x896xf32>
    %select_n3A_1015 = arith.select %eq3A_1011, %broadcast_in_dim3A_1014, %select_n3A_1008 : vector<136x896xi1>, vector<136x896xf32>
    %eq3A_1016 = arith.constant 3 : i32
    %eq3A_1017 = vector.broadcast %eq3A_1016 : i32 to vector<136x896xi32>
    %eq3A_1018 = arith.cmpi eq, %sub3A_992, %eq3A_1017 : vector<136x896xi32>
    %slice3A_1019 = vector.extract_strided_slice %mul3A_169 {offsets = [21, 0], sizes = [1, 896], strides = [1, 1]} : vector<32x896xf32> to vector<1x896xf32>
    %broadcast_in_dim3A_1020 = vector.shape_cast %slice3A_1019 : vector<1x896xf32> to vector<1x896xf32>
    %broadcast_in_dim3A_1021 = vector.broadcast %broadcast_in_dim3A_1020 : vector<1x896xf32> to vector<136x896xf32>
    %select_n3A_1022 = arith.select %eq3A_1018, %broadcast_in_dim3A_1021, %select_n3A_1015 : vector<136x896xi1>, vector<136x896xf32>
    %swap3A_1023 = arith.constant 2856 : index
    %swap3A_1024 = arith.constant 0 : index
    %swap3A_1025 = vector.load %arg4[%swap3A_1023, %swap3A_1024] : memref<4352x896xf32, #tpu.memory_space<vmem>>, vector<136x896xf32>
    tpu.vector_store %arg4[%swap3A_1023, %swap3A_1024], %select_n3A_1022 {strides = array<i32>} : memref<4352x896xf32, #tpu.memory_space<vmem>>, vector<136x896xf32>,
    %slice3A_1026 = vector.extract_strided_slice %min3A_14 {offsets = [22, 0], sizes = [1, 896], strides = [1, 1]} : vector<32x896xi32> to vector<1x896xi32>
    %sub3A_1027 = arith.constant 3 : i32
    %sub3A_1028 = vector.broadcast %sub3A_1027 : i32 to vector<1x896xi32>
    %sub3A_1029 = arith.subi %slice3A_1026, %sub3A_1028 : vector<1x896xi32>
    %sub3A_1030 = vector.broadcast %sub3A_1029 : vector<1x896xi32> to vector<136x896xi32>
    %sub3A_1031 = arith.subi %iota3A, %sub3A_1030 : vector<136x896xi32>
    %eq3A_1032 = arith.constant 0 : i32
    %eq3A_1033 = vector.broadcast %eq3A_1032 : i32 to vector<136x896xi32>
    %eq3A_1034 = arith.cmpi eq, %sub3A_1031, %eq3A_1033 : vector<136x896xi32>
    %slice3A_1035 = vector.extract_strided_slice %add3A_158 {offsets = [22, 0], sizes = [1, 896], strides = [1, 1]} : vector<32x896xf32> to vector<1x896xf32>
    %jit3A_1036 = arith.constant 0.000000e+00 : f32
    %broadcast_in_dim3A_1037 = vector.shape_cast %slice3A_1035 : vector<1x896xf32> to vector<1x896xf32>
    %broadcast_in_dim3A_1038 = vector.broadcast %broadcast_in_dim3A_1037 : vector<1x896xf32> to vector<136x896xf32>
    %broadcast_in_dim3A_1039 = vector.broadcast %jit3A_1036 : f32 to vector<136x896xf32>
    %select_n3A_1040 = arith.select %eq3A_1034, %broadcast_in_dim3A_1038, %broadcast_in_dim3A_1039 : vector<136x896xi1>, vector<136x896xf32>
    %eq3A_1041 = arith.constant 1 : i32
    %eq3A_1042 = vector.broadcast %eq3A_1041 : i32 to vector<136x896xi32>
    %eq3A_1043 = arith.cmpi eq, %sub3A_1031, %eq3A_1042 : vector<136x896xi32>
    %slice3A_1044 = vector.extract_strided_slice %add3A_163 {offsets = [22, 0], sizes = [1, 896], strides = [1, 1]} : vector<32x896xf32> to vector<1x896xf32>
    %broadcast_in_dim3A_1045 = vector.shape_cast %slice3A_1044 : vector<1x896xf32> to vector<1x896xf32>
    %broadcast_in_dim3A_1046 = vector.broadcast %broadcast_in_dim3A_1045 : vector<1x896xf32> to vector<136x896xf32>
    %select_n3A_1047 = arith.select %eq3A_1043, %broadcast_in_dim3A_1046, %select_n3A_1040 : vector<136x896xi1>, vector<136x896xf32>
    %eq3A_1048 = arith.constant 2 : i32
    %eq3A_1049 = vector.broadcast %eq3A_1048 : i32 to vector<136x896xi32>
    %eq3A_1050 = arith.cmpi eq, %sub3A_1031, %eq3A_1049 : vector<136x896xi32>
    %slice3A_1051 = vector.extract_strided_slice %add3A_168 {offsets = [22, 0], sizes = [1, 896], strides = [1, 1]} : vector<32x896xf32> to vector<1x896xf32>
    %broadcast_in_dim3A_1052 = vector.shape_cast %slice3A_1051 : vector<1x896xf32> to vector<1x896xf32>
    %broadcast_in_dim3A_1053 = vector.broadcast %broadcast_in_dim3A_1052 : vector<1x896xf32> to vector<136x896xf32>
    %select_n3A_1054 = arith.select %eq3A_1050, %broadcast_in_dim3A_1053, %select_n3A_1047 : vector<136x896xi1>, vector<136x896xf32>
    %eq3A_1055 = arith.constant 3 : i32
    %eq3A_1056 = vector.broadcast %eq3A_1055 : i32 to vector<136x896xi32>
    %eq3A_1057 = arith.cmpi eq, %sub3A_1031, %eq3A_1056 : vector<136x896xi32>
    %slice3A_1058 = vector.extract_strided_slice %mul3A_169 {offsets = [22, 0], sizes = [1, 896], strides = [1, 1]} : vector<32x896xf32> to vector<1x896xf32>
    %broadcast_in_dim3A_1059 = vector.shape_cast %slice3A_1058 : vector<1x896xf32> to vector<1x896xf32>
    %broadcast_in_dim3A_1060 = vector.broadcast %broadcast_in_dim3A_1059 : vector<1x896xf32> to vector<136x896xf32>
    %select_n3A_1061 = arith.select %eq3A_1057, %broadcast_in_dim3A_1060, %select_n3A_1054 : vector<136x896xi1>, vector<136x896xf32>
    %swap3A_1062 = arith.constant 2992 : index
    %swap3A_1063 = arith.constant 0 : index
    %swap3A_1064 = vector.load %arg4[%swap3A_1062, %swap3A_1063] : memref<4352x896xf32, #tpu.memory_space<vmem>>, vector<136x896xf32>
    tpu.vector_store %arg4[%swap3A_1062, %swap3A_1063], %select_n3A_1061 {strides = array<i32>} : memref<4352x896xf32, #tpu.memory_space<vmem>>, vector<136x896xf32>,
    %slice3A_1065 = vector.extract_strided_slice %min3A_14 {offsets = [23, 0], sizes = [1, 896], strides = [1, 1]} : vector<32x896xi32> to vector<1x896xi32>
    %sub3A_1066 = arith.constant 3 : i32
    %sub3A_1067 = vector.broadcast %sub3A_1066 : i32 to vector<1x896xi32>
    %sub3A_1068 = arith.subi %slice3A_1065, %sub3A_1067 : vector<1x896xi32>
    %sub3A_1069 = vector.broadcast %sub3A_1068 : vector<1x896xi32> to vector<136x896xi32>
    %sub3A_1070 = arith.subi %iota3A, %sub3A_1069 : vector<136x896xi32>
    %eq3A_1071 = arith.constant 0 : i32
    %eq3A_1072 = vector.broadcast %eq3A_1071 : i32 to vector<136x896xi32>
    %eq3A_1073 = arith.cmpi eq, %sub3A_1070, %eq3A_1072 : vector<136x896xi32>
    %slice3A_1074 = vector.extract_strided_slice %add3A_158 {offsets = [23, 0], sizes = [1, 896], strides = [1, 1]} : vector<32x896xf32> to vector<1x896xf32>
    %jit3A_1075 = arith.constant 0.000000e+00 : f32
    %broadcast_in_dim3A_1076 = vector.shape_cast %slice3A_1074 : vector<1x896xf32> to vector<1x896xf32>
    %broadcast_in_dim3A_1077 = vector.broadcast %broadcast_in_dim3A_1076 : vector<1x896xf32> to vector<136x896xf32>
    %broadcast_in_dim3A_1078 = vector.broadcast %jit3A_1075 : f32 to vector<136x896xf32>
    %select_n3A_1079 = arith.select %eq3A_1073, %broadcast_in_dim3A_1077, %broadcast_in_dim3A_1078 : vector<136x896xi1>, vector<136x896xf32>
    %eq3A_1080 = arith.constant 1 : i32
    %eq3A_1081 = vector.broadcast %eq3A_1080 : i32 to vector<136x896xi32>
    %eq3A_1082 = arith.cmpi eq, %sub3A_1070, %eq3A_1081 : vector<136x896xi32>
    %slice3A_1083 = vector.extract_strided_slice %add3A_163 {offsets = [23, 0], sizes = [1, 896], strides = [1, 1]} : vector<32x896xf32> to vector<1x896xf32>
    %broadcast_in_dim3A_1084 = vector.shape_cast %slice3A_1083 : vector<1x896xf32> to vector<1x896xf32>
    %broadcast_in_dim3A_1085 = vector.broadcast %broadcast_in_dim3A_1084 : vector<1x896xf32> to vector<136x896xf32>
    %select_n3A_1086 = arith.select %eq3A_1082, %broadcast_in_dim3A_1085, %select_n3A_1079 : vector<136x896xi1>, vector<136x896xf32>
    %eq3A_1087 = arith.constant 2 : i32
    %eq3A_1088 = vector.broadcast %eq3A_1087 : i32 to vector<136x896xi32>
    %eq3A_1089 = arith.cmpi eq, %sub3A_1070, %eq3A_1088 : vector<136x896xi32>
    %slice3A_1090 = vector.extract_strided_slice %add3A_168 {offsets = [23, 0], sizes = [1, 896], strides = [1, 1]} : vector<32x896xf32> to vector<1x896xf32>
    %broadcast_in_dim3A_1091 = vector.shape_cast %slice3A_1090 : vector<1x896xf32> to vector<1x896xf32>
    %broadcast_in_dim3A_1092 = vector.broadcast %broadcast_in_dim3A_1091 : vector<1x896xf32> to vector<136x896xf32>
    %select_n3A_1093 = arith.select %eq3A_1089, %broadcast_in_dim3A_1092, %select_n3A_1086 : vector<136x896xi1>, vector<136x896xf32>
    %eq3A_1094 = arith.constant 3 : i32
    %eq3A_1095 = vector.broadcast %eq3A_1094 : i32 to vector<136x896xi32>
    %eq3A_1096 = arith.cmpi eq, %sub3A_1070, %eq3A_1095 : vector<136x896xi32>
    %slice3A_1097 = vector.extract_strided_slice %mul3A_169 {offsets = [23, 0], sizes = [1, 896], strides = [1, 1]} : vector<32x896xf32> to vector<1x896xf32>
    %broadcast_in_dim3A_1098 = vector.shape_cast %slice3A_1097 : vector<1x896xf32> to vector<1x896xf32>
    %broadcast_in_dim3A_1099 = vector.broadcast %broadcast_in_dim3A_1098 : vector<1x896xf32> to vector<136x896xf32>
    %select_n3A_1100 = arith.select %eq3A_1096, %broadcast_in_dim3A_1099, %select_n3A_1093 : vector<136x896xi1>, vector<136x896xf32>
    %swap3A_1101 = arith.constant 3128 : index
    %swap3A_1102 = arith.constant 0 : index
    %swap3A_1103 = vector.load %arg4[%swap3A_1101, %swap3A_1102] : memref<4352x896xf32, #tpu.memory_space<vmem>>, vector<136x896xf32>
    tpu.vector_store %arg4[%swap3A_1101, %swap3A_1102], %select_n3A_1100 {strides = array<i32>} : memref<4352x896xf32, #tpu.memory_space<vmem>>, vector<136x896xf32>,
    %slice3A_1104 = vector.extract_strided_slice %min3A_14 {offsets = [24, 0], sizes = [1, 896], strides = [1, 1]} : vector<32x896xi32> to vector<1x896xi32>
    %sub3A_1105 = arith.constant 3 : i32
    %sub3A_1106 = vector.broadcast %sub3A_1105 : i32 to vector<1x896xi32>
    %sub3A_1107 = arith.subi %slice3A_1104, %sub3A_1106 : vector<1x896xi32>
    %sub3A_1108 = vector.broadcast %sub3A_1107 : vector<1x896xi32> to vector<136x896xi32>
    %sub3A_1109 = arith.subi %iota3A, %sub3A_1108 : vector<136x896xi32>
    %eq3A_1110 = arith.constant 0 : i32
    %eq3A_1111 = vector.broadcast %eq3A_1110 : i32 to vector<136x896xi32>
    %eq3A_1112 = arith.cmpi eq, %sub3A_1109, %eq3A_1111 : vector<136x896xi32>
    %slice3A_1113 = vector.extract_strided_slice %add3A_158 {offsets = [24, 0], sizes = [1, 896], strides = [1, 1]} : vector<32x896xf32> to vector<1x896xf32>
    %jit3A_1114 = arith.constant 0.000000e+00 : f32
    %broadcast_in_dim3A_1115 = vector.shape_cast %slice3A_1113 : vector<1x896xf32> to vector<1x896xf32>
    %broadcast_in_dim3A_1116 = vector.broadcast %broadcast_in_dim3A_1115 : vector<1x896xf32> to vector<136x896xf32>
    %broadcast_in_dim3A_1117 = vector.broadcast %jit3A_1114 : f32 to vector<136x896xf32>
    %select_n3A_1118 = arith.select %eq3A_1112, %broadcast_in_dim3A_1116, %broadcast_in_dim3A_1117 : vector<136x896xi1>, vector<136x896xf32>
    %eq3A_1119 = arith.constant 1 : i32
    %eq3A_1120 = vector.broadcast %eq3A_1119 : i32 to vector<136x896xi32>
    %eq3A_1121 = arith.cmpi eq, %sub3A_1109, %eq3A_1120 : vector<136x896xi32>
    %slice3A_1122 = vector.extract_strided_slice %add3A_163 {offsets = [24, 0], sizes = [1, 896], strides = [1, 1]} : vector<32x896xf32> to vector<1x896xf32>
    %broadcast_in_dim3A_1123 = vector.shape_cast %slice3A_1122 : vector<1x896xf32> to vector<1x896xf32>
    %broadcast_in_dim3A_1124 = vector.broadcast %broadcast_in_dim3A_1123 : vector<1x896xf32> to vector<136x896xf32>
    %select_n3A_1125 = arith.select %eq3A_1121, %broadcast_in_dim3A_1124, %select_n3A_1118 : vector<136x896xi1>, vector<136x896xf32>
    %eq3A_1126 = arith.constant 2 : i32
    %eq3A_1127 = vector.broadcast %eq3A_1126 : i32 to vector<136x896xi32>
    %eq3A_1128 = arith.cmpi eq, %sub3A_1109, %eq3A_1127 : vector<136x896xi32>
    %slice3A_1129 = vector.extract_strided_slice %add3A_168 {offsets = [24, 0], sizes = [1, 896], strides = [1, 1]} : vector<32x896xf32> to vector<1x896xf32>
    %broadcast_in_dim3A_1130 = vector.shape_cast %slice3A_1129 : vector<1x896xf32> to vector<1x896xf32>
    %broadcast_in_dim3A_1131 = vector.broadcast %broadcast_in_dim3A_1130 : vector<1x896xf32> to vector<136x896xf32>
    %select_n3A_1132 = arith.select %eq3A_1128, %broadcast_in_dim3A_1131, %select_n3A_1125 : vector<136x896xi1>, vector<136x896xf32>
    %eq3A_1133 = arith.constant 3 : i32
    %eq3A_1134 = vector.broadcast %eq3A_1133 : i32 to vector<136x896xi32>
    %eq3A_1135 = arith.cmpi eq, %sub3A_1109, %eq3A_1134 : vector<136x896xi32>
    %slice3A_1136 = vector.extract_strided_slice %mul3A_169 {offsets = [24, 0], sizes = [1, 896], strides = [1, 1]} : vector<32x896xf32> to vector<1x896xf32>
    %broadcast_in_dim3A_1137 = vector.shape_cast %slice3A_1136 : vector<1x896xf32> to vector<1x896xf32>
    %broadcast_in_dim3A_1138 = vector.broadcast %broadcast_in_dim3A_1137 : vector<1x896xf32> to vector<136x896xf32>
    %select_n3A_1139 = arith.select %eq3A_1135, %broadcast_in_dim3A_1138, %select_n3A_1132 : vector<136x896xi1>, vector<136x896xf32>
    %swap3A_1140 = arith.constant 3264 : index
    %swap3A_1141 = arith.constant 0 : index
    %swap3A_1142 = vector.load %arg4[%swap3A_1140, %swap3A_1141] : memref<4352x896xf32, #tpu.memory_space<vmem>>, vector<136x896xf32>
    tpu.vector_store %arg4[%swap3A_1140, %swap3A_1141], %select_n3A_1139 {strides = array<i32>} : memref<4352x896xf32, #tpu.memory_space<vmem>>, vector<136x896xf32>,
    %slice3A_1143 = vector.extract_strided_slice %min3A_14 {offsets = [25, 0], sizes = [1, 896], strides = [1, 1]} : vector<32x896xi32> to vector<1x896xi32>
    %sub3A_1144 = arith.constant 3 : i32
    %sub3A_1145 = vector.broadcast %sub3A_1144 : i32 to vector<1x896xi32>
    %sub3A_1146 = arith.subi %slice3A_1143, %sub3A_1145 : vector<1x896xi32>
    %sub3A_1147 = vector.broadcast %sub3A_1146 : vector<1x896xi32> to vector<136x896xi32>
    %sub3A_1148 = arith.subi %iota3A, %sub3A_1147 : vector<136x896xi32>
    %eq3A_1149 = arith.constant 0 : i32
    %eq3A_1150 = vector.broadcast %eq3A_1149 : i32 to vector<136x896xi32>
    %eq3A_1151 = arith.cmpi eq, %sub3A_1148, %eq3A_1150 : vector<136x896xi32>
    %slice3A_1152 = vector.extract_strided_slice %add3A_158 {offsets = [25, 0], sizes = [1, 896], strides = [1, 1]} : vector<32x896xf32> to vector<1x896xf32>
    %jit3A_1153 = arith.constant 0.000000e+00 : f32
    %broadcast_in_dim3A_1154 = vector.shape_cast %slice3A_1152 : vector<1x896xf32> to vector<1x896xf32>
    %broadcast_in_dim3A_1155 = vector.broadcast %broadcast_in_dim3A_1154 : vector<1x896xf32> to vector<136x896xf32>
    %broadcast_in_dim3A_1156 = vector.broadcast %jit3A_1153 : f32 to vector<136x896xf32>
    %select_n3A_1157 = arith.select %eq3A_1151, %broadcast_in_dim3A_1155, %broadcast_in_dim3A_1156 : vector<136x896xi1>, vector<136x896xf32>
    %eq3A_1158 = arith.constant 1 : i32
    %eq3A_1159 = vector.broadcast %eq3A_1158 : i32 to vector<136x896xi32>
    %eq3A_1160 = arith.cmpi eq, %sub3A_1148, %eq3A_1159 : vector<136x896xi32>
    %slice3A_1161 = vector.extract_strided_slice %add3A_163 {offsets = [25, 0], sizes = [1, 896], strides = [1, 1]} : vector<32x896xf32> to vector<1x896xf32>
    %broadcast_in_dim3A_1162 = vector.shape_cast %slice3A_1161 : vector<1x896xf32> to vector<1x896xf32>
    %broadcast_in_dim3A_1163 = vector.broadcast %broadcast_in_dim3A_1162 : vector<1x896xf32> to vector<136x896xf32>
    %select_n3A_1164 = arith.select %eq3A_1160, %broadcast_in_dim3A_1163, %select_n3A_1157 : vector<136x896xi1>, vector<136x896xf32>
    %eq3A_1165 = arith.constant 2 : i32
    %eq3A_1166 = vector.broadcast %eq3A_1165 : i32 to vector<136x896xi32>
    %eq3A_1167 = arith.cmpi eq, %sub3A_1148, %eq3A_1166 : vector<136x896xi32>
    %slice3A_1168 = vector.extract_strided_slice %add3A_168 {offsets = [25, 0], sizes = [1, 896], strides = [1, 1]} : vector<32x896xf32> to vector<1x896xf32>
    %broadcast_in_dim3A_1169 = vector.shape_cast %slice3A_1168 : vector<1x896xf32> to vector<1x896xf32>
    %broadcast_in_dim3A_1170 = vector.broadcast %broadcast_in_dim3A_1169 : vector<1x896xf32> to vector<136x896xf32>
    %select_n3A_1171 = arith.select %eq3A_1167, %broadcast_in_dim3A_1170, %select_n3A_1164 : vector<136x896xi1>, vector<136x896xf32>
    %eq3A_1172 = arith.constant 3 : i32
    %eq3A_1173 = vector.broadcast %eq3A_1172 : i32 to vector<136x896xi32>
    %eq3A_1174 = arith.cmpi eq, %sub3A_1148, %eq3A_1173 : vector<136x896xi32>
    %slice3A_1175 = vector.extract_strided_slice %mul3A_169 {offsets = [25, 0], sizes = [1, 896], strides = [1, 1]} : vector<32x896xf32> to vector<1x896xf32>
    %broadcast_in_dim3A_1176 = vector.shape_cast %slice3A_1175 : vector<1x896xf32> to vector<1x896xf32>
    %broadcast_in_dim3A_1177 = vector.broadcast %broadcast_in_dim3A_1176 : vector<1x896xf32> to vector<136x896xf32>
    %select_n3A_1178 = arith.select %eq3A_1174, %broadcast_in_dim3A_1177, %select_n3A_1171 : vector<136x896xi1>, vector<136x896xf32>
    %swap3A_1179 = arith.constant 3400 : index
    %swap3A_1180 = arith.constant 0 : index
    %swap3A_1181 = vector.load %arg4[%swap3A_1179, %swap3A_1180] : memref<4352x896xf32, #tpu.memory_space<vmem>>, vector<136x896xf32>
    tpu.vector_store %arg4[%swap3A_1179, %swap3A_1180], %select_n3A_1178 {strides = array<i32>} : memref<4352x896xf32, #tpu.memory_space<vmem>>, vector<136x896xf32>,
    %slice3A_1182 = vector.extract_strided_slice %min3A_14 {offsets = [26, 0], sizes = [1, 896], strides = [1, 1]} : vector<32x896xi32> to vector<1x896xi32>
    %sub3A_1183 = arith.constant 3 : i32
    %sub3A_1184 = vector.broadcast %sub3A_1183 : i32 to vector<1x896xi32>
    %sub3A_1185 = arith.subi %slice3A_1182, %sub3A_1184 : vector<1x896xi32>
    %sub3A_1186 = vector.broadcast %sub3A_1185 : vector<1x896xi32> to vector<136x896xi32>
    %sub3A_1187 = arith.subi %iota3A, %sub3A_1186 : vector<136x896xi32>
    %eq3A_1188 = arith.constant 0 : i32
    %eq3A_1189 = vector.broadcast %eq3A_1188 : i32 to vector<136x896xi32>
    %eq3A_1190 = arith.cmpi eq, %sub3A_1187, %eq3A_1189 : vector<136x896xi32>
    %slice3A_1191 = vector.extract_strided_slice %add3A_158 {offsets = [26, 0], sizes = [1, 896], strides = [1, 1]} : vector<32x896xf32> to vector<1x896xf32>
    %jit3A_1192 = arith.constant 0.000000e+00 : f32
    %broadcast_in_dim3A_1193 = vector.shape_cast %slice3A_1191 : vector<1x896xf32> to vector<1x896xf32>
    %broadcast_in_dim3A_1194 = vector.broadcast %broadcast_in_dim3A_1193 : vector<1x896xf32> to vector<136x896xf32>
    %broadcast_in_dim3A_1195 = vector.broadcast %jit3A_1192 : f32 to vector<136x896xf32>
    %select_n3A_1196 = arith.select %eq3A_1190, %broadcast_in_dim3A_1194, %broadcast_in_dim3A_1195 : vector<136x896xi1>, vector<136x896xf32>
    %eq3A_1197 = arith.constant 1 : i32
    %eq3A_1198 = vector.broadcast %eq3A_1197 : i32 to vector<136x896xi32>
    %eq3A_1199 = arith.cmpi eq, %sub3A_1187, %eq3A_1198 : vector<136x896xi32>
    %slice3A_1200 = vector.extract_strided_slice %add3A_163 {offsets = [26, 0], sizes = [1, 896], strides = [1, 1]} : vector<32x896xf32> to vector<1x896xf32>
    %broadcast_in_dim3A_1201 = vector.shape_cast %slice3A_1200 : vector<1x896xf32> to vector<1x896xf32>
    %broadcast_in_dim3A_1202 = vector.broadcast %broadcast_in_dim3A_1201 : vector<1x896xf32> to vector<136x896xf32>
    %select_n3A_1203 = arith.select %eq3A_1199, %broadcast_in_dim3A_1202, %select_n3A_1196 : vector<136x896xi1>, vector<136x896xf32>
    %eq3A_1204 = arith.constant 2 : i32
    %eq3A_1205 = vector.broadcast %eq3A_1204 : i32 to vector<136x896xi32>
    %eq3A_1206 = arith.cmpi eq, %sub3A_1187, %eq3A_1205 : vector<136x896xi32>
    %slice3A_1207 = vector.extract_strided_slice %add3A_168 {offsets = [26, 0], sizes = [1, 896], strides = [1, 1]} : vector<32x896xf32> to vector<1x896xf32>
    %broadcast_in_dim3A_1208 = vector.shape_cast %slice3A_1207 : vector<1x896xf32> to vector<1x896xf32>
    %broadcast_in_dim3A_1209 = vector.broadcast %broadcast_in_dim3A_1208 : vector<1x896xf32> to vector<136x896xf32>
    %select_n3A_1210 = arith.select %eq3A_1206, %broadcast_in_dim3A_1209, %select_n3A_1203 : vector<136x896xi1>, vector<136x896xf32>
    %eq3A_1211 = arith.constant 3 : i32
    %eq3A_1212 = vector.broadcast %eq3A_1211 : i32 to vector<136x896xi32>
    %eq3A_1213 = arith.cmpi eq, %sub3A_1187, %eq3A_1212 : vector<136x896xi32>
    %slice3A_1214 = vector.extract_strided_slice %mul3A_169 {offsets = [26, 0], sizes = [1, 896], strides = [1, 1]} : vector<32x896xf32> to vector<1x896xf32>
    %broadcast_in_dim3A_1215 = vector.shape_cast %slice3A_1214 : vector<1x896xf32> to vector<1x896xf32>
    %broadcast_in_dim3A_1216 = vector.broadcast %broadcast_in_dim3A_1215 : vector<1x896xf32> to vector<136x896xf32>
    %select_n3A_1217 = arith.select %eq3A_1213, %broadcast_in_dim3A_1216, %select_n3A_1210 : vector<136x896xi1>, vector<136x896xf32>
    %swap3A_1218 = arith.constant 3536 : index
    %swap3A_1219 = arith.constant 0 : index
    %swap3A_1220 = vector.load %arg4[%swap3A_1218, %swap3A_1219] : memref<4352x896xf32, #tpu.memory_space<vmem>>, vector<136x896xf32>
    tpu.vector_store %arg4[%swap3A_1218, %swap3A_1219], %select_n3A_1217 {strides = array<i32>} : memref<4352x896xf32, #tpu.memory_space<vmem>>, vector<136x896xf32>,
    %slice3A_1221 = vector.extract_strided_slice %min3A_14 {offsets = [27, 0], sizes = [1, 896], strides = [1, 1]} : vector<32x896xi32> to vector<1x896xi32>
    %sub3A_1222 = arith.constant 3 : i32
    %sub3A_1223 = vector.broadcast %sub3A_1222 : i32 to vector<1x896xi32>
    %sub3A_1224 = arith.subi %slice3A_1221, %sub3A_1223 : vector<1x896xi32>
    %sub3A_1225 = vector.broadcast %sub3A_1224 : vector<1x896xi32> to vector<136x896xi32>
    %sub3A_1226 = arith.subi %iota3A, %sub3A_1225 : vector<136x896xi32>
    %eq3A_1227 = arith.constant 0 : i32
    %eq3A_1228 = vector.broadcast %eq3A_1227 : i32 to vector<136x896xi32>
    %eq3A_1229 = arith.cmpi eq, %sub3A_1226, %eq3A_1228 : vector<136x896xi32>
    %slice3A_1230 = vector.extract_strided_slice %add3A_158 {offsets = [27, 0], sizes = [1, 896], strides = [1, 1]} : vector<32x896xf32> to vector<1x896xf32>
    %jit3A_1231 = arith.constant 0.000000e+00 : f32
    %broadcast_in_dim3A_1232 = vector.shape_cast %slice3A_1230 : vector<1x896xf32> to vector<1x896xf32>
    %broadcast_in_dim3A_1233 = vector.broadcast %broadcast_in_dim3A_1232 : vector<1x896xf32> to vector<136x896xf32>
    %broadcast_in_dim3A_1234 = vector.broadcast %jit3A_1231 : f32 to vector<136x896xf32>
    %select_n3A_1235 = arith.select %eq3A_1229, %broadcast_in_dim3A_1233, %broadcast_in_dim3A_1234 : vector<136x896xi1>, vector<136x896xf32>
    %eq3A_1236 = arith.constant 1 : i32
    %eq3A_1237 = vector.broadcast %eq3A_1236 : i32 to vector<136x896xi32>
    %eq3A_1238 = arith.cmpi eq, %sub3A_1226, %eq3A_1237 : vector<136x896xi32>
    %slice3A_1239 = vector.extract_strided_slice %add3A_163 {offsets = [27, 0], sizes = [1, 896], strides = [1, 1]} : vector<32x896xf32> to vector<1x896xf32>
    %broadcast_in_dim3A_1240 = vector.shape_cast %slice3A_1239 : vector<1x896xf32> to vector<1x896xf32>
    %broadcast_in_dim3A_1241 = vector.broadcast %broadcast_in_dim3A_1240 : vector<1x896xf32> to vector<136x896xf32>
    %select_n3A_1242 = arith.select %eq3A_1238, %broadcast_in_dim3A_1241, %select_n3A_1235 : vector<136x896xi1>, vector<136x896xf32>
    %eq3A_1243 = arith.constant 2 : i32
    %eq3A_1244 = vector.broadcast %eq3A_1243 : i32 to vector<136x896xi32>
    %eq3A_1245 = arith.cmpi eq, %sub3A_1226, %eq3A_1244 : vector<136x896xi32>
    %slice3A_1246 = vector.extract_strided_slice %add3A_168 {offsets = [27, 0], sizes = [1, 896], strides = [1, 1]} : vector<32x896xf32> to vector<1x896xf32>
    %broadcast_in_dim3A_1247 = vector.shape_cast %slice3A_1246 : vector<1x896xf32> to vector<1x896xf32>
    %broadcast_in_dim3A_1248 = vector.broadcast %broadcast_in_dim3A_1247 : vector<1x896xf32> to vector<136x896xf32>
    %select_n3A_1249 = arith.select %eq3A_1245, %broadcast_in_dim3A_1248, %select_n3A_1242 : vector<136x896xi1>, vector<136x896xf32>
    %eq3A_1250 = arith.constant 3 : i32
    %eq3A_1251 = vector.broadcast %eq3A_1250 : i32 to vector<136x896xi32>
    %eq3A_1252 = arith.cmpi eq, %sub3A_1226, %eq3A_1251 : vector<136x896xi32>
    %slice3A_1253 = vector.extract_strided_slice %mul3A_169 {offsets = [27, 0], sizes = [1, 896], strides = [1, 1]} : vector<32x896xf32> to vector<1x896xf32>
    %broadcast_in_dim3A_1254 = vector.shape_cast %slice3A_1253 : vector<1x896xf32> to vector<1x896xf32>
    %broadcast_in_dim3A_1255 = vector.broadcast %broadcast_in_dim3A_1254 : vector<1x896xf32> to vector<136x896xf32>
    %select_n3A_1256 = arith.select %eq3A_1252, %broadcast_in_dim3A_1255, %select_n3A_1249 : vector<136x896xi1>, vector<136x896xf32>
    %swap3A_1257 = arith.constant 3672 : index
    %swap3A_1258 = arith.constant 0 : index
    %swap3A_1259 = vector.load %arg4[%swap3A_1257, %swap3A_1258] : memref<4352x896xf32, #tpu.memory_space<vmem>>, vector<136x896xf32>
    tpu.vector_store %arg4[%swap3A_1257, %swap3A_1258], %select_n3A_1256 {strides = array<i32>} : memref<4352x896xf32, #tpu.memory_space<vmem>>, vector<136x896xf32>,
    %slice3A_1260 = vector.extract_strided_slice %min3A_14 {offsets = [28, 0], sizes = [1, 896], strides = [1, 1]} : vector<32x896xi32> to vector<1x896xi32>
    %sub3A_1261 = arith.constant 3 : i32
    %sub3A_1262 = vector.broadcast %sub3A_1261 : i32 to vector<1x896xi32>
    %sub3A_1263 = arith.subi %slice3A_1260, %sub3A_1262 : vector<1x896xi32>
    %sub3A_1264 = vector.broadcast %sub3A_1263 : vector<1x896xi32> to vector<136x896xi32>
    %sub3A_1265 = arith.subi %iota3A, %sub3A_1264 : vector<136x896xi32>
    %eq3A_1266 = arith.constant 0 : i32
    %eq3A_1267 = vector.broadcast %eq3A_1266 : i32 to vector<136x896xi32>
    %eq3A_1268 = arith.cmpi eq, %sub3A_1265, %eq3A_1267 : vector<136x896xi32>
    %slice3A_1269 = vector.extract_strided_slice %add3A_158 {offsets = [28, 0], sizes = [1, 896], strides = [1, 1]} : vector<32x896xf32> to vector<1x896xf32>
    %jit3A_1270 = arith.constant 0.000000e+00 : f32
    %broadcast_in_dim3A_1271 = vector.shape_cast %slice3A_1269 : vector<1x896xf32> to vector<1x896xf32>
    %broadcast_in_dim3A_1272 = vector.broadcast %broadcast_in_dim3A_1271 : vector<1x896xf32> to vector<136x896xf32>
    %broadcast_in_dim3A_1273 = vector.broadcast %jit3A_1270 : f32 to vector<136x896xf32>
    %select_n3A_1274 = arith.select %eq3A_1268, %broadcast_in_dim3A_1272, %broadcast_in_dim3A_1273 : vector<136x896xi1>, vector<136x896xf32>
    %eq3A_1275 = arith.constant 1 : i32
    %eq3A_1276 = vector.broadcast %eq3A_1275 : i32 to vector<136x896xi32>
    %eq3A_1277 = arith.cmpi eq, %sub3A_1265, %eq3A_1276 : vector<136x896xi32>
    %slice3A_1278 = vector.extract_strided_slice %add3A_163 {offsets = [28, 0], sizes = [1, 896], strides = [1, 1]} : vector<32x896xf32> to vector<1x896xf32>
    %broadcast_in_dim3A_1279 = vector.shape_cast %slice3A_1278 : vector<1x896xf32> to vector<1x896xf32>
    %broadcast_in_dim3A_1280 = vector.broadcast %broadcast_in_dim3A_1279 : vector<1x896xf32> to vector<136x896xf32>
    %select_n3A_1281 = arith.select %eq3A_1277, %broadcast_in_dim3A_1280, %select_n3A_1274 : vector<136x896xi1>, vector<136x896xf32>
    %eq3A_1282 = arith.constant 2 : i32
    %eq3A_1283 = vector.broadcast %eq3A_1282 : i32 to vector<136x896xi32>
    %eq3A_1284 = arith.cmpi eq, %sub3A_1265, %eq3A_1283 : vector<136x896xi32>
    %slice3A_1285 = vector.extract_strided_slice %add3A_168 {offsets = [28, 0], sizes = [1, 896], strides = [1, 1]} : vector<32x896xf32> to vector<1x896xf32>
    %broadcast_in_dim3A_1286 = vector.shape_cast %slice3A_1285 : vector<1x896xf32> to vector<1x896xf32>
    %broadcast_in_dim3A_1287 = vector.broadcast %broadcast_in_dim3A_1286 : vector<1x896xf32> to vector<136x896xf32>
    %select_n3A_1288 = arith.select %eq3A_1284, %broadcast_in_dim3A_1287, %select_n3A_1281 : vector<136x896xi1>, vector<136x896xf32>
    %eq3A_1289 = arith.constant 3 : i32
    %eq3A_1290 = vector.broadcast %eq3A_1289 : i32 to vector<136x896xi32>
    %eq3A_1291 = arith.cmpi eq, %sub3A_1265, %eq3A_1290 : vector<136x896xi32>
    %slice3A_1292 = vector.extract_strided_slice %mul3A_169 {offsets = [28, 0], sizes = [1, 896], strides = [1, 1]} : vector<32x896xf32> to vector<1x896xf32>
    %broadcast_in_dim3A_1293 = vector.shape_cast %slice3A_1292 : vector<1x896xf32> to vector<1x896xf32>
    %broadcast_in_dim3A_1294 = vector.broadcast %broadcast_in_dim3A_1293 : vector<1x896xf32> to vector<136x896xf32>
    %select_n3A_1295 = arith.select %eq3A_1291, %broadcast_in_dim3A_1294, %select_n3A_1288 : vector<136x896xi1>, vector<136x896xf32>
    %swap3A_1296 = arith.constant 3808 : index
    %swap3A_1297 = arith.constant 0 : index
    %swap3A_1298 = vector.load %arg4[%swap3A_1296, %swap3A_1297] : memref<4352x896xf32, #tpu.memory_space<vmem>>, vector<136x896xf32>
    tpu.vector_store %arg4[%swap3A_1296, %swap3A_1297], %select_n3A_1295 {strides = array<i32>} : memref<4352x896xf32, #tpu.memory_space<vmem>>, vector<136x896xf32>,
    %slice3A_1299 = vector.extract_strided_slice %min3A_14 {offsets = [29, 0], sizes = [1, 896], strides = [1, 1]} : vector<32x896xi32> to vector<1x896xi32>
    %sub3A_1300 = arith.constant 3 : i32
    %sub3A_1301 = vector.broadcast %sub3A_1300 : i32 to vector<1x896xi32>
    %sub3A_1302 = arith.subi %slice3A_1299, %sub3A_1301 : vector<1x896xi32>
    %sub3A_1303 = vector.broadcast %sub3A_1302 : vector<1x896xi32> to vector<136x896xi32>
    %sub3A_1304 = arith.subi %iota3A, %sub3A_1303 : vector<136x896xi32>
    %eq3A_1305 = arith.constant 0 : i32
    %eq3A_1306 = vector.broadcast %eq3A_1305 : i32 to vector<136x896xi32>
    %eq3A_1307 = arith.cmpi eq, %sub3A_1304, %eq3A_1306 : vector<136x896xi32>
    %slice3A_1308 = vector.extract_strided_slice %add3A_158 {offsets = [29, 0], sizes = [1, 896], strides = [1, 1]} : vector<32x896xf32> to vector<1x896xf32>
    %jit3A_1309 = arith.constant 0.000000e+00 : f32
    %broadcast_in_dim3A_1310 = vector.shape_cast %slice3A_1308 : vector<1x896xf32> to vector<1x896xf32>
    %broadcast_in_dim3A_1311 = vector.broadcast %broadcast_in_dim3A_1310 : vector<1x896xf32> to vector<136x896xf32>
    %broadcast_in_dim3A_1312 = vector.broadcast %jit3A_1309 : f32 to vector<136x896xf32>
    %select_n3A_1313 = arith.select %eq3A_1307, %broadcast_in_dim3A_1311, %broadcast_in_dim3A_1312 : vector<136x896xi1>, vector<136x896xf32>
    %eq3A_1314 = arith.constant 1 : i32
    %eq3A_1315 = vector.broadcast %eq3A_1314 : i32 to vector<136x896xi32>
    %eq3A_1316 = arith.cmpi eq, %sub3A_1304, %eq3A_1315 : vector<136x896xi32>
    %slice3A_1317 = vector.extract_strided_slice %add3A_163 {offsets = [29, 0], sizes = [1, 896], strides = [1, 1]} : vector<32x896xf32> to vector<1x896xf32>
    %broadcast_in_dim3A_1318 = vector.shape_cast %slice3A_1317 : vector<1x896xf32> to vector<1x896xf32>
    %broadcast_in_dim3A_1319 = vector.broadcast %broadcast_in_dim3A_1318 : vector<1x896xf32> to vector<136x896xf32>
    %select_n3A_1320 = arith.select %eq3A_1316, %broadcast_in_dim3A_1319, %select_n3A_1313 : vector<136x896xi1>, vector<136x896xf32>
    %eq3A_1321 = arith.constant 2 : i32
    %eq3A_1322 = vector.broadcast %eq3A_1321 : i32 to vector<136x896xi32>
    %eq3A_1323 = arith.cmpi eq, %sub3A_1304, %eq3A_1322 : vector<136x896xi32>
    %slice3A_1324 = vector.extract_strided_slice %add3A_168 {offsets = [29, 0], sizes = [1, 896], strides = [1, 1]} : vector<32x896xf32> to vector<1x896xf32>
    %broadcast_in_dim3A_1325 = vector.shape_cast %slice3A_1324 : vector<1x896xf32> to vector<1x896xf32>
    %broadcast_in_dim3A_1326 = vector.broadcast %broadcast_in_dim3A_1325 : vector<1x896xf32> to vector<136x896xf32>
    %select_n3A_1327 = arith.select %eq3A_1323, %broadcast_in_dim3A_1326, %select_n3A_1320 : vector<136x896xi1>, vector<136x896xf32>
    %eq3A_1328 = arith.constant 3 : i32
    %eq3A_1329 = vector.broadcast %eq3A_1328 : i32 to vector<136x896xi32>
    %eq3A_1330 = arith.cmpi eq, %sub3A_1304, %eq3A_1329 : vector<136x896xi32>
    %slice3A_1331 = vector.extract_strided_slice %mul3A_169 {offsets = [29, 0], sizes = [1, 896], strides = [1, 1]} : vector<32x896xf32> to vector<1x896xf32>
    %broadcast_in_dim3A_1332 = vector.shape_cast %slice3A_1331 : vector<1x896xf32> to vector<1x896xf32>
    %broadcast_in_dim3A_1333 = vector.broadcast %broadcast_in_dim3A_1332 : vector<1x896xf32> to vector<136x896xf32>
    %select_n3A_1334 = arith.select %eq3A_1330, %broadcast_in_dim3A_1333, %select_n3A_1327 : vector<136x896xi1>, vector<136x896xf32>
    %swap3A_1335 = arith.constant 3944 : index
    %swap3A_1336 = arith.constant 0 : index
    %swap3A_1337 = vector.load %arg4[%swap3A_1335, %swap3A_1336] : memref<4352x896xf32, #tpu.memory_space<vmem>>, vector<136x896xf32>
    tpu.vector_store %arg4[%swap3A_1335, %swap3A_1336], %select_n3A_1334 {strides = array<i32>} : memref<4352x896xf32, #tpu.memory_space<vmem>>, vector<136x896xf32>,
    %slice3A_1338 = vector.extract_strided_slice %min3A_14 {offsets = [30, 0], sizes = [1, 896], strides = [1, 1]} : vector<32x896xi32> to vector<1x896xi32>
    %sub3A_1339 = arith.constant 3 : i32
    %sub3A_1340 = vector.broadcast %sub3A_1339 : i32 to vector<1x896xi32>
    %sub3A_1341 = arith.subi %slice3A_1338, %sub3A_1340 : vector<1x896xi32>
    %sub3A_1342 = vector.broadcast %sub3A_1341 : vector<1x896xi32> to vector<136x896xi32>
    %sub3A_1343 = arith.subi %iota3A, %sub3A_1342 : vector<136x896xi32>
    %eq3A_1344 = arith.constant 0 : i32
    %eq3A_1345 = vector.broadcast %eq3A_1344 : i32 to vector<136x896xi32>
    %eq3A_1346 = arith.cmpi eq, %sub3A_1343, %eq3A_1345 : vector<136x896xi32>
    %slice3A_1347 = vector.extract_strided_slice %add3A_158 {offsets = [30, 0], sizes = [1, 896], strides = [1, 1]} : vector<32x896xf32> to vector<1x896xf32>
    %jit3A_1348 = arith.constant 0.000000e+00 : f32
    %broadcast_in_dim3A_1349 = vector.shape_cast %slice3A_1347 : vector<1x896xf32> to vector<1x896xf32>
    %broadcast_in_dim3A_1350 = vector.broadcast %broadcast_in_dim3A_1349 : vector<1x896xf32> to vector<136x896xf32>
    %broadcast_in_dim3A_1351 = vector.broadcast %jit3A_1348 : f32 to vector<136x896xf32>
    %select_n3A_1352 = arith.select %eq3A_1346, %broadcast_in_dim3A_1350, %broadcast_in_dim3A_1351 : vector<136x896xi1>, vector<136x896xf32>
    %eq3A_1353 = arith.constant 1 : i32
    %eq3A_1354 = vector.broadcast %eq3A_1353 : i32 to vector<136x896xi32>
    %eq3A_1355 = arith.cmpi eq, %sub3A_1343, %eq3A_1354 : vector<136x896xi32>
    %slice3A_1356 = vector.extract_strided_slice %add3A_163 {offsets = [30, 0], sizes = [1, 896], strides = [1, 1]} : vector<32x896xf32> to vector<1x896xf32>
    %broadcast_in_dim3A_1357 = vector.shape_cast %slice3A_1356 : vector<1x896xf32> to vector<1x896xf32>
    %broadcast_in_dim3A_1358 = vector.broadcast %broadcast_in_dim3A_1357 : vector<1x896xf32> to vector<136x896xf32>
    %select_n3A_1359 = arith.select %eq3A_1355, %broadcast_in_dim3A_1358, %select_n3A_1352 : vector<136x896xi1>, vector<136x896xf32>
    %eq3A_1360 = arith.constant 2 : i32
    %eq3A_1361 = vector.broadcast %eq3A_1360 : i32 to vector<136x896xi32>
    %eq3A_1362 = arith.cmpi eq, %sub3A_1343, %eq3A_1361 : vector<136x896xi32>
    %slice3A_1363 = vector.extract_strided_slice %add3A_168 {offsets = [30, 0], sizes = [1, 896], strides = [1, 1]} : vector<32x896xf32> to vector<1x896xf32>
    %broadcast_in_dim3A_1364 = vector.shape_cast %slice3A_1363 : vector<1x896xf32> to vector<1x896xf32>
    %broadcast_in_dim3A_1365 = vector.broadcast %broadcast_in_dim3A_1364 : vector<1x896xf32> to vector<136x896xf32>
    %select_n3A_1366 = arith.select %eq3A_1362, %broadcast_in_dim3A_1365, %select_n3A_1359 : vector<136x896xi1>, vector<136x896xf32>
    %eq3A_1367 = arith.constant 3 : i32
    %eq3A_1368 = vector.broadcast %eq3A_1367 : i32 to vector<136x896xi32>
    %eq3A_1369 = arith.cmpi eq, %sub3A_1343, %eq3A_1368 : vector<136x896xi32>
    %slice3A_1370 = vector.extract_strided_slice %mul3A_169 {offsets = [30, 0], sizes = [1, 896], strides = [1, 1]} : vector<32x896xf32> to vector<1x896xf32>
    %broadcast_in_dim3A_1371 = vector.shape_cast %slice3A_1370 : vector<1x896xf32> to vector<1x896xf32>
    %broadcast_in_dim3A_1372 = vector.broadcast %broadcast_in_dim3A_1371 : vector<1x896xf32> to vector<136x896xf32>
    %select_n3A_1373 = arith.select %eq3A_1369, %broadcast_in_dim3A_1372, %select_n3A_1366 : vector<136x896xi1>, vector<136x896xf32>
    %swap3A_1374 = arith.constant 4080 : index
    %swap3A_1375 = arith.constant 0 : index
    %swap3A_1376 = vector.load %arg4[%swap3A_1374, %swap3A_1375] : memref<4352x896xf32, #tpu.memory_space<vmem>>, vector<136x896xf32>
    tpu.vector_store %arg4[%swap3A_1374, %swap3A_1375], %select_n3A_1373 {strides = array<i32>} : memref<4352x896xf32, #tpu.memory_space<vmem>>, vector<136x896xf32>,
    %slice3A_1377 = vector.extract_strided_slice %min3A_14 {offsets = [31, 0], sizes = [1, 896], strides = [1, 1]} : vector<32x896xi32> to vector<1x896xi32>
    %sub3A_1378 = arith.constant 3 : i32
    %sub3A_1379 = vector.broadcast %sub3A_1378 : i32 to vector<1x896xi32>
    %sub3A_1380 = arith.subi %slice3A_1377, %sub3A_1379 : vector<1x896xi32>
    %sub3A_1381 = vector.broadcast %sub3A_1380 : vector<1x896xi32> to vector<136x896xi32>
    %sub3A_1382 = arith.subi %iota3A, %sub3A_1381 : vector<136x896xi32>
    %eq3A_1383 = arith.constant 0 : i32
    %eq3A_1384 = vector.broadcast %eq3A_1383 : i32 to vector<136x896xi32>
    %eq3A_1385 = arith.cmpi eq, %sub3A_1382, %eq3A_1384 : vector<136x896xi32>
    %slice3A_1386 = vector.extract_strided_slice %add3A_158 {offsets = [31, 0], sizes = [1, 896], strides = [1, 1]} : vector<32x896xf32> to vector<1x896xf32>
    %jit3A_1387 = arith.constant 0.000000e+00 : f32
    %broadcast_in_dim3A_1388 = vector.shape_cast %slice3A_1386 : vector<1x896xf32> to vector<1x896xf32>
    %broadcast_in_dim3A_1389 = vector.broadcast %broadcast_in_dim3A_1388 : vector<1x896xf32> to vector<136x896xf32>
    %broadcast_in_dim3A_1390 = vector.broadcast %jit3A_1387 : f32 to vector<136x896xf32>
    %select_n3A_1391 = arith.select %eq3A_1385, %broadcast_in_dim3A_1389, %broadcast_in_dim3A_1390 : vector<136x896xi1>, vector<136x896xf32>
    %eq3A_1392 = arith.constant 1 : i32
    %eq3A_1393 = vector.broadcast %eq3A_1392 : i32 to vector<136x896xi32>
    %eq3A_1394 = arith.cmpi eq, %sub3A_1382, %eq3A_1393 : vector<136x896xi32>
    %slice3A_1395 = vector.extract_strided_slice %add3A_163 {offsets = [31, 0], sizes = [1, 896], strides = [1, 1]} : vector<32x896xf32> to vector<1x896xf32>
    %broadcast_in_dim3A_1396 = vector.shape_cast %slice3A_1395 : vector<1x896xf32> to vector<1x896xf32>
    %broadcast_in_dim3A_1397 = vector.broadcast %broadcast_in_dim3A_1396 : vector<1x896xf32> to vector<136x896xf32>
    %select_n3A_1398 = arith.select %eq3A_1394, %broadcast_in_dim3A_1397, %select_n3A_1391 : vector<136x896xi1>, vector<136x896xf32>
    %eq3A_1399 = arith.constant 2 : i32
    %eq3A_1400 = vector.broadcast %eq3A_1399 : i32 to vector<136x896xi32>
    %eq3A_1401 = arith.cmpi eq, %sub3A_1382, %eq3A_1400 : vector<136x896xi32>
    %slice3A_1402 = vector.extract_strided_slice %add3A_168 {offsets = [31, 0], sizes = [1, 896], strides = [1, 1]} : vector<32x896xf32> to vector<1x896xf32>
    %broadcast_in_dim3A_1403 = vector.shape_cast %slice3A_1402 : vector<1x896xf32> to vector<1x896xf32>
    %broadcast_in_dim3A_1404 = vector.broadcast %broadcast_in_dim3A_1403 : vector<1x896xf32> to vector<136x896xf32>
    %select_n3A_1405 = arith.select %eq3A_1401, %broadcast_in_dim3A_1404, %select_n3A_1398 : vector<136x896xi1>, vector<136x896xf32>
    %eq3A_1406 = arith.constant 3 : i32
    %eq3A_1407 = vector.broadcast %eq3A_1406 : i32 to vector<136x896xi32>
    %eq3A_1408 = arith.cmpi eq, %sub3A_1382, %eq3A_1407 : vector<136x896xi32>
    %slice3A_1409 = vector.extract_strided_slice %mul3A_169 {offsets = [31, 0], sizes = [1, 896], strides = [1, 1]} : vector<32x896xf32> to vector<1x896xf32>
    %broadcast_in_dim3A_1410 = vector.shape_cast %slice3A_1409 : vector<1x896xf32> to vector<1x896xf32>
    %broadcast_in_dim3A_1411 = vector.broadcast %broadcast_in_dim3A_1410 : vector<1x896xf32> to vector<136x896xf32>
    %select_n3A_1412 = arith.select %eq3A_1408, %broadcast_in_dim3A_1411, %select_n3A_1405 : vector<136x896xi1>, vector<136x896xf32>
    %swap3A_1413 = arith.constant 4216 : index
    %swap3A_1414 = arith.constant 0 : index
    %swap3A_1415 = vector.load %arg4[%swap3A_1413, %swap3A_1414] : memref<4352x896xf32, #tpu.memory_space<vmem>>, vector<136x896xf32>
    tpu.vector_store %arg4[%swap3A_1413, %swap3A_1414], %select_n3A_1412 {strides = array<i32>} : memref<4352x896xf32, #tpu.memory_space<vmem>>, vector<136x896xf32>,
    %get3A_1416 = arith.constant 0 : index
    %get3A_1417 = arith.constant 0 : index
    %get3A_1418 = vector.load %arg3[%get3A_1416, %get3A_1417] : memref<128x896xf32, #tpu.memory_space<vmem>>, vector<128x896xf32>
    %get3A_1419 = arith.constant 0 : index
    %get3A_1420 = arith.constant 0 : index
    %get3A_1421 = vector.load %arg2[%get3A_1419, %get3A_1420] : memref<4352x128xf32, #tpu.memory_space<vmem>>, vector<4352x128xf32>
    %get3A_1422 = arith.constant 0 : index
    %get3A_1423 = arith.constant 0 : index
    %get3A_1424 = vector.load %arg4[%get3A_1422, %get3A_1423] : memref<4352x896xf32, #tpu.memory_space<vmem>>, vector<4352x896xf32>
    %dot_general3A = arith.constant dense<0.000000e+00> : vector<128x896xf32>
    %dot_general3A_1425 = tpu.matmul %get3A_1421, %get3A_1424, %dot_general3A {dimension_numbers = #tpu.dot_dimension_numbers<[0], [0], [1], [1], [0, 1, 1, 1], [], []>, transpose_lhs_hint = false} : vector<4352x128xf32>, vector<4352x896xf32>, vector<128x896xf32> -> vector<128x896xf32>
    %add3A_1426 = arith.addf %get3A_1418, %dot_general3A_1425 : vector<128x896xf32>
    %swap3A_1427 = arith.constant 0 : index
    %swap3A_1428 = arith.constant 0 : index
    %swap3A_1429 = vector.load %arg3[%swap3A_1427, %swap3A_1428] : memref<128x896xf32, #tpu.memory_space<vmem>>, vector<128x896xf32>
    tpu.vector_store %arg3[%swap3A_1427, %swap3A_1428], %add3A_1426 {strides = array<i32>} : memref<128x896xf32, #tpu.memory_space<vmem>>, vector<128x896xf32>,
    return
  }
  func.func @transform_0(%arg0: i32) -> (i32, i32) {
    %c0_i32 = arith.constant 0 : i32
    %c0_i32_0 = arith.constant 0 : i32
    return %arg0, %c0_i32 : i32, i32
  }
  func.func @transform_1(%arg0: i32) -> (i32, i32) {
    %c0_i32 = arith.constant 0 : i32
    %c0_i32_0 = arith.constant 0 : i32
    return %arg0, %c0_i32 : i32, i32
  }
  func.func @transform_2(%arg0: i32) -> (i32, i32) {
    %c0_i32 = arith.constant 0 : i32
    %c0_i32_0 = arith.constant 0 : i32
    %c0_i32_1 = arith.constant 0 : i32
    return %c0_i32, %c0_i32_0 : i32, i32
  }
}

module attributes {stable_mosaic.version = 14 : i64} {
  func.func @_final_body(%arg0: memref<1024x128xf32, #tpu.memory_space<vmem>>, %arg1: memref<128x128xf32, #tpu.memory_space<vmem>>, %arg2: memref<32x128x128xf32, #tpu.memory_space<vmem>>, %arg3: memref<896x128xf32, #tpu.memory_space<vmem>>, %arg4: memref<1024x128xf32, #tpu.memory_space<vmem>>) attributes {dimension_semantics = [], scalar_prefetch = 0 : i64, scratch_operands = 0 : i64, tpu.core_type = #tpu.core_type<tc>} {
    %get3A = arith.constant 0 : index
    %get3A_0 = arith.constant 0 : index
    %get3A_1 = vector.load %arg0[%get3A, %get3A_0] : memref<1024x128xf32, #tpu.memory_space<vmem>>, vector<1024x128xf32>
    %neg3A = arith.constant 0.000000e+00 : f32
    %neg3A_2 = vector.broadcast %neg3A : f32 to vector<1024x128xf32>
    %neg3A_3 = arith.subf %neg3A_2, %get3A_1 : vector<1024x128xf32>
    %exp3A = math.exp %neg3A_3 : vector<1024x128xf32>
    %add3A = arith.constant 1.000000e+00 : f32
    %add3A_4 = vector.broadcast %add3A : f32 to vector<1024x128xf32>
    %add3A_5 = arith.addf %add3A_4, %exp3A : vector<1024x128xf32>
    %div3A = arith.constant 1.000000e+00 : f32
    %div3A_6 = vector.broadcast %div3A : f32 to vector<1024x128xf32>
    %div3A_7 = arith.divf %div3A_6, %add3A_5 : vector<1024x128xf32>
    %mul3A = arith.mulf %get3A_1, %div3A_7 : vector<1024x128xf32>
    %get3A_8 = arith.constant 0 : index
    %get3A_9 = arith.constant 0 : index
    %get3A_10 = vector.load %arg1[%get3A_8, %get3A_9] : memref<128x128xf32, #tpu.memory_space<vmem>>, vector<128x128xf32>
    %dot_general3A = arith.constant dense<0.000000e+00> : vector<1024x128xf32>
    %dot_general3A_11 = tpu.matmul %mul3A, %get3A_10, %dot_general3A {dimension_numbers = #tpu.dot_dimension_numbers<[1], [0], [0], [1], [0, 0, 1, 1], [], []>, precision = #tpu.contract_precision<fp32>, transpose_lhs_hint = false} : vector<1024x128xf32>, vector<128x128xf32>, vector<1024x128xf32> -> vector<1024x128xf32>
    %get3A_12 = arith.constant 0 : index
    %get3A_13 = arith.constant 0 : index
    %get3A_14 = arith.constant 0 : index
    %get3A_15 = vector.load %arg2[%get3A_12, %get3A_13, %get3A_14] : memref<32x128x128xf32, #tpu.memory_space<vmem>>, vector<1x128x128xf32>
    %get3A_16 = vector.shape_cast %get3A_15 : vector<1x128x128xf32> to vector<128x128xf32>
    %get3A_17 = arith.constant 1 : index
    %get3A_18 = arith.constant 0 : index
    %get3A_19 = arith.constant 0 : index
    %get3A_20 = vector.load %arg2[%get3A_17, %get3A_18, %get3A_19] : memref<32x128x128xf32, #tpu.memory_space<vmem>>, vector<1x128x128xf32>
    %get3A_21 = vector.shape_cast %get3A_20 : vector<1x128x128xf32> to vector<128x128xf32>
    %add3A_22 = arith.addf %get3A_16, %get3A_21 : vector<128x128xf32>
    %get3A_23 = arith.constant 2 : index
    %get3A_24 = arith.constant 0 : index
    %get3A_25 = arith.constant 0 : index
    %get3A_26 = vector.load %arg2[%get3A_23, %get3A_24, %get3A_25] : memref<32x128x128xf32, #tpu.memory_space<vmem>>, vector<1x128x128xf32>
    %get3A_27 = vector.shape_cast %get3A_26 : vector<1x128x128xf32> to vector<128x128xf32>
    %add3A_28 = arith.addf %add3A_22, %get3A_27 : vector<128x128xf32>
    %get3A_29 = arith.constant 3 : index
    %get3A_30 = arith.constant 0 : index
    %get3A_31 = arith.constant 0 : index
    %get3A_32 = vector.load %arg2[%get3A_29, %get3A_30, %get3A_31] : memref<32x128x128xf32, #tpu.memory_space<vmem>>, vector<1x128x128xf32>
    %get3A_33 = vector.shape_cast %get3A_32 : vector<1x128x128xf32> to vector<128x128xf32>
    %add3A_34 = arith.addf %add3A_28, %get3A_33 : vector<128x128xf32>
    %get3A_35 = arith.constant 4 : index
    %get3A_36 = arith.constant 0 : index
    %get3A_37 = arith.constant 0 : index
    %get3A_38 = vector.load %arg2[%get3A_35, %get3A_36, %get3A_37] : memref<32x128x128xf32, #tpu.memory_space<vmem>>, vector<1x128x128xf32>
    %get3A_39 = vector.shape_cast %get3A_38 : vector<1x128x128xf32> to vector<128x128xf32>
    %add3A_40 = arith.addf %add3A_34, %get3A_39 : vector<128x128xf32>
    %get3A_41 = arith.constant 5 : index
    %get3A_42 = arith.constant 0 : index
    %get3A_43 = arith.constant 0 : index
    %get3A_44 = vector.load %arg2[%get3A_41, %get3A_42, %get3A_43] : memref<32x128x128xf32, #tpu.memory_space<vmem>>, vector<1x128x128xf32>
    %get3A_45 = vector.shape_cast %get3A_44 : vector<1x128x128xf32> to vector<128x128xf32>
    %add3A_46 = arith.addf %add3A_40, %get3A_45 : vector<128x128xf32>
    %get3A_47 = arith.constant 6 : index
    %get3A_48 = arith.constant 0 : index
    %get3A_49 = arith.constant 0 : index
    %get3A_50 = vector.load %arg2[%get3A_47, %get3A_48, %get3A_49] : memref<32x128x128xf32, #tpu.memory_space<vmem>>, vector<1x128x128xf32>
    %get3A_51 = vector.shape_cast %get3A_50 : vector<1x128x128xf32> to vector<128x128xf32>
    %add3A_52 = arith.addf %add3A_46, %get3A_51 : vector<128x128xf32>
    %get3A_53 = arith.constant 7 : index
    %get3A_54 = arith.constant 0 : index
    %get3A_55 = arith.constant 0 : index
    %get3A_56 = vector.load %arg2[%get3A_53, %get3A_54, %get3A_55] : memref<32x128x128xf32, #tpu.memory_space<vmem>>, vector<1x128x128xf32>
    %get3A_57 = vector.shape_cast %get3A_56 : vector<1x128x128xf32> to vector<128x128xf32>
    %add3A_58 = arith.addf %add3A_52, %get3A_57 : vector<128x128xf32>
    %get3A_59 = arith.constant 8 : index
    %get3A_60 = arith.constant 0 : index
    %get3A_61 = arith.constant 0 : index
    %get3A_62 = vector.load %arg2[%get3A_59, %get3A_60, %get3A_61] : memref<32x128x128xf32, #tpu.memory_space<vmem>>, vector<1x128x128xf32>
    %get3A_63 = vector.shape_cast %get3A_62 : vector<1x128x128xf32> to vector<128x128xf32>
    %add3A_64 = arith.addf %add3A_58, %get3A_63 : vector<128x128xf32>
    %get3A_65 = arith.constant 9 : index
    %get3A_66 = arith.constant 0 : index
    %get3A_67 = arith.constant 0 : index
    %get3A_68 = vector.load %arg2[%get3A_65, %get3A_66, %get3A_67] : memref<32x128x128xf32, #tpu.memory_space<vmem>>, vector<1x128x128xf32>
    %get3A_69 = vector.shape_cast %get3A_68 : vector<1x128x128xf32> to vector<128x128xf32>
    %add3A_70 = arith.addf %add3A_64, %get3A_69 : vector<128x128xf32>
    %get3A_71 = arith.constant 10 : index
    %get3A_72 = arith.constant 0 : index
    %get3A_73 = arith.constant 0 : index
    %get3A_74 = vector.load %arg2[%get3A_71, %get3A_72, %get3A_73] : memref<32x128x128xf32, #tpu.memory_space<vmem>>, vector<1x128x128xf32>
    %get3A_75 = vector.shape_cast %get3A_74 : vector<1x128x128xf32> to vector<128x128xf32>
    %add3A_76 = arith.addf %add3A_70, %get3A_75 : vector<128x128xf32>
    %get3A_77 = arith.constant 11 : index
    %get3A_78 = arith.constant 0 : index
    %get3A_79 = arith.constant 0 : index
    %get3A_80 = vector.load %arg2[%get3A_77, %get3A_78, %get3A_79] : memref<32x128x128xf32, #tpu.memory_space<vmem>>, vector<1x128x128xf32>
    %get3A_81 = vector.shape_cast %get3A_80 : vector<1x128x128xf32> to vector<128x128xf32>
    %add3A_82 = arith.addf %add3A_76, %get3A_81 : vector<128x128xf32>
    %get3A_83 = arith.constant 12 : index
    %get3A_84 = arith.constant 0 : index
    %get3A_85 = arith.constant 0 : index
    %get3A_86 = vector.load %arg2[%get3A_83, %get3A_84, %get3A_85] : memref<32x128x128xf32, #tpu.memory_space<vmem>>, vector<1x128x128xf32>
    %get3A_87 = vector.shape_cast %get3A_86 : vector<1x128x128xf32> to vector<128x128xf32>
    %add3A_88 = arith.addf %add3A_82, %get3A_87 : vector<128x128xf32>
    %get3A_89 = arith.constant 13 : index
    %get3A_90 = arith.constant 0 : index
    %get3A_91 = arith.constant 0 : index
    %get3A_92 = vector.load %arg2[%get3A_89, %get3A_90, %get3A_91] : memref<32x128x128xf32, #tpu.memory_space<vmem>>, vector<1x128x128xf32>
    %get3A_93 = vector.shape_cast %get3A_92 : vector<1x128x128xf32> to vector<128x128xf32>
    %add3A_94 = arith.addf %add3A_88, %get3A_93 : vector<128x128xf32>
    %get3A_95 = arith.constant 14 : index
    %get3A_96 = arith.constant 0 : index
    %get3A_97 = arith.constant 0 : index
    %get3A_98 = vector.load %arg2[%get3A_95, %get3A_96, %get3A_97] : memref<32x128x128xf32, #tpu.memory_space<vmem>>, vector<1x128x128xf32>
    %get3A_99 = vector.shape_cast %get3A_98 : vector<1x128x128xf32> to vector<128x128xf32>
    %add3A_100 = arith.addf %add3A_94, %get3A_99 : vector<128x128xf32>
    %get3A_101 = arith.constant 15 : index
    %get3A_102 = arith.constant 0 : index
    %get3A_103 = arith.constant 0 : index
    %get3A_104 = vector.load %arg2[%get3A_101, %get3A_102, %get3A_103] : memref<32x128x128xf32, #tpu.memory_space<vmem>>, vector<1x128x128xf32>
    %get3A_105 = vector.shape_cast %get3A_104 : vector<1x128x128xf32> to vector<128x128xf32>
    %add3A_106 = arith.addf %add3A_100, %get3A_105 : vector<128x128xf32>
    %get3A_107 = arith.constant 16 : index
    %get3A_108 = arith.constant 0 : index
    %get3A_109 = arith.constant 0 : index
    %get3A_110 = vector.load %arg2[%get3A_107, %get3A_108, %get3A_109] : memref<32x128x128xf32, #tpu.memory_space<vmem>>, vector<1x128x128xf32>
    %get3A_111 = vector.shape_cast %get3A_110 : vector<1x128x128xf32> to vector<128x128xf32>
    %add3A_112 = arith.addf %add3A_106, %get3A_111 : vector<128x128xf32>
    %get3A_113 = arith.constant 17 : index
    %get3A_114 = arith.constant 0 : index
    %get3A_115 = arith.constant 0 : index
    %get3A_116 = vector.load %arg2[%get3A_113, %get3A_114, %get3A_115] : memref<32x128x128xf32, #tpu.memory_space<vmem>>, vector<1x128x128xf32>
    %get3A_117 = vector.shape_cast %get3A_116 : vector<1x128x128xf32> to vector<128x128xf32>
    %add3A_118 = arith.addf %add3A_112, %get3A_117 : vector<128x128xf32>
    %get3A_119 = arith.constant 18 : index
    %get3A_120 = arith.constant 0 : index
    %get3A_121 = arith.constant 0 : index
    %get3A_122 = vector.load %arg2[%get3A_119, %get3A_120, %get3A_121] : memref<32x128x128xf32, #tpu.memory_space<vmem>>, vector<1x128x128xf32>
    %get3A_123 = vector.shape_cast %get3A_122 : vector<1x128x128xf32> to vector<128x128xf32>
    %add3A_124 = arith.addf %add3A_118, %get3A_123 : vector<128x128xf32>
    %get3A_125 = arith.constant 19 : index
    %get3A_126 = arith.constant 0 : index
    %get3A_127 = arith.constant 0 : index
    %get3A_128 = vector.load %arg2[%get3A_125, %get3A_126, %get3A_127] : memref<32x128x128xf32, #tpu.memory_space<vmem>>, vector<1x128x128xf32>
    %get3A_129 = vector.shape_cast %get3A_128 : vector<1x128x128xf32> to vector<128x128xf32>
    %add3A_130 = arith.addf %add3A_124, %get3A_129 : vector<128x128xf32>
    %get3A_131 = arith.constant 20 : index
    %get3A_132 = arith.constant 0 : index
    %get3A_133 = arith.constant 0 : index
    %get3A_134 = vector.load %arg2[%get3A_131, %get3A_132, %get3A_133] : memref<32x128x128xf32, #tpu.memory_space<vmem>>, vector<1x128x128xf32>
    %get3A_135 = vector.shape_cast %get3A_134 : vector<1x128x128xf32> to vector<128x128xf32>
    %add3A_136 = arith.addf %add3A_130, %get3A_135 : vector<128x128xf32>
    %get3A_137 = arith.constant 21 : index
    %get3A_138 = arith.constant 0 : index
    %get3A_139 = arith.constant 0 : index
    %get3A_140 = vector.load %arg2[%get3A_137, %get3A_138, %get3A_139] : memref<32x128x128xf32, #tpu.memory_space<vmem>>, vector<1x128x128xf32>
    %get3A_141 = vector.shape_cast %get3A_140 : vector<1x128x128xf32> to vector<128x128xf32>
    %add3A_142 = arith.addf %add3A_136, %get3A_141 : vector<128x128xf32>
    %get3A_143 = arith.constant 22 : index
    %get3A_144 = arith.constant 0 : index
    %get3A_145 = arith.constant 0 : index
    %get3A_146 = vector.load %arg2[%get3A_143, %get3A_144, %get3A_145] : memref<32x128x128xf32, #tpu.memory_space<vmem>>, vector<1x128x128xf32>
    %get3A_147 = vector.shape_cast %get3A_146 : vector<1x128x128xf32> to vector<128x128xf32>
    %add3A_148 = arith.addf %add3A_142, %get3A_147 : vector<128x128xf32>
    %get3A_149 = arith.constant 23 : index
    %get3A_150 = arith.constant 0 : index
    %get3A_151 = arith.constant 0 : index
    %get3A_152 = vector.load %arg2[%get3A_149, %get3A_150, %get3A_151] : memref<32x128x128xf32, #tpu.memory_space<vmem>>, vector<1x128x128xf32>
    %get3A_153 = vector.shape_cast %get3A_152 : vector<1x128x128xf32> to vector<128x128xf32>
    %add3A_154 = arith.addf %add3A_148, %get3A_153 : vector<128x128xf32>
    %get3A_155 = arith.constant 24 : index
    %get3A_156 = arith.constant 0 : index
    %get3A_157 = arith.constant 0 : index
    %get3A_158 = vector.load %arg2[%get3A_155, %get3A_156, %get3A_157] : memref<32x128x128xf32, #tpu.memory_space<vmem>>, vector<1x128x128xf32>
    %get3A_159 = vector.shape_cast %get3A_158 : vector<1x128x128xf32> to vector<128x128xf32>
    %add3A_160 = arith.addf %add3A_154, %get3A_159 : vector<128x128xf32>
    %get3A_161 = arith.constant 25 : index
    %get3A_162 = arith.constant 0 : index
    %get3A_163 = arith.constant 0 : index
    %get3A_164 = vector.load %arg2[%get3A_161, %get3A_162, %get3A_163] : memref<32x128x128xf32, #tpu.memory_space<vmem>>, vector<1x128x128xf32>
    %get3A_165 = vector.shape_cast %get3A_164 : vector<1x128x128xf32> to vector<128x128xf32>
    %add3A_166 = arith.addf %add3A_160, %get3A_165 : vector<128x128xf32>
    %get3A_167 = arith.constant 26 : index
    %get3A_168 = arith.constant 0 : index
    %get3A_169 = arith.constant 0 : index
    %get3A_170 = vector.load %arg2[%get3A_167, %get3A_168, %get3A_169] : memref<32x128x128xf32, #tpu.memory_space<vmem>>, vector<1x128x128xf32>
    %get3A_171 = vector.shape_cast %get3A_170 : vector<1x128x128xf32> to vector<128x128xf32>
    %add3A_172 = arith.addf %add3A_166, %get3A_171 : vector<128x128xf32>
    %get3A_173 = arith.constant 27 : index
    %get3A_174 = arith.constant 0 : index
    %get3A_175 = arith.constant 0 : index
    %get3A_176 = vector.load %arg2[%get3A_173, %get3A_174, %get3A_175] : memref<32x128x128xf32, #tpu.memory_space<vmem>>, vector<1x128x128xf32>
    %get3A_177 = vector.shape_cast %get3A_176 : vector<1x128x128xf32> to vector<128x128xf32>
    %add3A_178 = arith.addf %add3A_172, %get3A_177 : vector<128x128xf32>
    %get3A_179 = arith.constant 28 : index
    %get3A_180 = arith.constant 0 : index
    %get3A_181 = arith.constant 0 : index
    %get3A_182 = vector.load %arg2[%get3A_179, %get3A_180, %get3A_181] : memref<32x128x128xf32, #tpu.memory_space<vmem>>, vector<1x128x128xf32>
    %get3A_183 = vector.shape_cast %get3A_182 : vector<1x128x128xf32> to vector<128x128xf32>
    %add3A_184 = arith.addf %add3A_178, %get3A_183 : vector<128x128xf32>
    %get3A_185 = arith.constant 29 : index
    %get3A_186 = arith.constant 0 : index
    %get3A_187 = arith.constant 0 : index
    %get3A_188 = vector.load %arg2[%get3A_185, %get3A_186, %get3A_187] : memref<32x128x128xf32, #tpu.memory_space<vmem>>, vector<1x128x128xf32>
    %get3A_189 = vector.shape_cast %get3A_188 : vector<1x128x128xf32> to vector<128x128xf32>
    %add3A_190 = arith.addf %add3A_184, %get3A_189 : vector<128x128xf32>
    %get3A_191 = arith.constant 30 : index
    %get3A_192 = arith.constant 0 : index
    %get3A_193 = arith.constant 0 : index
    %get3A_194 = vector.load %arg2[%get3A_191, %get3A_192, %get3A_193] : memref<32x128x128xf32, #tpu.memory_space<vmem>>, vector<1x128x128xf32>
    %get3A_195 = vector.shape_cast %get3A_194 : vector<1x128x128xf32> to vector<128x128xf32>
    %add3A_196 = arith.addf %add3A_190, %get3A_195 : vector<128x128xf32>
    %get3A_197 = arith.constant 31 : index
    %get3A_198 = arith.constant 0 : index
    %get3A_199 = arith.constant 0 : index
    %get3A_200 = vector.load %arg2[%get3A_197, %get3A_198, %get3A_199] : memref<32x128x128xf32, #tpu.memory_space<vmem>>, vector<1x128x128xf32>
    %get3A_201 = vector.shape_cast %get3A_200 : vector<1x128x128xf32> to vector<128x128xf32>
    %add3A_202 = arith.addf %add3A_196, %get3A_201 : vector<128x128xf32>
    %slice3A = vector.extract_strided_slice %dot_general3A_11 {offsets = [0, 0], sizes = [128, 128], strides = [1, 1]} : vector<1024x128xf32> to vector<128x128xf32>
    %add3A_203 = arith.addf %add3A_202, %slice3A : vector<128x128xf32>
    %swap3A = arith.constant 0 : index
    %swap3A_204 = arith.constant 0 : index
    %swap3A_205 = vector.load %arg4[%swap3A, %swap3A_204] : memref<1024x128xf32, #tpu.memory_space<vmem>>, vector<128x128xf32>
    tpu.vector_store %arg4[%swap3A, %swap3A_204], %add3A_203 {strides = array<i32>} : memref<1024x128xf32, #tpu.memory_space<vmem>>, vector<128x128xf32>,
    %get3A_206 = arith.constant 0 : index
    %get3A_207 = arith.constant 0 : index
    %get3A_208 = vector.load %arg3[%get3A_206, %get3A_207] : memref<896x128xf32, #tpu.memory_space<vmem>>, vector<896x128xf32>
    %slice3A_209 = vector.extract_strided_slice %dot_general3A_11 {offsets = [128, 0], sizes = [896, 128], strides = [1, 1]} : vector<1024x128xf32> to vector<896x128xf32>
    %add3A_210 = arith.addf %get3A_208, %slice3A_209 : vector<896x128xf32>
    %swap3A_211 = arith.constant 128 : index
    %swap3A_212 = arith.constant 0 : index
    %swap3A_213 = vector.load %arg4[%swap3A_211, %swap3A_212] : memref<1024x128xf32, #tpu.memory_space<vmem>>, vector<896x128xf32>
    tpu.vector_store %arg4[%swap3A_211, %swap3A_212], %add3A_210 {strides = array<i32>} : memref<1024x128xf32, #tpu.memory_space<vmem>>, vector<896x128xf32>,
    return
  }
}

</mosaic_0001>

<sc_bundles>
// kernel: kernel.6.cloned.1.call-start
scs
__scs_entry_jumppad:
0x0: {  	(pc) =	sbr.rel $0x88, $3  }
0x1: {  	(tag) =	ssettag $0x0;
	lr =	simm.s32 $0x1  }
0x2: {  	[smem:$0x3F9F] =	sst lr;
	_ =	strace $0xD0000000  }
0x3: {  	_ = 	snop  }
0x4: {  	_ = 	snop  }
0x5: {  	_ = 	snop  }
0x6: {  	_ = 	snop  }
0x7: {  	_ = 	snop  }
__scs_overlays_trampoline_lowered:
0x8: {  	[smem:$0x3FAE] =	sst s0  }
0x9: {  	[smem:$0x3FAF] =	sst s1  }
0xa: {  	[smem:$0x3FB0] =	sst s2  }
0xb: {  	[smem:$0x3FB1] =	sst s3  }
0xc: {  	[smem:$0x3FB2] =	sst s4  }
0xd: {  	[smem:$0x3FB3] =	sst s5  }
0xe: {  	[smem:$0x3FB4] =	sst s6  }
0xf: {  	[smem:$0x3FB5] =	sst s7  }
0x10: {  	[smem:$0x3FB6] =	sst s8  }
0x11: {  	[smem:$0x3FB7] =	sst s9;
	s0 =	simm.s32 @!p0 $0x0  }
0x12: {  	s1 =	sld [smem:$0x3F9D];
	s0 =	simm.s32 @p0 $0x1  }
0x13: {  	[smem:$0x3FB8] =	sst s0;
	s0 =	simm.s32 @!p1 $0x0  }
0x14: {  	s2 =	sld [smem:$0x3F9C];
	s0 =	simm.s32 @p1 $0x1  }
0x15: {  	[smem:$0x3FB9] =	sst s0;
	s0 =	simm.s32 @!p2 $0x0  }
0x16: {  	s3 =	sld [smem:$0x3FDB];
	s0 =	simm.s32 @p2 $0x1  }
0x17: {  	s4 =	simm.s32 $0x1BF5;
	[smem:$0x3FBB] =	sst s0  }
0x18: {  	s0 =	sld [smem:$0x3F9E];
	_ =	swait.ge [sflag:s4], $0x0  }
0x19: {  	s7 =	sld [smem:$0x3F9F]  }
0x1a: {  	s8 =	sadd.s32 $0xFFFFE003, lr  }
0x1b: {  	s9 =	sadd.s32 $0xFFFFFEF7, lr;
	s5 =	simm.s32 $0xFFFFFFFF;
	p2 =	slt.u32 s8, $0xFFFFF086  }
0x1c: {  	p1 =	slt.u32 s9, $0xF7A;
	s5 =	simm.s32 @!p2 $0x0  }
0x1d: {  	s5 =	simm.s32 @p1 $0x1;
	p0 =	seq.s32 s7, s2  }
0x1e: {  	s7 =	smul.u32 @!p0 $0xF7A, s2;
	p2 =	seq.s32 @!p0 s5, $0x0  }
0x1f: {  	s9 =	smul.u32 $0xF7A, s1;
	s8 =	simm.s32 @!p0 $0x1BF5;
	p2 =	por !p2, p0  }
0x20: {  	[sflag:s8] =	ssyncset.s32 @!p0 $0xFFFFF086;
	s6 =	sadd.s32 @!p0 s3, s7;
	s7 =	simm.s32 @!p0 $0x108  }
0x21: {  	s3 =	sadd.s32 s3, s9;
	s6 =	sadd.s32 @!p0 $0x88, s6;
	s7 =	simm.s32 @p2 $0x1082  }
0x22: {  	[simem:s7], [sflag:s8] =	dma.local @!p0 [hbm:s6], $0xF7A  }
0x23: {  	s9 =	sor.u32 $0xD0000000, s2;
	s6 =	simm.s32 $0x108;
	_ =	swait.ge @!p0 [sflag:s8], $0x0  }
0x24: {  	s3 =	sadd.s32 $0x88, s3;
	s6 =	simm.s32 @!p1 $0x1082;
	[sflag:s4] =	ssyncset.s32 $0xFFFFF086  }
0x25: {  	[simem:s6], [sflag:s4] =	dma.local [hbm:s3], $0xF7A  }
0x26: {  	[smem:$0x3F9F] =	sst s1;
	(tag) =	ssettag s2;
	_ =	strace s9  }
0x27: {  	s1 =	sld [smem:$0x3FAF]  }
0x28: {  	s2 =	sld [smem:$0x3FB0]  }
0x29: {  	s4 =	sld [smem:$0x3FB2]  }
0x2a: {  	p0 =	seq.s32 s5, $0x0;
	s5 =	sld [smem:$0x3FB3]  }
0x2b: {  	s6 =	sld [smem:$0x3FB4]  }
0x2c: {  	s7 =	sld [smem:$0x3FB5]  }
0x2d: {  	s3 =	simm.s32 $0x108;
	s8 =	sld [smem:$0x3FB6]  }
0x2e: {  	s3 =	simm.s32 @!p0 $0x1082;
	s9 =	sld [smem:$0x3FB7]  }
0x2f: {  	lr =	sadd.s32 s0, s3;
	s0 =	sld [smem:$0x3FAE]  }
0x30: {  	s3 =	sld [smem:$0x3FB1]  }
0x31: {  	[smem:$0x3FBA] =	sst s10  }
0x32: {  	s10 =	sld [smem:$0x3FB8];
	_ =	sdelay $0x3  }
0x33: {  	p0 =	seq.s32 s10, $0x1;
	s10 =	sld [smem:$0x3FBA];
	_ =	sdelay $0x3  }
0x34: {  	[smem:$0x3FBA] =	sst s10  }
0x35: {  	s10 =	sld [smem:$0x3FB9];
	_ =	sdelay $0x3  }
0x36: {  	p1 =	seq.s32 s10, $0x1;
	s10 =	sld [smem:$0x3FBA];
	_ =	sdelay $0x3  }
0x37: {  	[smem:$0x3FBA] =	sst s10  }
0x38: {  	s10 =	sld [smem:$0x3FBB]  }
0x39: {  	_ = 	snop;
	(pc) =	sbr.ind lr, $3  }
0x3a: {  	_ = 	snop  }
0x3b: {  	_ = 	snop  }
0x3c: {  	p2 =	seq.s32 s10, $0x1;
	s10 =	sld [smem:$0x3FBA]  }
0x3d: {  	_ =	shalt  }
0x3e: {  	_ =	shalt  }
0x3f: {  	_ =	shalt  }
0x40: {  	_ =	shalt  }
0x41: {  	_ =	shalt  }
0x42: {  	_ =	shalt  }
0x43: {  	_ =	shalt  }
0x44: {  	_ =	shalt  }
0x45: {  	_ =	shalt  }
0x46: {  	_ =	shalt  }
0x47: {  	_ =	shalt  }
0x48: {  	_ =	shalt  }
0x49: {  	_ =	shalt  }
0x4a: {  	_ =	shalt  }
0x4b: {  	_ =	shalt  }
0x4c: {  	_ =	shalt  }
0x4d: {  	_ =	shalt  }
0x4e: {  	_ =	shalt  }
0x4f: {  	_ =	shalt  }
0x50: {  	_ =	shalt  }
0x51: {  	_ =	shalt  }
0x52: {  	_ =	shalt  }
0x53: {  	_ =	shalt  }
0x54: {  	_ =	shalt  }
0x55: {  	_ =	shalt  }
0x56: {  	_ =	shalt  }
0x57: {  	_ =	shalt  }
0x58: {  	_ =	shalt  }
0x59: {  	_ =	shalt  }
0x5a: {  	_ =	shalt  }
0x5b: {  	_ =	shalt  }
0x5c: {  	_ =	shalt  }
0x5d: {  	_ =	shalt  }
0x5e: {  	_ =	shalt  }
0x5f: {  	_ =	shalt  }
0x60: {  	_ =	shalt  }
0x61: {  	_ =	shalt  }
0x62: {  	_ =	shalt  }
0x63: {  	_ =	shalt  }
0x64: {  	_ =	shalt  }
0x65: {  	_ =	shalt  }
0x66: {  	_ =	shalt  }
0x67: {  	_ =	shalt  }
0x68: {  	_ =	shalt  }
0x69: {  	_ =	shalt  }
0x6a: {  	_ =	shalt  }
0x6b: {  	_ =	shalt  }
0x6c: {  	_ =	shalt  }
0x6d: {  	_ =	shalt  }
0x6e: {  	_ =	shalt  }
0x6f: {  	_ =	shalt  }
0x70: {  	_ =	shalt  }
0x71: {  	_ =	shalt  }
0x72: {  	_ =	shalt  }
0x73: {  	_ =	shalt  }
0x74: {  	_ =	shalt  }
0x75: {  	_ =	shalt  }
0x76: {  	_ =	shalt  }
0x77: {  	_ =	shalt  }
0x78: {  	_ =	shalt  }
0x79: {  	_ =	shalt  }
0x7a: {  	_ =	shalt  }
0x7b: {  	_ =	shalt  }
0x7c: {  	_ =	shalt  }
0x7d: {  	_ =	shalt  }
0x7e: {  	_ =	shalt  }
0x7f: {  	_ =	shalt  }
0x80: {  	_ =	shalt  }
0x81: {  	_ =	shalt  }
0x82: {  	_ =	shalt  }
0x83: {  	_ =	shalt  }
0x84: {  	_ =	shalt  }
0x85: {  	_ =	shalt  }
0x86: {  	_ =	shalt  }
0x87: {  	_ =	shalt  }
.Lfunc_end0:
.L_simem_size_0:
called_computation_lowered:
.L_overlay_start_0:
0x88: {  	s2 =	sld [smem:$0x3FD9]  }
0x89: {  	s3 =	sld [smem:$0x3FFE];
	_ =	sdelay $0x1  }
0x8a: {  	s1 =	srdreg.scid  }
0x8b: {  	s0 =	sand.u32 $0x1, s1  }
0x8c: {  	s17 =	sshll.u32 s0, $0xA;
	s2 =	sadd.s32 s3, s2  }
0x8d: {  	s2 =	sadd.s32 s2, s17  }
0x8e: {  	[smem:$0x3FC6] =	sst s2  }
0x8f: {  	_ = 	snop  }
0x90: {  	s2 =	sld [smem:$0x3FD0];
	(tm) =	ssettm $0x1  }
0x91: {  	s18 =	sld [smem:$0x3FFB];
	_ =	sdelay $0x3  }
0x92: {  	_ =	strace s18  }
0x93: {  	s3 =	sld [smem:$0x3FFC];
	_ =	sdelay $0x3  }
0x94: {  	_ =	strace s3  }
0x95: {  	s3 =	sld [smem:$0x3FFD];
	_ =	sdelay $0x3  }
0x96: {  	_ =	strace s3  }
0x97: {  	_ =	strace $0x8FFFFFFF  }
0x98: {  	s19 =	sld [smem:$0x3FDB];
	_ =	sdelay $0x1  }
0x99: {  	s4 =	simm.s32 $_scs_section_size  }
0x9a: {  	s5 =	simm.s32 $_size__tile_overlayer_lowered;
	s6 =	simm.s32 $_tile_overlayer_lowered  }
0x9b: {  	s22 =	simm.s32 $0x1BFF;
	s21 =	sshll.u32 s6, $0x1;
	s3 =	sadd.s32 s4, s19  }
0x9c: {  	s7 =	simm.s32 $0x0;
	s20 =	sshll.u32 s5, $0x1;
	s5 =	sadd.s32 s21, s3  }
0x9d: {  	[timem:s7], [sflag:s22] =	dma.local [hbm:s5], s20  }
0x9e: {  	_ =	swait.ge [sflag:s22], s20  }
0x9f: {  	s4 =	ssub.s32 $0x0, s20;
	[sflag:s22] =	ssyncset.done $0x0  }
0xa0: {  	[sflag:s22] =	ssyncadd.s32 s4;
	_ =	sdelay $0x1  }
0xa1: {  	s23 =	simm.s32 $0x1B8B  }
0xa2: {  	_ =	swait.ge [sflag:s23], $0x1  }
0xa3: {  	[sflag:s23] =	ssyncset.done $0x0  }
0xa4: {  	s25 =	simm.s32 $0x1B8E;
	s24 =	sld [smem:$0x3FFE];
	[sflag:s23] =	ssyncadd.s32 $0xFFFFFFFF  }
0xa5: {  	s26 =	simm.s32 $execute0_lowered;
	[smem:$0x3FD2] =	sst s25  }
0xa6: {  	s5 =	sshll.u32 s26, $0x1;
	_ =	strace $0x80000046;
	[dreg:$0x1] =	wrdreg $0xFFFFFFFF  }
0xa7: {  	s28 =	simm.s32 $_size_execute0_lowered;
	s3 =	sadd.s32 s3, s5;
	[dreg:$0x0] =	wrdreg $0x0  }
0xa8: {  	s5 =	sshll.u32 s28, $0x1;
	[dreg:$0x2] =	wrdreg s3  }
0xa9: {  	[dreg:$0x3] =	wrdreg s5  }
0xaa: {  	[dreg:$0x4] =	wrdreg $0xC0  }
0xab: {  	_ =	task [dreg:s7], $0x5FFFF  }
0xac: {  	[dreg:$0x1] =	wrdreg $0xFFFFFFFF  }
0xad: {  	[dreg:$0x0] =	wrdreg $0x60  }
0xae: {  	[dreg:$0x2] =	wrdreg s24  }
0xaf: {  	[dreg:$0x3] =	wrdreg s2  }
0xb0: {  	[dreg:$0x4] =	wrdreg $0x9  }
0xb1: {  	_ =	task.clear_ibuf [dreg:s7], $0x5FFFF;
	_ =	strace $0x90000046  }
0xb2: {  	s29 =	simm.s32 $0x9;
	_ =	strace $0x80000048  }
0xb3: {  	_ =	swait.ge [sflag:s29], $0x1  }
0xb4: {  	[sflag:s29] =	ssyncadd.s32 $0xFFFFFFFF  }
0xb5: {  	_ =	strace $0x90000048  }
0xb6: {  	_ =	sfence  }
0xb7: {  	s30 =	sld [smem:$0x0];
	_ =	sdelay $0x2  }
0xb8: {  	s31 =	sshll.u32 s1, $0xD;
	s1 =	sshrl.u32 s1, $0x2  }
0xb9: {  	s3 =	sand.u32 $0x4000, s31;
	s1 =	sadd.s32 s1, s30  }
0xba: {  	s0 =	sor.u32 s3, s0;
	s1 =	sshll.u32 s1, $0x11  }
0xbb: {  	s0 =	sor.u32 s1, s0  }
0xbc: {  	s0 =	sadd.s32 $0x8F2B, s0  }
0xbd: {  	[sflag:s0] =	ssyncadd.remote.s32 $0x1  }
0xbe: {  	_ =	sfence.sel $0xFFFF  }
0xbf: {  	[dreg:$0x0] =	wrdreg $0xFFFFFFFF;
	(pc) =	sbr.abs _section_cstart, $3  }
0xc0: {  	[dreg:$0x1] =	wrdreg $0xFFFFFFFF  }
0xc1: {  	_ =	task.clear_ibuf [dreg:s7], $0x2FFFF;
	_ =	strace $0x9FFFFFFF  }
0xc2: {  	(tm) =	ssettm $0x7FFFFFFF  }
0xc3: {  	_ =	shalt  }
tec
execute0_lowered:
.L_overlay_start_1:
0x0: {  	(tag) =	ssettag $0x1  }
0x1: {  	s0 =	rddreg [dreg:$0x0]  }
0x2: {  	s1 =	rddreg [dreg:$0x1]  }
0x3: {  	s2 =	srdreg.scid;
	s14 =	stileid.u32;
	s17 =	simm.s32 $0x5  }
0x4: {  	s7 =	sand.u32 $0x1, s2;
	s2 =	simm.s32 $0x0;
	s9 =	sadd.s32 $0x1800, s0  }
0x5: {  	s10 =	sshll.u32 s14, $0xA;
	s30 =	sand.u32 $0x1, s14;
	s3 =	sshll.u32 s7, $0x4  }
0x6: {  	[smem:$0x7FF] =	sst s2;
	s5 =	ssub.s32 $0x2, s7;
	s7 =	sshll.u32 s7, $0xE  }
0x7: {  	s8 =	sor.u32 s14, s3;
	_ =	strace $0x80000047;
	s25 =	sshrl.u32 s5, $0x1  }
0x8: {  	s10 =	sor.u32 s10, s7;
	s3 =	sshll.u32 s8, $0x6;
	s24 =	sshll.u32 s8, $0xB  }
0x9: {  	s13 =	ssub.s32 s5, s25;
	s26 =	smul.u32 $0x2200, s8;
	s11 =	sshll.u32 s8, $0xA  }
0xa: {  	s12 =	smul.u32 $0x11000, s8;
	s25 =	simm.s32 $0x0;
	s4 =	sand.u32 $0x780, s3  }
0xb: {  	s11 =	sand.u32 $0x7800, s11;
	s13 =	smax.u32 s13, $0x1;
	s6 =	sadd.s32 s4, s0  }
0xc: {  	s0 =	sadd.s32 s24, s0;
	s4 =	sadd.s32 s1, s4;
	s8 =	sadd.s32 s9, s26  }
0xd: {  	s28 =	ssub.s32 s10, s11;
	s29 =	sshrl.u32 s12, $0x3;
	s11 =	sshll.u32 s30, $0xB  }
0xe: {  	s24 =	simm.s32 $0x13800;
	s3 =	sadd.s32 $0x1000, s6;
	s1 =	sshll.u32 s28, $0x2  }
0xf: {  	s5 =	sadd.s32 $0x800, s4;
	s12 =	sadd.s32 s9, s29;
	s1 =	sand.u32 $0xFFFFE000, s1  }
0x10: {  	s6 =	sadd.s32 $0x1000, s4;
	s9 =	sadd.s32 $0x880, s12;
	s1 =	sor.u32 s11, s1  }
0x11: {  	s10 =	sadd.s32 $0x1100, s12;
	s11 =	sadd.s32 $0x1980, s12;
	s31 =	sadd.s32 $0x4000, s1  }
0x12: {  	s12 =	sadd.s32 $0x45800, s0;
	s1 =	sshra.s32 s1, $0x2;
	s0 =	sshra.s32 s31, $0x2  }
0x13: {  	v0 =	vimm.f32 $0.0e+00;
	s7 =	sadd.s32 $0x1800, s4;
	s14 =	sadd.s32 $0x11000, s1;
	s15 =	sadd.s32 $0x11800, s0  }
.LBB2_1:
0x14: {  	s0 =	simm.s32 $0x11000  }
0x15: {  	[tilespmem:s0], [sflag:$0x5] =	stream.linear.gather [hbm4b:s3+s2], $0x400, $0x38;
	[tilespmem:$0x17800] =	vst v63  }
0x16: {  	_ =	swait.ge [sflag:s17], $0x400  }
0x17: {  	[sflag:s17] =	ssyncset.done $0x0  }
0x18: {  	s28 =	simm.s32 $0x11800;
	[sflag:s17] =	ssyncadd.s32 $0xFFFFFC00  }
0x19: {  	[tilespmem:s28], [sflag:$0x5] =	stream.linear.gather [hbm4b:s4+s2], $0x400, $0x38;
	[tilespmem:$0x17800] =	vst v63  }
0x1a: {  	_ =	swait.ge [sflag:s17], $0x400  }
0x1b: {  	[sflag:s17] =	ssyncset.done $0x0  }
0x1c: {  	s29 =	simm.s32 $0x12000;
	[sflag:s17] =	ssyncadd.s32 $0xFFFFFC00  }
0x1d: {  	[tilespmem:s29], [sflag:$0x5] =	stream.linear.gather [hbm4b:s5+s2], $0x400, $0x38;
	[tilespmem:$0x17800] =	vst v63  }
0x1e: {  	_ =	swait.ge [sflag:s17], $0x400  }
0x1f: {  	[sflag:s17] =	ssyncset.done $0x0  }
0x20: {  	s30 =	simm.s32 $0x12800;
	[sflag:s17] =	ssyncadd.s32 $0xFFFFFC00  }
0x21: {  	[tilespmem:s30], [sflag:$0x5] =	stream.linear.gather [hbm4b:s6+s2], $0x400, $0x38;
	[tilespmem:$0x17800] =	vst v63  }
0x22: {  	_ =	swait.ge [sflag:s17], $0x400  }
0x23: {  	[sflag:s17] =	ssyncset.done $0x0  }
0x24: {  	s31 =	simm.s32 $0x13000;
	[sflag:s17] =	ssyncadd.s32 $0xFFFFFC00  }
0x25: {  	[tilespmem:s31], [sflag:$0x5] =	stream.linear.gather [hbm4b:s7+s2], $0x400, $0x38;
	[tilespmem:$0x17800] =	vst v63  }
0x26: {  	_ =	swait.ge [sflag:s17], $0x400  }
0x27: {  	[sflag:s17] =	ssyncset.done $0x0  }
0x28: {  	s1 =	simm.s32 $0x200;
	s0 =	simm.s32 $0x0;
	[sflag:s17] =	ssyncadd.s32 $0xFFFFFC00  }
.LBB2_2:
0x29: {  	p0 =	sne.s32 s1, $0xFE00;
	[tilespmem:s0+$0x13870] =	vst v0  }
0x2a: {  	[tilespmem:s0+$0x13800] =	vst v0  }
0x2b: {  	[tilespmem:s0+$0x13810] =	vst v0  }
.Ltmp0:
0x2c: {  	[tilespmem:s0+$0x13820] =	vst v0;
	(pc) =	sbr.rel @p0 .LBB2_2-.Ltmp0, $4  }
0x2d: {  	[tilespmem:s0+$0x13830] =	vst v0  }
0x2e: {  	[tilespmem:s0+$0x13840] =	vst v0  }
0x2f: {  	[tilespmem:s0+$0x13850] =	vst v0  }
0x30: {  	[tilespmem:s0+$0x13860] =	vst v0;
	s0 =	sshra.s32 s1, $0x2;
	s1 =	sadd.s32 $0x200, s1  }
0x31: {  	[tilespmem:s0+$0x13870] =	vst v0  }
0x32: {  	[tilespmem:s0+$0x13800] =	vst v0  }
0x33: {  	[tilespmem:s0+$0x13810] =	vst v0  }
0x34: {  	[tilespmem:s0+$0x13820] =	vst v0  }
0x35: {  	[tilespmem:s0+$0x13830] =	vst v0  }
0x36: {  	[tilespmem:s0+$0x13840] =	vst v0  }
0x37: {  	[tilespmem:s0+$0x13850] =	vst v0  }
0x38: {  	[tilespmem:s0+$0x13860] =	vst v0;
	s26 =	simm.s32 $0x0  }
0x39: {  	[tilespmem:s26], [sflag:$0x1] =	stream.linear.gather [hbm4b:s8+s26], $0x4400, $0x38;
	[tilespmem:$0x17800] =	vst v63  }
0x3a: {  	s30 =	simm.s32 $0x4400  }
0x3b: {  	[tilespmem:s30], [sflag:$0x2] =	stream.linear.gather [hbm4b:s9+s26], $0x4400, $0x38;
	[tilespmem:$0x17800] =	vst v63  }
0x3c: {  	s31 =	simm.s32 $0x8800;
	s28 =	smov.u32 s15;
	s29 =	smov.u32 s14  }
0x3d: {  	[tilespmem:s31], [sflag:$0x3] =	stream.linear.gather [hbm4b:s10+s26], $0x4400, $0x38;
	[tilespmem:$0x17800] =	vst v63  }
.LBB2_4:
0x3e: {  	p0 =	sne.s32 s26, $0x0;
	s16 =	smul.u32 $0x88, s26  }
0x3f: {  	s26 =	sadd.s32 $0x1, s26;
	s0 =	simm.s32 @!p0 $0x0;
	s1 =	simm.s32 @!p0 $0xCC00  }
0x40: {  	[tilespmem:s1], [sflag:$0x4] =	stream.linear.gather @!p0 [hbm4b:s11+s0], $0x4400, $0x38;
	[tilespmem:$0x17800] =	vst v63  }
0x41: {  	_ =	swait.ge [sflag:s26], $0x4400  }
0x42: {  	[sflag:s26] =	ssyncset.done $0x0  }
0x43: {  	[sflag:s26] =	ssyncadd.s32 $0xFFFFBC00  }
0x44: {  	v1 =	vld [tilespmem:s29+$0x0];
	_ =	sdelay $0x4  }
0x45: {  	(v2sf) =	vpush v1, $0x0;
	_ =	sdelay $0xe  }
0x46: {  	s22 =	spop (v2sf)  }
0x47: {  	s0 =	sadd.s32 s16, s22  }
0x48: {  	v2 =	vld.msk [tilespmem:s28+$0xFFFFF000 ss:$0x0], $0xffff;
	s0 =	sshll.u32 s0, $0x9  }
0x49: {  	v4 =	vld.msk [tilespmem:s28+$0xFFFFF800 ss:$0x0], $0xffff;
	s31 =	sshra.s32 s0, $0x2  }
0x4a: {  	v5 =	vld [tilespmem:s31+$0x0]  }
0x4b: {  	v6 =	vld [tilespmem:s31+$0x80]  }
0x4c: {  	v3 =	vld.msk [tilespmem:s28+$0x0 ss:$0x0], $0xffff  }
0x4d: {  	v7 =	vld [tilespmem:s31+$0x100]  }
0x4e: {  	v1 =	vld.msk [tilespmem:s28+$0x800 ss:$0x0], $0xffff  }
0x4f: {  	v8 =	vld [tilespmem:s31+$0x180]  }
0x50: {  	v5 =	vmul.f32 v5, v2;
	v6 =	vmul.f32 v6, v4;
	_ =	sdelay $0x1  }
0x51: {  	v5 =	vadd.f32 v6, v5;
	v6 =	vmul.f32 v7, v3;
	_ =	sdelay $0x1  }
0x52: {  	v5 =	vadd.f32 v6, v5;
	v6 =	vmul.f32 v8, v1;
	_ =	sdelay $0x1  }
0x53: {  	s18 =	sadd.s32 $0x1, s29;
	v5 =	vadd.f32 v6, v5  }
0x54: {  	s30 =	simm.s32 $0x0;
	v6 =	vld [tilespmem:s18+$0x0]  }
0x55: {  	[tilespmem:s30+$0x13800] =	vst.add.f32.msk $0xffff, v5  }
0x56: {  	v5 =	vld [tilespmem:s31+$0x10]  }
0x57: {  	v7 =	vld [tilespmem:s31+$0x90];
	_ =	sdelay $0x1  }
0x58: {  	v8 =	vld [tilespmem:s31+$0x110];
	_ =	sdelay $0x1  }
0x59: {  	v9 =	vld [tilespmem:s31+$0x190]  }
0x5a: {  	(v2sf) =	vpush v6, $0x0;
	v5 =	vmul.f32 v5, v2;
	v7 =	vmul.f32 v7, v4;
	_ =	sdelay $0x1  }
0x5b: {  	v6 =	vmul.f32 v8, v3;
	v5 =	vadd.f32 v7, v5;
	_ =	sdelay $0x1  }
0x5c: {  	v5 =	vadd.f32 v6, v5;
	v6 =	vmul.f32 v9, v1;
	_ =	sdelay $0x1  }
0x5d: {  	v5 =	vadd.f32 v6, v5;
	_ =	sdelay $0x1  }
0x5e: {  	[tilespmem:s30+$0x13810] =	vst.add.f32.msk $0xffff, v5  }
0x5f: {  	v6 =	vld [tilespmem:s31+$0x20]  }
0x60: {  	v7 =	vld [tilespmem:s31+$0xA0];
	_ =	sdelay $0x1  }
0x61: {  	v9 =	vld [tilespmem:s31+$0x120];
	_ =	sdelay $0x1  }
0x62: {  	s20 =	sadd.s32 $0x1, s28;
	v10 =	vld [tilespmem:s31+$0x1A0]  }
0x63: {  	v8 =	vld.msk [tilespmem:s20+$0xFFFFF000 ss:$0x0], $0xffff;
	s23 =	spop (v2sf);
	v11 =	vmul.f32 v6, v2;
	v7 =	vmul.f32 v7, v4  }
0x64: {  	v5 =	vld.msk [tilespmem:s20+$0x800 ss:$0x0], $0xffff;
	s0 =	sadd.s32 s16, s23  }
0x65: {  	v6 =	vld.msk [tilespmem:s20+$0x0 ss:$0x0], $0xffff;
	s0 =	sshll.u32 s0, $0x9;
	v9 =	vmul.f32 v9, v3;
	v11 =	vadd.f32 v7, v11  }
0x66: {  	s0 =	sshra.s32 s0, $0x2;
	v7 =	vld.msk [tilespmem:s20+$0xFFFFF800 ss:$0x0], $0xffff  }
0x67: {  	v10 =	vmul.f32 v10, v1;
	v12 =	vld [tilespmem:s0+$0x80];
	v9 =	vadd.f32 v9, v11  }
0x68: {  	v11 =	vld [tilespmem:s0+$0x0]  }
0x69: {  	v13 =	vld [tilespmem:s0+$0x180];
	v9 =	vadd.f32 v10, v9  }
0x6a: {  	v10 =	vld [tilespmem:s0+$0x100]  }
0x6b: {  	[tilespmem:s30+$0x13820] =	vst.add.f32.msk $0xffff, v9  }
0x6c: {  	v9 =	vld [tilespmem:s31+$0x30]  }
0x6d: {  	v12 =	vmul.f32 v12, v7;
	v11 =	vmul.f32 v11, v8;
	v14 =	vld [tilespmem:s31+$0xB0];
	_ =	sdelay $0x1  }
0x6e: {  	v15 =	vld [tilespmem:s31+$0x130];
	v11 =	vadd.f32 v12, v11;
	v10 =	vmul.f32 v10, v6;
	_ =	sdelay $0x1  }
0x6f: {  	v12 =	vld [tilespmem:s31+$0x1B0];
	v10 =	vadd.f32 v10, v11;
	v11 =	vmul.f32 v13, v5  }
0x70: {  	v9 =	vmul.f32 v9, v2;
	v13 =	vmul.f32 v14, v4  }
0x71: {  	s19 =	sadd.s32 $0x1, s18;
	v10 =	vadd.f32 v11, v10  }
0x72: {  	s1 =	simm.s32 $0x80;
	v17 =	vld [tilespmem:s19+$0x0];
	v11 =	vmul.f32 v15, v3;
	v9 =	vadd.f32 v13, v9  }
0x73: {  	[tilespmem:s1+$0x13800] =	vst.add.f32.msk $0xffff, v10  }
0x74: {  	v10 =	vmul.f32 v12, v1;
	v9 =	vadd.f32 v11, v9;
	v11 =	vld [tilespmem:s0+$0x10]  }
0x75: {  	v12 =	vld [tilespmem:s0+$0x90]  }
0x76: {  	v13 =	vld [tilespmem:s0+$0x190];
	v9 =	vadd.f32 v10, v9  }
0x77: {  	v10 =	vld [tilespmem:s0+$0x110]  }
0x78: {  	[tilespmem:s30+$0x13830] =	vst.add.f32.msk $0xffff, v9  }
0x79: {  	v9 =	vld [tilespmem:s31+$0x40]  }
0x7a: {  	v14 =	vld [tilespmem:s31+$0xC0];
	v11 =	vmul.f32 v11, v8;
	v12 =	vmul.f32 v12, v7  }
0x7b: {  	(v2sf) =	vpush v17, $0x0  }
0x7c: {  	v11 =	vadd.f32 v12, v11;
	v10 =	vmul.f32 v10, v6;
	v12 =	vld [tilespmem:s31+$0x140];
	_ =	sdelay $0x1  }
0x7d: {  	v15 =	vld [tilespmem:s31+$0x1C0];
	v10 =	vadd.f32 v10, v11;
	v11 =	vmul.f32 v13, v5  }
0x7e: {  	s18 =	sadd.s32 $0x1, s20;
	v13 =	vmul.f32 v9, v2;
	v14 =	vmul.f32 v14, v4  }
0x7f: {  	v9 =	vld.msk [tilespmem:s18+$0x800 ss:$0x0], $0xffff;
	v11 =	vadd.f32 v11, v10  }
0x80: {  	v10 =	vld.msk [tilespmem:s18+$0x0 ss:$0x0], $0xffff;
	v14 =	vadd.f32 v14, v13;
	v12 =	vmul.f32 v12, v3  }
0x81: {  	[tilespmem:s1+$0x13810] =	vst.add.f32.msk $0xffff, v11  }
0x82: {  	v13 =	vld [tilespmem:s0+$0x1A0];
	v11 =	vadd.f32 v12, v14;
	v12 =	vmul.f32 v15, v1  }
0x83: {  	v15 =	vld [tilespmem:s0+$0x20]  }
0x84: {  	v16 =	vld [tilespmem:s0+$0xA0];
	v11 =	vadd.f32 v12, v11  }
0x85: {  	v14 =	vld [tilespmem:s0+$0x120]  }
0x86: {  	s21 =	simm.s32 $0x600;
	s20 =	simm.s32 $0x400;
	[tilespmem:s30+$0x13840] =	vst.add.f32.msk $0xffff, v11  }
.LBB2_5:
0x87: {  	p0 =	sne.s32 s21, $0xFE00;
	v12 =	vld [tilespmem:s31+$0x50]  }
0x88: {  	v17 =	vld [tilespmem:s31+$0xD0]  }
0x89: {  	v15 =	vmul.f32 v15, v8;
	v11 =	vld.msk [tilespmem:s18+$0xFFFFF000 ss:$0x0], $0xffff;
	s22 =	spop (v2sf);
	v16 =	vmul.f32 v16, v7  }
0x8a: {  	s22 =	sadd.s32 s16, s22;
	v18 =	vld [tilespmem:s31+$0x150]  }
0x8b: {  	v14 =	vmul.f32 v14, v6;
	v19 =	vld.msk [tilespmem:s18+$0xFFFFF800 ss:$0x0], $0xffff;
	s22 =	sshll.u32 s22, $0x9;
	v15 =	vadd.f32 v16, v15  }
0x8c: {  	v13 =	vmul.f32 v13, v5;
	s22 =	sshra.s32 s22, $0x2;
	v16 =	vld [tilespmem:s31+$0x1D0]  }
0x8d: {  	v12 =	vmul.f32 v12, v2;
	v20 =	vld [tilespmem:s22+$0x180];
	v14 =	vadd.f32 v14, v15;
	v15 =	vmul.f32 v17, v4  }
0x8e: {  	v17 =	vld [tilespmem:s22+$0x0]  }
0x8f: {  	v21 =	vld [tilespmem:s22+$0x80];
	v13 =	vadd.f32 v13, v14;
	v12 =	vadd.f32 v15, v12;
	v14 =	vmul.f32 v18, v3  }
0x90: {  	v15 =	vld [tilespmem:s22+$0x100]  }
0x91: {  	[tilespmem:s1+$0x13820] =	vst.add.f32.msk $0xffff, v13;
	v12 =	vadd.f32 v14, v12;
	v13 =	vmul.f32 v16, v1  }
0x92: {  	v14 =	vld [tilespmem:s0+$0x130]  }
0x93: {  	v16 =	vld [tilespmem:s0+$0x30];
	v12 =	vadd.f32 v13, v12  }
0x94: {  	v13 =	vmul.f32 v17, v11;
	v17 =	vmul.f32 v21, v19;
	v18 =	vld [tilespmem:s0+$0xB0]  }
0x95: {  	[tilespmem:s30+$0x13850] =	vst.add.f32.msk $0xffff, v12  }
0x96: {  	v12 =	vadd.f32 v17, v13;
	v13 =	vmul.f32 v15, v10;
	v15 =	vld [tilespmem:s31+$0x60]  }
0x97: {  	v17 =	vld [tilespmem:s31+$0xE0]  }
0x98: {  	v12 =	vadd.f32 v13, v12;
	v13 =	vmul.f32 v20, v9;
	v20 =	vld [tilespmem:s0+$0x1B0]  }
0x99: {  	s19 =	sadd.s32 $0x1, s19;
	v16 =	vmul.f32 v16, v8;
	v18 =	vmul.f32 v18, v7;
	v21 =	vld [tilespmem:s31+$0x160]  }
0x9a: {  	v22 =	vld [tilespmem:s19+$0x0];
	v12 =	vadd.f32 v13, v12  }
0x9b: {  	s23 =	sshra.s32 s20, $0x2;
	s20 =	smov.u32 s21;
	v14 =	vmul.f32 v14, v6;
	v13 =	vadd.f32 v18, v16;
	v16 =	vld [tilespmem:s31+$0x1E0]  }
0x9c: {  	[tilespmem:s23+$0x13800] =	vst.add.f32.msk $0xffff, v12;
	v12 =	vmul.f32 v15, v2;
	v15 =	vmul.f32 v17, v4  }
0x9d: {  	v17 =	vld [tilespmem:s22+$0x190];
	v13 =	vadd.f32 v14, v13;
	v14 =	vmul.f32 v20, v5  }
0x9e: {  	v18 =	vld [tilespmem:s22+$0x110];
	v12 =	vadd.f32 v15, v12;
	v15 =	vmul.f32 v21, v3  }
0x9f: {  	v20 =	vld [tilespmem:s22+$0x10];
	v13 =	vadd.f32 v14, v13  }
0xa0: {  	v14 =	vld [tilespmem:s22+$0x90];
	v12 =	vadd.f32 v15, v12;
	v15 =	vmul.f32 v16, v1  }
0xa1: {  	[tilespmem:s1+$0x13830] =	vst.add.f32.msk $0xffff, v13  }
0xa2: {  	v13 =	vld [tilespmem:s0+$0x40];
	v12 =	vadd.f32 v15, v12  }
0xa3: {  	v15 =	vld [tilespmem:s0+$0xC0]  }
0xa4: {  	[tilespmem:s30+$0x13860] =	vst.add.f32.msk $0xffff, v12  }
0xa5: {  	v12 =	vmul.f32 v20, v11;
	v14 =	vmul.f32 v14, v19;
	v16 =	vld [tilespmem:s31+$0x70]  }
0xa6: {  	v20 =	vld [tilespmem:s31+$0xF0]  }
0xa7: {  	(v2sf) =	vpush v22, $0x0;
	v12 =	vadd.f32 v14, v12;
	v14 =	vmul.f32 v18, v10;
	v18 =	vld [tilespmem:s0+$0x140]  }
0xa8: {  	v21 =	vld [tilespmem:s31+$0x170]  }
0xa9: {  	v12 =	vadd.f32 v14, v12;
	v14 =	vmul.f32 v17, v9;
	v17 =	vld [tilespmem:s0+$0x1C0]  }
0xaa: {  	s18 =	sadd.s32 $0x1, s18;
	v13 =	vmul.f32 v13, v8;
	v15 =	vmul.f32 v15, v7;
	v22 =	vld [tilespmem:s31+$0x1F0];
	s31 =	smov.u32 s0;
	s0 =	smov.u32 s22  }
0xab: {  	v23 =	vld.msk [tilespmem:s18+$0x800 ss:$0x0], $0xffff;
	v12 =	vadd.f32 v14, v12;
	v14 =	vmul.f32 v16, v2;
	v16 =	vmul.f32 v20, v4;
	v2 =	vmovc v8  }
0xac: {  	v15 =	vadd.f32 v15, v13;
	v8 =	vmovc v11;
	v4 =	vmovc v7;
	v7 =	vmov v19;
	v20 =	vld.msk [tilespmem:s18+$0x0 ss:$0x0], $0xffff;
	v18 =	vmul.f32 v18, v6  }
0xad: {  	[tilespmem:s23+$0x13810] =	vst.add.f32.msk $0xffff, v12;
	v11 =	vadd.f32 v16, v14;
	v12 =	vmul.f32 v21, v3;
	v3 =	vmovc v6;
	v6 =	vmov v10  }
0xae: {  	v13 =	vld [tilespmem:s0+$0x1A0];
	v10 =	vadd.f32 v18, v15;
	v16 =	vmul.f32 v17, v5  }
.Ltmp1:
0xaf: {  	v14 =	vld [tilespmem:s0+$0x120];
	v11 =	vadd.f32 v12, v11;
	v12 =	vmul.f32 v22, v1;
	v1 =	vmovc v5;
	v5 =	vmov v9;
	(pc) =	sbr.rel @p0 .LBB2_5-.Ltmp1, $4  }
0xb0: {  	v15 =	vld [tilespmem:s0+$0x20];
	v17 =	vadd.f32 v16, v10  }
0xb1: {  	v9 =	vmov v23;
	v16 =	vld [tilespmem:s0+$0xA0];
	v11 =	vadd.f32 v12, v11  }
0xb2: {  	[tilespmem:s1+$0x13840] =	vst.add.f32.msk $0xffff, v17;
	v10 =	vmov v20  }
0xb3: {  	s21 =	sadd.s32 $0x200, s21;
	[tilespmem:s30+$0x13870] =	vst.add.f32.msk $0xffff, v11;
	s30 =	smov.u32 s1;
	s1 =	smov.u32 s23  }
0xb4: {  	_ =	sdelay $0x1  }
0xb5: {  	s19 =	spop (v2sf)  }
0xb6: {  	s16 =	sadd.s32 s16, s19  }
0xb7: {  	v11 =	vld.msk [tilespmem:s18+$0xFFFFF000 ss:$0x0], $0xffff;
	s16 =	sshll.u32 s16, $0x9  }
0xb8: {  	v12 =	vld.msk [tilespmem:s18+$0xFFFFF800 ss:$0x0], $0xffff;
	s22 =	sshra.s32 s16, $0x2  }
0xb9: {  	v17 =	vld [tilespmem:s22+$0x0]  }
0xba: {  	v18 =	vld [tilespmem:s22+$0x80];
	_ =	sdelay $0x1  }
0xbb: {  	v19 =	vld [tilespmem:s22+$0x100];
	_ =	sdelay $0x1  }
0xbc: {  	v20 =	vld [tilespmem:s22+$0x180]  }
0xbd: {  	v17 =	vmul.f32 v17, v11;
	v18 =	vmul.f32 v18, v12;
	_ =	sdelay $0x1  }
0xbe: {  	v57 =	vmul.f32 v19, v10;
	v17 =	vadd.f32 v18, v17;
	_ =	sdelay $0x1  }
0xbf: {  	v58 =	vmul.f32 v20, v9;
	v17 =	vadd.f32 v57, v17;
	_ =	sdelay $0x1  }
0xc0: {  	v17 =	vadd.f32 v58, v17  }
0xc1: {  	s23 =	sshra.s32 s20, $0x2  }
0xc2: {  	[tilespmem:s23+$0x13800] =	vst.add.f32.msk $0xffff, v17  }
0xc3: {  	v17 =	vld [tilespmem:s22+$0x10]  }
0xc4: {  	v59 =	vld [tilespmem:s22+$0x90];
	_ =	sdelay $0x1  }
0xc5: {  	v60 =	vld [tilespmem:s22+$0x110];
	_ =	sdelay $0x1  }
0xc6: {  	v61 =	vld [tilespmem:s22+$0x190]  }
0xc7: {  	v17 =	vmul.f32 v17, v11;
	v18 =	vmul.f32 v59, v12;
	_ =	sdelay $0x1  }
0xc8: {  	v62 =	vmul.f32 v60, v10;
	v17 =	vadd.f32 v18, v17;
	_ =	sdelay $0x1  }
0xc9: {  	v63 =	vmul.f32 v61, v9;
	v17 =	vadd.f32 v62, v17;
	_ =	sdelay $0x1  }
0xca: {  	v17 =	vadd.f32 v63, v17;
	_ =	sdelay $0x1  }
0xcb: {  	v15 =	vmul.f32 v15, v8;
	v16 =	vmul.f32 v16, v7;
	[tilespmem:s23+$0x13810] =	vst.add.f32.msk $0xffff, v17  }
0xcc: {  	v17 =	vld [tilespmem:s22+$0x20]  }
0xcd: {  	v14 =	vmul.f32 v14, v6;
	v15 =	vadd.f32 v16, v15;
	v21 =	vld [tilespmem:s22+$0xA0];
	_ =	sdelay $0x1  }
0xce: {  	v13 =	vmul.f32 v13, v5;
	v14 =	vadd.f32 v14, v15;
	v22 =	vld [tilespmem:s22+$0x120];
	_ =	sdelay $0x1  }
0xcf: {  	v13 =	vadd.f32 v13, v14;
	v23 =	vld [tilespmem:s22+$0x1A0]  }
0xd0: {  	v17 =	vmul.f32 v17, v11;
	v18 =	vmul.f32 v21, v12  }
0xd1: {  	[tilespmem:s1+$0x13820] =	vst.add.f32.msk $0xffff, v13  }
0xd2: {  	v13 =	vld [tilespmem:s0+$0x30];
	v16 =	vmul.f32 v22, v10;
	v24 =	vadd.f32 v18, v17  }
0xd3: {  	v25 =	vld [tilespmem:s0+$0xB0]  }
0xd4: {  	v15 =	vmul.f32 v23, v9;
	v14 =	vadd.f32 v16, v24  }
0xd5: {  	v26 =	vld [tilespmem:s0+$0x130]  }
0xd6: {  	v14 =	vadd.f32 v15, v14  }
0xd7: {  	v27 =	vld [tilespmem:s0+$0x1B0]  }
0xd8: {  	v13 =	vmul.f32 v13, v8;
	v16 =	vmul.f32 v25, v7;
	[tilespmem:s23+$0x13820] =	vst.add.f32.msk $0xffff, v14  }
0xd9: {  	v14 =	vld [tilespmem:s22+$0x30]  }
0xda: {  	v29 =	vmul.f32 v26, v6;
	v13 =	vadd.f32 v16, v13;
	v28 =	vld [tilespmem:s22+$0xB0];
	_ =	sdelay $0x1  }
0xdb: {  	v15 =	vmul.f32 v27, v5;
	v13 =	vadd.f32 v29, v13;
	v30 =	vld [tilespmem:s22+$0x130];
	_ =	sdelay $0x1  }
0xdc: {  	v31 =	vld [tilespmem:s22+$0x1B0];
	v13 =	vadd.f32 v15, v13  }
0xdd: {  	v14 =	vmul.f32 v14, v11;
	v18 =	vmul.f32 v28, v12  }
0xde: {  	[tilespmem:s1+$0x13830] =	vst.add.f32.msk $0xffff, v13  }
0xdf: {  	v13 =	vld [tilespmem:s0+$0x40];
	v32 =	vmul.f32 v30, v10;
	v14 =	vadd.f32 v18, v14  }
0xe0: {  	v34 =	vld [tilespmem:s0+$0xC0]  }
0xe1: {  	v33 =	vmul.f32 v31, v9;
	v14 =	vadd.f32 v32, v14  }
0xe2: {  	v35 =	vld [tilespmem:s0+$0x140]  }
0xe3: {  	v14 =	vadd.f32 v33, v14  }
0xe4: {  	v36 =	vld [tilespmem:s0+$0x1C0]  }
0xe5: {  	v13 =	vmul.f32 v13, v8;
	v16 =	vmul.f32 v34, v7;
	[tilespmem:s23+$0x13830] =	vst.add.f32.msk $0xffff, v14  }
0xe6: {  	v14 =	vld [tilespmem:s22+$0x40]  }
0xe7: {  	v38 =	vmul.f32 v35, v6;
	v13 =	vadd.f32 v16, v13;
	v37 =	vld [tilespmem:s22+$0xC0]  }
0xe8: {  	v40 =	vld [tilespmem:s31+$0x50]  }
0xe9: {  	v15 =	vmul.f32 v36, v5;
	v13 =	vadd.f32 v38, v13;
	v39 =	vld [tilespmem:s22+$0x140]  }
0xea: {  	v42 =	vld [tilespmem:s31+$0xD0]  }
0xeb: {  	v41 =	vld [tilespmem:s22+$0x1C0];
	v13 =	vadd.f32 v15, v13  }
0xec: {  	v21 =	vld [tilespmem:s31+$0x150];
	v14 =	vmul.f32 v14, v11;
	v18 =	vmul.f32 v37, v12  }
0xed: {  	[tilespmem:s1+$0x13840] =	vst.add.f32.msk $0xffff, v13  }
0xee: {  	v13 =	vld [tilespmem:s0+$0x50];
	v17 =	vmul.f32 v39, v10;
	v14 =	vadd.f32 v18, v14  }
0xef: {  	v46 =	vld [tilespmem:s0+$0xD0]  }
0xf0: {  	v43 =	vld [tilespmem:s31+$0x1D0];
	v16 =	vmul.f32 v41, v9;
	v14 =	vadd.f32 v17, v14  }
0xf1: {  	v44 =	vmul.f32 v40, v2;
	v45 =	vmul.f32 v42, v4;
	v47 =	vld [tilespmem:s0+$0x150]  }
0xf2: {  	v14 =	vadd.f32 v16, v14  }
0xf3: {  	v48 =	vadd.f32 v45, v44;
	v49 =	vmul.f32 v21, v3;
	v50 =	vld [tilespmem:s0+$0x1D0]  }
0xf4: {  	v13 =	vmul.f32 v13, v8;
	v54 =	vmul.f32 v46, v7;
	[tilespmem:s23+$0x13840] =	vst.add.f32.msk $0xffff, v14  }
0xf5: {  	v51 =	vadd.f32 v49, v48;
	v15 =	vmul.f32 v43, v1;
	v52 =	vld [tilespmem:s22+$0x50]  }
0xf6: {  	v56 =	vmul.f32 v47, v6;
	v13 =	vadd.f32 v54, v13;
	v53 =	vld [tilespmem:s22+$0xD0]  }
0xf7: {  	v14 =	vadd.f32 v15, v51;
	v55 =	vld [tilespmem:s22+$0x150]  }
0xf8: {  	v57 =	vmul.f32 v50, v5;
	v13 =	vadd.f32 v56, v13;
	v58 =	vld [tilespmem:s22+$0x1D0]  }
0xf9: {  	[tilespmem:s30+$0x13850] =	vst.add.f32.msk $0xffff, v14  }
0xfa: {  	v13 =	vadd.f32 v57, v13;
	v59 =	vld [tilespmem:s31+$0x60]  }
0xfb: {  	v62 =	vld [tilespmem:s31+$0xE0];
	v60 =	vmul.f32 v52, v11;
	v61 =	vmul.f32 v53, v12  }
0xfc: {  	[tilespmem:s1+$0x13850] =	vst.add.f32.msk $0xffff, v13  }
0xfd: {  	v27 =	vld [tilespmem:s0+$0x60];
	v23 =	vmul.f32 v55, v10;
	v14 =	vadd.f32 v61, v60  }
0xfe: {  	v28 =	vld [tilespmem:s0+$0xE0]  }
0xff: {  	v63 =	vld [tilespmem:s31+$0x160];
	v26 =	vmul.f32 v58, v9;
	v25 =	vadd.f32 v23, v14  }
0x100: {  	v30 =	vld [tilespmem:s0+$0x160]  }
0x101: {  	v24 =	vld [tilespmem:s31+$0x1E0];
	v13 =	vadd.f32 v26, v25  }
0x102: {  	v36 =	vld [tilespmem:s0+$0x1E0];
	v29 =	vmul.f32 v59, v2;
	v17 =	vmul.f32 v62, v4  }
0x103: {  	v15 =	vmul.f32 v27, v8;
	v18 =	vmul.f32 v28, v7;
	[tilespmem:s23+$0x13850] =	vst.add.f32.msk $0xffff, v13  }
0x104: {  	v32 =	vmul.f32 v63, v3;
	v31 =	vadd.f32 v17, v29;
	v33 =	vld [tilespmem:s22+$0x60]  }
0x105: {  	v39 =	vmul.f32 v30, v6;
	v38 =	vadd.f32 v18, v15;
	v34 =	vld [tilespmem:s22+$0xE0]  }
0x106: {  	v35 =	vmul.f32 v24, v1;
	v13 =	vadd.f32 v32, v31  }
0x107: {  	v44 =	vmul.f32 v36, v5;
	v14 =	vadd.f32 v39, v38;
	v37 =	vld [tilespmem:s22+$0x160]  }
0x108: {  	v13 =	vadd.f32 v35, v13  }
0x109: {  	v40 =	vld [tilespmem:s22+$0x1E0];
	v14 =	vadd.f32 v44, v14  }
0x10a: {  	[tilespmem:s30+$0x13860] =	vst.add.f32.msk $0xffff, v13;
	v41 =	vmul.f32 v33, v11;
	v42 =	vmul.f32 v34, v12  }
0x10b: {  	[tilespmem:s1+$0x13860] =	vst.add.f32.msk $0xffff, v14  }
0x10c: {  	v43 =	vld [tilespmem:s31+$0x70];
	v46 =	vmul.f32 v37, v10;
	v13 =	vadd.f32 v42, v41  }
0x10d: {  	v45 =	vld [tilespmem:s31+$0xF0]  }
0x10e: {  	v47 =	vld [tilespmem:s31+$0x170];
	v49 =	vmul.f32 v40, v9;
	v13 =	vadd.f32 v46, v13  }
0x10f: {  	v48 =	vld [tilespmem:s31+$0x1F0]  }
0x110: {  	v14 =	vld [tilespmem:s0+$0x70];
	v13 =	vadd.f32 v49, v13  }
0x111: {  	v50 =	vld [tilespmem:s0+$0xF0]  }
0x112: {  	[tilespmem:s23+$0x13860] =	vst.add.f32.msk $0xffff, v13  }
0x113: {  	v13 =	vld [tilespmem:s22+$0x70]  }
0x114: {  	v51 =	vld [tilespmem:s22+$0xF0]  }
0x115: {  	v52 =	vld [tilespmem:s0+$0x170]  }
0x116: {  	v2 =	vmul.f32 v43, v2;
	v53 =	vmul.f32 v45, v4;
	v54 =	vld [tilespmem:s22+$0x170]  }
0x117: {  	v55 =	vld [tilespmem:s0+$0x1F0];
	v3 =	vmul.f32 v47, v3  }
0x118: {  	v56 =	vmul.f32 v14, v8;
	v57 =	vmul.f32 v50, v7;
	v2 =	vadd.f32 v53, v2;
	v58 =	vld [tilespmem:s22+$0x1F0]  }
0x119: {  	v11 =	vmul.f32 v13, v11;
	v12 =	vmul.f32 v51, v12  }
0x11a: {  	v59 =	vmul.f32 v52, v6;
	v2 =	vadd.f32 v3, v2;
	v3 =	vadd.f32 v57, v56  }
0x11b: {  	v1 =	vmul.f32 v48, v1;
	v61 =	vmul.f32 v54, v10;
	v60 =	vadd.f32 v12, v11  }
0x11c: {  	p0 =	sne.s32 s26, $0x4;
	v62 =	vmul.f32 v55, v5;
	v3 =	vadd.f32 v59, v3  }
.Ltmp2:
0x11d: {  	v1 =	vadd.f32 v1, v2;
	v63 =	vmul.f32 v58, v9;
	v2 =	vadd.f32 v61, v60;
	(pc) =	sbr.rel @p0 .LBB2_4-.Ltmp2, $4  }
0x11e: {  	v3 =	vadd.f32 v62, v3  }
0x11f: {  	[tilespmem:s30+$0x13870] =	vst.add.f32.msk $0xffff, v1;
	v1 =	vadd.f32 v63, v2  }
0x120: {  	[tilespmem:s1+$0x13870] =	vst.add.f32.msk $0xffff, v3  }
0x121: {  	s29 =	sadd.s32 $0x80, s29;
	s28 =	sadd.s32 $0x80, s28;
	[tilespmem:s23+$0x13870] =	vst.add.f32.msk $0xffff, v1  }
0x122: {  	s25 =	sadd.s32 $0x1, s25  }
0x123: {  	p0 =	sne.s32 s25, s13  }
.Ltmp3:
0x124: {  	_ = 	snop;
	(pc) =	sbr.rel @p0 .LBB2_1-.Ltmp3, $4  }
0x125: {  	[hbm4b:s12+s2] =	stream.linear.scatter [tilespmem:s24], [sflag:$0x5], $0x4000, $0x38;
	[tilespmem:$0x17800] =	vst v63  }
0x126: {  	_ =	swait.ge [sflag:s17], $0x4000  }
0x127: {  	[sflag:s17] =	ssyncset.done $0x0  }
0x128: {  	[sflag:s17] =	ssyncadd.s32 $0xFFFFC000  }
0x129: {  	_ =	sfence.sel $0x180000  }
0x12a: {  	[bflag:$0x0] =	sbarrier.arrive $0xFFFF  }
0x12b: {  	_ =	strace $0x90000047  }
0x12c: {  	s0 =	stileid.u32;
	[bflag:$0x2] =	sbarrier.arrive $0xFFFF  }
0x12d: {  	p0 =	sne.s32 s0, $0x0;
	s0 =	rddreg [dreg:$0x2]  }
0x12e: {  	s0 =	sadd.s32 @!p0 $0x100000, s0  }
0x12f: {  	[sflag:s0] =	ssyncadd.tile.s32 @!p0 $0x1;
	_ =	shalt  }
.Lfunc_end2:
_tile_overlayer_lowered:
.L_overlay_start_2:
0x130: {  	(tag) =	ssettag $0x2  }
0x131: {  	s0 =	rddreg [dreg:$0x0];
	s2 =	stileid.u32  }
0x132: {  	s1 =	rddreg [dreg:$0x1];
	p0 =	sne.s32 s2, $0x0  }
0x133: {  	s3 =	rddreg [dreg:$0x2];
	[bflag:$0x3] =	sbarrier.arrive $0xFFFF;
	s2 =	simm.s32 @!p0 $0x1C05  }
0x134: {  	[timem:s3], [sflag:s2] =	dma.local @!p0 [hbm:s0], s1  }
0x135: {  	s0 =	simm.s32 @!p0 $0x5  }
0x136: {  	_ =	swait.ge @!p0 [sflag:s0], s1  }
0x137: {  	s1 =	ssub.s32 @!p0 $0x0, s1;
	[sflag:s0] =	ssyncset.done @!p0 $0x0  }
0x138: {  	[sflag:s0] =	ssyncadd.s32 @!p0 s1  }
0x139: {  	[bflag:$0x3] =	sbarrier.arrive $0xFFFF  }
0x13a: {  	_ =	shalt  }

</sc_bundles>
